<compile_context>
chip_gen: v7x
topology: tpu7x:2x2x1
jax: 0.10.2.dev20260603
libtpu: 0.0.44.dev20260713+nightly
codegen_flags: <defaults>
</compile_context>

<pallas_src>
import functools

import jax
import jax.numpy as jnp
from jax import lax
from jax.experimental import pallas as pl
from jax.experimental.pallas import tpu as pltpu
from jax.experimental.pallas import tpu_sc as plsc

DIM = 128
NSEG = 3
EPS = 1e-5
LANES = 16
NJ = DIM // LANES
NC = 2
NS = 16
NW = NC * NS
C = 128


def _build(B, S, V):
    rows_total = B * S
    rows_per_tile = rows_total // NW
    nchunk = rows_per_tile // C
    chunks_per_seq = S // C
    inv_d = 1.0 / DIM
    niter = (nchunk + 1 + 2) // 3
    klast = niter * 3 - 1

    mesh = plsc.VectorSubcoreMesh(core_axis_name="c", subcore_axis_name="s")

    @functools.partial(
        pl.kernel,
        mesh=mesh,
        out_type=jax.ShapeDtypeStruct((rows_total, DIM), jnp.float32),
        compiler_params=pltpu.CompilerParams(needs_layout_passes=False),
        scratch_types=(
            [pltpu.VMEM((DIM,), jnp.float32)] * 2
            + [pltpu.VMEM((C,), jnp.int32)] * 3
            + [pltpu.VMEM((C,), jnp.int32)] * 3
            + [pltpu.VMEM((C,), jnp.int32)] * 3
            + [pltpu.VMEM((C, DIM), jnp.float32)] * 3
            + [pltpu.VMEM_SHARED((NSEG * S, DIM), jnp.float32)]
            + [pltpu.SemaphoreType.DMA] * 15
        ),
    )
    def sc_kernel(seq_hbm, lab_hbm, tok_hbm, comb_hbm, gamma_hbm, beta_hbm,
                  out_hbm, gamma_v, beta_v, idx0, idx1, idx2, lab0, lab1,
                  lab2, il0, il1, il2, buf0, buf1, buf2, comb_sp, isem0,
                  isem1, isem2,
                  lsem0, lsem1, lsem2, g1s0, g1s1, g1s2, g2s0, g2s1, g2s2,
                  osem0, osem1, osem2):
        wid = lax.axis_index("s") * NC + lax.axis_index("c")
        row_base = wid * rows_per_tile
        lane = lax.iota(jnp.int32, LANES)
        idx = [idx0, idx1, idx2]
        labs = [lab0, lab1, lab2]
        ils = [il0, il1, il2]
        buf = [buf0, buf1, buf2]
        isem = [isem0, isem1, isem2]
        lsem = [lsem0, lsem1, lsem2]
        g1sem = [g1s0, g1s1, g1s2]
        g2sem = [g2s0, g2s1, g2s2]
        osem = [osem0, osem1, osem2]

        @pl.when(lax.axis_index("s") == 0)
        def _stage_comb():
            pltpu.sync_copy(comb_hbm, comb_sp)

        plsc.subcore_barrier()
        pltpu.sync_copy(gamma_hbm, gamma_v)
        pltpu.sync_copy(beta_hbm, beta_v)
        gammas = [gamma_v[pl.ds(j * LANES, LANES)] for j in range(NJ)]
        betas = [beta_v[pl.ds(j * LANES, LANES)] for j in range(NJ)]

        def chunk_base(k):
            return row_base + jnp.minimum(k, nchunk - 1) * C

        def chunk_p0(k):
            return lax.rem(jnp.minimum(k, nchunk - 1), chunks_per_seq) * C

        def ifetch_start(k, slot):
            base = chunk_base(k)
            pltpu.make_async_copy(seq_hbm.at[pl.ds(base, C)], idx[slot],
                                  isem[slot]).start()
            pltpu.make_async_copy(lab_hbm.at[pl.ds(base, C)], labs[slot],
                                  lsem[slot]).start()

        def iwait(slot):
            pltpu.make_async_copy(seq_hbm.at[pl.ds(row_base, C)], idx[slot],
                                  isem[slot]).wait()

        def lwait(slot):
            pltpu.make_async_copy(lab_hbm.at[pl.ds(row_base, C)], labs[slot],
                                  lsem[slot]).wait()

        def build_il(k, slot):
            p0 = chunk_p0(k)
            lab_s = labs[slot]
            il_s = ils[slot]
            for g in range(C // LANES):
                lv = lab_s[pl.ds(g * LANES, LANES)]
                il_s[pl.ds(g * LANES, LANES)] = lv * S + (p0 + g * LANES + lane)

        def g1_start(slot):
            pltpu.make_async_copy(tok_hbm.at[idx[slot]], buf[slot],
                                  g1sem[slot]).start()

        def g1_wait(slot):
            pltpu.make_async_copy(tok_hbm.at[idx[slot]], buf[slot],
                                  g1sem[slot]).wait()

        def g2_start(slot):
            pltpu.make_async_copy(comb_sp.at[ils[slot]], buf[slot],
                                  g2sem[slot]).start(add=True)

        def g2_wait(slot):
            pltpu.make_async_copy(comb_sp.at[ils[slot]], buf[slot],
                                  g2sem[slot]).wait()

        def out_start(k, slot):
            pltpu.make_async_copy(buf[slot], out_hbm.at[pl.ds(chunk_base(k), C)],
                                  osem[slot]).start()

        def out_wait(slot):
            pltpu.make_async_copy(buf[slot], out_hbm.at[pl.ds(row_base, C)],
                                  osem[slot]).wait()

        def compute(slot):
            buf_s = buf[slot]

            @plsc.parallel_loop(0, C, unroll=1)
            def row_body(r):
                s = None
                q = None
                xs = []
                for j in range(NJ):
                    x = buf_s[r, pl.ds(j * LANES, LANES)]
                    xs.append(x)
                    s = x if s is None else s + x
                    q = x * x if q is None else q + x * x
                mean = jnp.full((LANES,), jnp.sum(s), jnp.float32) * inv_d
                var = (jnp.full((LANES,), jnp.sum(q), jnp.float32) * inv_d
                       - mean * mean)
                ve = var + EPS
                seed = jnp.int32(0x5F3759DF) - (plsc.bitcast(ve, jnp.int32) >> 1)
                y = plsc.bitcast(seed, jnp.float32)
                for _ in range(2):
                    y = y * (1.5 - 0.5 * ve * y * y)
                for j in range(NJ):
                    out = (xs[j] - mean) * y * gammas[j] + betas[j]
                    buf_s[r, pl.ds(j * LANES, LANES)] = out

        ifetch_start(0, 0)
        ifetch_start(1, 1)
        ifetch_start(2, 2)
        iwait(0)
        g1_start(0)
        lwait(0)
        build_il(0, 0)
        iwait(1)
        g1_start(1)
        g1_wait(0)
        g2_start(0)

        def body(k3, _):
            for par in range(3):
                k = k3 * 3 + par
                s0 = par
                s1 = (par + 1) % 3
                s2 = (par + 2) % 3

                def wait_buf(s2=s2):
                    out_wait(s2)

                if par == 0:
                    pl.when(k > 0)(wait_buf)
                else:
                    wait_buf()
                iwait(s2)
                g1_start(s2)
                lwait(s1)
                build_il(k + 1, s1)
                g1_wait(s1)
                g2_start(s1)
                g2_wait(s0)
                compute(s0)
                out_start(k, s0)
                ifetch_start(k + 3, s0)
            return 0

        lax.fori_loop(0, niter, body, 0)

        out_wait(klast % 3)
        g2_wait((klast + 1) % 3)
        g1_wait((klast + 2) % 3)
        iwait(klast % 3)
        lwait((klast + 2) % 3)
        lwait(klast % 3)

    return sc_kernel


def kernel(sequence, segment_label, token_table, seg_table, gamma, beta, pe):
    B, S = sequence.shape
    V = token_table.shape[0]
    seq = sequence.reshape(-1).astype(jnp.int32)
    lab = segment_label.reshape(-1).astype(jnp.int32)
    comb = (seg_table[:, None, :] + pe[None, :S, :]).reshape(NSEG * S, DIM)
    out = _build(B, S, V)(seq, lab, token_table, comb, gamma, beta)
    return out.reshape(B, S, DIM)

# --- scband reference (transcript-rebuilt; emitter-appended) ---
"""Pipeline reference for scband-bertembedding-51221779972852 (READ-ONLY COPY).

The authoritative reference and input builder live on the scoring server;
editing this copy changes nothing except your own understanding.
"""

import jax, jax.numpy as jnp
import numpy as np
import math

VOCAB = 100000
DIM = 128
MAXLEN = 512
NSEG = 3
B = 1024
S = 512
EPS = 1e-5


def make_pe():
    pe = np.zeros((MAXLEN, DIM), dtype=np.float32)
    position = np.arange(0, MAXLEN, dtype=np.float32)[:, None]
    div_term = np.exp(np.arange(0, DIM, 2, dtype=np.float32) * -(math.log(10000.0) / DIM))
    pe[:, 0::2] = np.sin(position * div_term)
    pe[:, 1::2] = np.cos(position * div_term)
    return jnp.asarray(pe)


def setup_inputs(seed: int = 0) -> dict:
    key = jax.random.key(seed)
    k1, k2, k3, k4 = jax.random.split(key, 4)
    sequence = jax.random.randint(k1, (B, S), 0, VOCAB)
    segment_label = jax.random.randint(k2, (B, S), 0, NSEG)
    token_table = jax.random.normal(k3, (VOCAB, DIM), dtype=jnp.float32) * 0.02
    token_table = token_table.at[0].set(0.0)  # padding_idx = 0
    seg_table = jax.random.normal(k4, (NSEG, DIM), dtype=jnp.float32) * 0.02
    seg_table = seg_table.at[0].set(0.0)  # seg_pad padding_idx = 0
    gamma = jnp.ones((DIM,), dtype=jnp.float32)
    beta = jnp.zeros((DIM,), dtype=jnp.float32)
    pe = make_pe()
    return {
        "sequence": sequence,
        "segment_label": segment_label,
        "token_table": token_table,
        "seg_table": seg_table,
        "gamma": gamma,
        "beta": beta,
        "pe": pe,
    }


def reference(sequence, segment_label, token_table, seg_table, gamma, beta, pe):
    # token embedding lookup (SparseCore gather)
    tok = jnp.take(token_table, sequence, axis=0)          # (B, S, DIM)
    seg = jnp.take(seg_table, segment_label, axis=0)       # (B, S, DIM)
    pos = pe[None, :sequence.shape[1], :]                  # (1, S, DIM)
    x = tok + pos + seg
    # LayerNorm over last dim
    mean = jnp.mean(x, axis=-1, keepdims=True)
    var = jnp.mean((x - mean) ** 2, axis=-1, keepdims=True)
    x = (x - mean) / jnp.sqrt(var + EPS)
    x = x * gamma + beta
    # Dropout is identity in eval mode
    return x

if __name__ == "__main__":
    import jax
    _d = setup_inputs()
    print(jax.jit(kernel)(*tuple(_d.values())))

</pallas_src>

<mosaic_0001>
#map = affine_map<(d0, d1) -> (0)>
#map1 = affine_map<(d0, d1) -> (0, 0)>
module attributes {stable_mosaic.version = 14 : i64} {
  func.func @sc_kernel(%arg0: i32, %arg1: i32, %arg2: memref<524288xi32, #tpu.memory_space<hbm>>, %arg3: memref<524288xi32, #tpu.memory_space<hbm>>, %arg4: memref<100000x128xf32, #tpu.memory_space<hbm>>, %arg5: memref<1536x128xf32, #tpu.memory_space<hbm>>, %arg6: memref<128xf32, #tpu.memory_space<hbm>>, %arg7: memref<128xf32, #tpu.memory_space<hbm>>, %arg8: memref<524288x128xf32, #tpu.memory_space<hbm>>, %arg9: memref<128xf32, #tpu.memory_space<vmem>>, %arg10: memref<128xf32, #tpu.memory_space<vmem>>, %arg11: memref<128xi32, #tpu.memory_space<vmem>>, %arg12: memref<128xi32, #tpu.memory_space<vmem>>, %arg13: memref<128xi32, #tpu.memory_space<vmem>>, %arg14: memref<128xi32, #tpu.memory_space<vmem>>, %arg15: memref<128xi32, #tpu.memory_space<vmem>>, %arg16: memref<128xi32, #tpu.memory_space<vmem>>, %arg17: memref<128xi32, #tpu.memory_space<vmem>>, %arg18: memref<128xi32, #tpu.memory_space<vmem>>, %arg19: memref<128xi32, #tpu.memory_space<vmem>>, %arg20: memref<128x128xf32, #tpu.memory_space<vmem>>, %arg21: memref<128x128xf32, #tpu.memory_space<vmem>>, %arg22: memref<128x128xf32, #tpu.memory_space<vmem>>, %arg23: memref<1536x128xf32, #tpu.memory_space<vmem_shared>>, %arg24: memref<!tpu.dma_semaphore, #tpu.memory_space<semaphore_mem>>, %arg25: memref<!tpu.dma_semaphore, #tpu.memory_space<semaphore_mem>>, %arg26: memref<!tpu.dma_semaphore, #tpu.memory_space<semaphore_mem>>, %arg27: memref<!tpu.dma_semaphore, #tpu.memory_space<semaphore_mem>>, %arg28: memref<!tpu.dma_semaphore, #tpu.memory_space<semaphore_mem>>, %arg29: memref<!tpu.dma_semaphore, #tpu.memory_space<semaphore_mem>>, %arg30: memref<!tpu.dma_semaphore, #tpu.memory_space<semaphore_mem>>, %arg31: memref<!tpu.dma_semaphore, #tpu.memory_space<semaphore_mem>>, %arg32: memref<!tpu.dma_semaphore, #tpu.memory_space<semaphore_mem>>, %arg33: memref<!tpu.dma_semaphore, #tpu.memory_space<semaphore_mem>>, %arg34: memref<!tpu.dma_semaphore, #tpu.memory_space<semaphore_mem>>, %arg35: memref<!tpu.dma_semaphore, #tpu.memory_space<semaphore_mem>>, %arg36: memref<!tpu.dma_semaphore, #tpu.memory_space<semaphore_mem>>, %arg37: memref<!tpu.dma_semaphore, #tpu.memory_space<semaphore_mem>>, %arg38: memref<!tpu.dma_semaphore, #tpu.memory_space<semaphore_mem>>) attributes {dimension_semantics = [#tpu.dimension_semantics<core_parallel>, #tpu.dimension_semantics<subcore_parallel>], iteration_bounds = array<i64: 2, 16>, scalar_prefetch = 0 : i64, scratch_operands = 30 : i64, tpu.core_type = #tpu.core_type<sc_vector_subcore>, window_params = [{transform_indices = #map}, {transform_indices = #map}, {transform_indices = #map1}, {transform_indices = #map1}, {transform_indices = #map}, {transform_indices = #map}, {transform_indices = #map1}]} {
    %mul3A = arith.constant 2 : i32
    %mul3A_0 = arith.muli %arg1, %mul3A : i32
    %add3A = arith.addi %mul3A_0, %arg0 : i32
    %mul3A_1 = arith.constant 16384 : i32
    %mul3A_2 = arith.muli %add3A, %mul3A_1 : i32
    %iota3A = tpu.iota {dimensions = array<i32: 0>} : vector<16xi32>
    %eq3A = arith.constant 0 : i32
    %eq3A_3 = arith.cmpi eq, %arg1, %eq3A : i32
    %convert_element_type3A = arith.extui %eq3A_3 : i1 to i32
    %cond3A = arith.constant 0 : i32
    %cond3A_4 = arith.cmpi ne, %convert_element_type3A, %cond3A : i32
    scf.if %cond3A_4 {
      "tpu.region"() ({
        %run_scoped3A = tpu.sem_alloc : memref<!tpu.dma_semaphore, #tpu.memory_space<semaphore_mem>>
        tpu.enqueue_dma source(%arg5 : memref<1536x128xf32, #tpu.memory_space<hbm>>) target(%arg23 : memref<1536x128xf32, #tpu.memory_space<vmem_shared>>) target_semaphore(%run_scoped3A : memref<!tpu.dma_semaphore, #tpu.memory_space<semaphore_mem>>)
        tpu.wait_dma2 semaphore(%run_scoped3A : memref<!tpu.dma_semaphore, #tpu.memory_space<semaphore_mem>>) src(%arg5 : memref<1536x128xf32, #tpu.memory_space<hbm>>) dst(%arg23 : memref<1536x128xf32, #tpu.memory_space<vmem_shared>>)
        tpu.yield
      }) : () -> ()
    } else {
    }
    %barrier3A = arith.constant 0 : index
    tpu.barrier barrier_id(%barrier3A)
    "tpu.region"() ({
      %run_scoped3A = tpu.sem_alloc : memref<!tpu.dma_semaphore, #tpu.memory_space<semaphore_mem>>
      tpu.enqueue_dma source(%arg6 : memref<128xf32, #tpu.memory_space<hbm>>) target(%arg9 : memref<128xf32, #tpu.memory_space<vmem>>) target_semaphore(%run_scoped3A : memref<!tpu.dma_semaphore, #tpu.memory_space<semaphore_mem>>)
      tpu.wait_dma2 semaphore(%run_scoped3A : memref<!tpu.dma_semaphore, #tpu.memory_space<semaphore_mem>>) src(%arg6 : memref<128xf32, #tpu.memory_space<hbm>>) dst(%arg9 : memref<128xf32, #tpu.memory_space<vmem>>)
      tpu.yield
    }) : () -> ()
    "tpu.region"() ({
      %run_scoped3A = tpu.sem_alloc : memref<!tpu.dma_semaphore, #tpu.memory_space<semaphore_mem>>
      tpu.enqueue_dma source(%arg7 : memref<128xf32, #tpu.memory_space<hbm>>) target(%arg10 : memref<128xf32, #tpu.memory_space<vmem>>) target_semaphore(%run_scoped3A : memref<!tpu.dma_semaphore, #tpu.memory_space<semaphore_mem>>)
      tpu.wait_dma2 semaphore(%run_scoped3A : memref<!tpu.dma_semaphore, #tpu.memory_space<semaphore_mem>>) src(%arg7 : memref<128xf32, #tpu.memory_space<hbm>>) dst(%arg10 : memref<128xf32, #tpu.memory_space<vmem>>)
      tpu.yield
    }) : () -> ()
    %get3A = arith.constant 0 : index
    %get3A_5 = tpu.vector_load %arg9[%get3A] {strides = array<i32>} : memref<128xf32, #tpu.memory_space<vmem>>, vector<16xf32>,
    %get3A_6 = arith.constant 16 : index
    %get3A_7 = tpu.vector_load %arg9[%get3A_6] {strides = array<i32>} : memref<128xf32, #tpu.memory_space<vmem>>, vector<16xf32>,
    %get3A_8 = arith.constant 32 : index
    %get3A_9 = tpu.vector_load %arg9[%get3A_8] {strides = array<i32>} : memref<128xf32, #tpu.memory_space<vmem>>, vector<16xf32>,
    %get3A_10 = arith.constant 48 : index
    %get3A_11 = tpu.vector_load %arg9[%get3A_10] {strides = array<i32>} : memref<128xf32, #tpu.memory_space<vmem>>, vector<16xf32>,
    %get3A_12 = arith.constant 64 : index
    %get3A_13 = tpu.vector_load %arg9[%get3A_12] {strides = array<i32>} : memref<128xf32, #tpu.memory_space<vmem>>, vector<16xf32>,
    %get3A_14 = arith.constant 80 : index
    %get3A_15 = tpu.vector_load %arg9[%get3A_14] {strides = array<i32>} : memref<128xf32, #tpu.memory_space<vmem>>, vector<16xf32>,
    %get3A_16 = arith.constant 96 : index
    %get3A_17 = tpu.vector_load %arg9[%get3A_16] {strides = array<i32>} : memref<128xf32, #tpu.memory_space<vmem>>, vector<16xf32>,
    %get3A_18 = arith.constant 112 : index
    %get3A_19 = tpu.vector_load %arg9[%get3A_18] {strides = array<i32>} : memref<128xf32, #tpu.memory_space<vmem>>, vector<16xf32>,
    %get3A_20 = arith.constant 0 : index
    %get3A_21 = tpu.vector_load %arg10[%get3A_20] {strides = array<i32>} : memref<128xf32, #tpu.memory_space<vmem>>, vector<16xf32>,
    %get3A_22 = arith.constant 16 : index
    %get3A_23 = tpu.vector_load %arg10[%get3A_22] {strides = array<i32>} : memref<128xf32, #tpu.memory_space<vmem>>, vector<16xf32>,
    %get3A_24 = arith.constant 32 : index
    %get3A_25 = tpu.vector_load %arg10[%get3A_24] {strides = array<i32>} : memref<128xf32, #tpu.memory_space<vmem>>, vector<16xf32>,
    %get3A_26 = arith.constant 48 : index
    %get3A_27 = tpu.vector_load %arg10[%get3A_26] {strides = array<i32>} : memref<128xf32, #tpu.memory_space<vmem>>, vector<16xf32>,
    %get3A_28 = arith.constant 64 : index
    %get3A_29 = tpu.vector_load %arg10[%get3A_28] {strides = array<i32>} : memref<128xf32, #tpu.memory_space<vmem>>, vector<16xf32>,
    %get3A_30 = arith.constant 80 : index
    %get3A_31 = tpu.vector_load %arg10[%get3A_30] {strides = array<i32>} : memref<128xf32, #tpu.memory_space<vmem>>, vector<16xf32>,
    %get3A_32 = arith.constant 96 : index
    %get3A_33 = tpu.vector_load %arg10[%get3A_32] {strides = array<i32>} : memref<128xf32, #tpu.memory_space<vmem>>, vector<16xf32>,
    %get3A_34 = arith.constant 112 : index
    %get3A_35 = tpu.vector_load %arg10[%get3A_34] {strides = array<i32>} : memref<128xf32, #tpu.memory_space<vmem>>, vector<16xf32>,
    %min3A = arith.constant 0 : i32
    %min3A_36 = arith.constant 127 : i32
    %min3A_37 = arith.minsi %min3A, %min3A_36 : i32
    %mul3A_38 = arith.constant 128 : i32
    %mul3A_39 = arith.muli %min3A_37, %mul3A_38 : i32
    %add3A_40 = arith.addi %mul3A_2, %mul3A_39 : i32
    %dma_start3A = tpu.memref_slice %arg2[%add3A_40] : memref<524288xi32, #tpu.memory_space<hbm>> -> memref<128xi32, #tpu.memory_space<hbm>>
    %dma_start3A_41 = tpu.memref_slice %arg2[%add3A_40] : memref<524288xi32, #tpu.memory_space<hbm>> -> memref<128xi32, #tpu.memory_space<hbm>>
    tpu.enqueue_dma source(%dma_start3A_41 : memref<128xi32, #tpu.memory_space<hbm>>) target(%arg11 : memref<128xi32, #tpu.memory_space<vmem>>) target_semaphore(%arg24 : memref<!tpu.dma_semaphore, #tpu.memory_space<semaphore_mem>>)
    %dma_start3A_42 = tpu.memref_slice %arg3[%add3A_40] : memref<524288xi32, #tpu.memory_space<hbm>> -> memref<128xi32, #tpu.memory_space<hbm>>
    %dma_start3A_43 = tpu.memref_slice %arg3[%add3A_40] : memref<524288xi32, #tpu.memory_space<hbm>> -> memref<128xi32, #tpu.memory_space<hbm>>
    tpu.enqueue_dma source(%dma_start3A_43 : memref<128xi32, #tpu.memory_space<hbm>>) target(%arg14 : memref<128xi32, #tpu.memory_space<vmem>>) target_semaphore(%arg27 : memref<!tpu.dma_semaphore, #tpu.memory_space<semaphore_mem>>)
    %min3A_44 = arith.constant 1 : i32
    %min3A_45 = arith.constant 127 : i32
    %min3A_46 = arith.minsi %min3A_44, %min3A_45 : i32
    %mul3A_47 = arith.constant 128 : i32
    %mul3A_48 = arith.muli %min3A_46, %mul3A_47 : i32
    %add3A_49 = arith.addi %mul3A_2, %mul3A_48 : i32
    %dma_start3A_50 = tpu.memref_slice %arg2[%add3A_49] : memref<524288xi32, #tpu.memory_space<hbm>> -> memref<128xi32, #tpu.memory_space<hbm>>
    %dma_start3A_51 = tpu.memref_slice %arg2[%add3A_49] : memref<524288xi32, #tpu.memory_space<hbm>> -> memref<128xi32, #tpu.memory_space<hbm>>
    tpu.enqueue_dma source(%dma_start3A_51 : memref<128xi32, #tpu.memory_space<hbm>>) target(%arg12 : memref<128xi32, #tpu.memory_space<vmem>>) target_semaphore(%arg25 : memref<!tpu.dma_semaphore, #tpu.memory_space<semaphore_mem>>)
    %dma_start3A_52 = tpu.memref_slice %arg3[%add3A_49] : memref<524288xi32, #tpu.memory_space<hbm>> -> memref<128xi32, #tpu.memory_space<hbm>>
    %dma_start3A_53 = tpu.memref_slice %arg3[%add3A_49] : memref<524288xi32, #tpu.memory_space<hbm>> -> memref<128xi32, #tpu.memory_space<hbm>>
    tpu.enqueue_dma source(%dma_start3A_53 : memref<128xi32, #tpu.memory_space<hbm>>) target(%arg15 : memref<128xi32, #tpu.memory_space<vmem>>) target_semaphore(%arg28 : memref<!tpu.dma_semaphore, #tpu.memory_space<semaphore_mem>>)
    %min3A_54 = arith.constant 2 : i32
    %min3A_55 = arith.constant 127 : i32
    %min3A_56 = arith.minsi %min3A_54, %min3A_55 : i32
    %mul3A_57 = arith.constant 128 : i32
    %mul3A_58 = arith.muli %min3A_56, %mul3A_57 : i32
    %add3A_59 = arith.addi %mul3A_2, %mul3A_58 : i32
    %dma_start3A_60 = tpu.memref_slice %arg2[%add3A_59] : memref<524288xi32, #tpu.memory_space<hbm>> -> memref<128xi32, #tpu.memory_space<hbm>>
    %dma_start3A_61 = tpu.memref_slice %arg2[%add3A_59] : memref<524288xi32, #tpu.memory_space<hbm>> -> memref<128xi32, #tpu.memory_space<hbm>>
    tpu.enqueue_dma source(%dma_start3A_61 : memref<128xi32, #tpu.memory_space<hbm>>) target(%arg13 : memref<128xi32, #tpu.memory_space<vmem>>) target_semaphore(%arg26 : memref<!tpu.dma_semaphore, #tpu.memory_space<semaphore_mem>>)
    %dma_start3A_62 = tpu.memref_slice %arg3[%add3A_59] : memref<524288xi32, #tpu.memory_space<hbm>> -> memref<128xi32, #tpu.memory_space<hbm>>
    %dma_start3A_63 = tpu.memref_slice %arg3[%add3A_59] : memref<524288xi32, #tpu.memory_space<hbm>> -> memref<128xi32, #tpu.memory_space<hbm>>
    tpu.enqueue_dma source(%dma_start3A_63 : memref<128xi32, #tpu.memory_space<hbm>>) target(%arg16 : memref<128xi32, #tpu.memory_space<vmem>>) target_semaphore(%arg29 : memref<!tpu.dma_semaphore, #tpu.memory_space<semaphore_mem>>)
    %dma_wait3A = tpu.memref_slice %arg2[%mul3A_2] : memref<524288xi32, #tpu.memory_space<hbm>> -> memref<128xi32, #tpu.memory_space<hbm>>
    %dma_wait3A_64 = tpu.memref_slice %arg2[%mul3A_2] : memref<524288xi32, #tpu.memory_space<hbm>> -> memref<128xi32, #tpu.memory_space<hbm>>
    tpu.wait_dma2 semaphore(%arg24 : memref<!tpu.dma_semaphore, #tpu.memory_space<semaphore_mem>>) src(%dma_wait3A_64 : memref<128xi32, #tpu.memory_space<hbm>>) dst(%arg11 : memref<128xi32, #tpu.memory_space<vmem>>)
    %dma_start3A_65 = arith.constant 0 : i32
    %dma_start3A_66 = arith.constant 0 : i32
    %dma_start3A_67 = tpu.memref_slice %arg4[%dma_start3A_65, %dma_start3A_66] : memref<100000x128xf32, #tpu.memory_space<hbm>> -> memref<100000x128xf32, #tpu.memory_space<hbm>>
    tpu.enqueue_indirect_dma source(%dma_start3A_67 : memref<100000x128xf32, #tpu.memory_space<hbm>>) target(%arg20 : memref<128x128xf32, #tpu.memory_space<vmem>>) offsets(%arg11 : memref<128xi32, #tpu.memory_space<vmem>>) semaphore(%arg30 : memref<!tpu.dma_semaphore, #tpu.memory_space<semaphore_mem>>)
    %dma_wait3A_68 = tpu.memref_slice %arg3[%mul3A_2] : memref<524288xi32, #tpu.memory_space<hbm>> -> memref<128xi32, #tpu.memory_space<hbm>>
    %dma_wait3A_69 = tpu.memref_slice %arg3[%mul3A_2] : memref<524288xi32, #tpu.memory_space<hbm>> -> memref<128xi32, #tpu.memory_space<hbm>>
    tpu.wait_dma2 semaphore(%arg27 : memref<!tpu.dma_semaphore, #tpu.memory_space<semaphore_mem>>) src(%dma_wait3A_69 : memref<128xi32, #tpu.memory_space<hbm>>) dst(%arg14 : memref<128xi32, #tpu.memory_space<vmem>>)
    %min3A_70 = arith.constant 0 : i32
    %min3A_71 = arith.constant 127 : i32
    %min3A_72 = arith.minsi %min3A_70, %min3A_71 : i32
    %rem3A = arith.constant 4 : i32
    %rem3A_73 = arith.remsi %min3A_72, %rem3A : i32
    %mul3A_74 = arith.constant 128 : i32
    %mul3A_75 = arith.muli %rem3A_73, %mul3A_74 : i32
    %get3A_76 = arith.constant 0 : index
    %get3A_77 = tpu.vector_load %arg14[%get3A_76] {strides = array<i32>} : memref<128xi32, #tpu.memory_space<vmem>>, vector<16xi32>,
    %mul3A_78 = arith.constant 512 : i32
    %mul3A_79 = vector.broadcast %mul3A_78 : i32 to vector<16xi32>
    %mul3A_80 = arith.muli %get3A_77, %mul3A_79 : vector<16xi32>
    %add3A_81 = arith.constant 0 : i32
    %add3A_82 = arith.addi %mul3A_75, %add3A_81 : i32
    %add3A_83 = vector.broadcast %add3A_82 : i32 to vector<16xi32>
    %add3A_84 = arith.addi %add3A_83, %iota3A : vector<16xi32>
    %add3A_85 = arith.addi %mul3A_80, %add3A_84 : vector<16xi32>
    %swap3A = arith.constant 0 : index
    %swap3A_86 = tpu.vector_load %arg17[%swap3A] {strides = array<i32>} : memref<128xi32, #tpu.memory_space<vmem>>, vector<16xi32>,
    tpu.vector_store %arg17[%swap3A], %add3A_85 {strides = array<i32>} : memref<128xi32, #tpu.memory_space<vmem>>, vector<16xi32>,
    %get3A_87 = arith.constant 16 : index
    %get3A_88 = tpu.vector_load %arg14[%get3A_87] {strides = array<i32>} : memref<128xi32, #tpu.memory_space<vmem>>, vector<16xi32>,
    %mul3A_89 = arith.constant 512 : i32
    %mul3A_90 = vector.broadcast %mul3A_89 : i32 to vector<16xi32>
    %mul3A_91 = arith.muli %get3A_88, %mul3A_90 : vector<16xi32>
    %add3A_92 = arith.constant 16 : i32
    %add3A_93 = arith.addi %mul3A_75, %add3A_92 : i32
    %add3A_94 = vector.broadcast %add3A_93 : i32 to vector<16xi32>
    %add3A_95 = arith.addi %add3A_94, %iota3A : vector<16xi32>
    %add3A_96 = arith.addi %mul3A_91, %add3A_95 : vector<16xi32>
    %swap3A_97 = arith.constant 16 : index
    %swap3A_98 = tpu.vector_load %arg17[%swap3A_97] {strides = array<i32>} : memref<128xi32, #tpu.memory_space<vmem>>, vector<16xi32>,
    tpu.vector_store %arg17[%swap3A_97], %add3A_96 {strides = array<i32>} : memref<128xi32, #tpu.memory_space<vmem>>, vector<16xi32>,
    %get3A_99 = arith.constant 32 : index
    %get3A_100 = tpu.vector_load %arg14[%get3A_99] {strides = array<i32>} : memref<128xi32, #tpu.memory_space<vmem>>, vector<16xi32>,
    %mul3A_101 = arith.constant 512 : i32
    %mul3A_102 = vector.broadcast %mul3A_101 : i32 to vector<16xi32>
    %mul3A_103 = arith.muli %get3A_100, %mul3A_102 : vector<16xi32>
    %add3A_104 = arith.constant 32 : i32
    %add3A_105 = arith.addi %mul3A_75, %add3A_104 : i32
    %add3A_106 = vector.broadcast %add3A_105 : i32 to vector<16xi32>
    %add3A_107 = arith.addi %add3A_106, %iota3A : vector<16xi32>
    %add3A_108 = arith.addi %mul3A_103, %add3A_107 : vector<16xi32>
    %swap3A_109 = arith.constant 32 : index
    %swap3A_110 = tpu.vector_load %arg17[%swap3A_109] {strides = array<i32>} : memref<128xi32, #tpu.memory_space<vmem>>, vector<16xi32>,
    tpu.vector_store %arg17[%swap3A_109], %add3A_108 {strides = array<i32>} : memref<128xi32, #tpu.memory_space<vmem>>, vector<16xi32>,
    %get3A_111 = arith.constant 48 : index
    %get3A_112 = tpu.vector_load %arg14[%get3A_111] {strides = array<i32>} : memref<128xi32, #tpu.memory_space<vmem>>, vector<16xi32>,
    %mul3A_113 = arith.constant 512 : i32
    %mul3A_114 = vector.broadcast %mul3A_113 : i32 to vector<16xi32>
    %mul3A_115 = arith.muli %get3A_112, %mul3A_114 : vector<16xi32>
    %add3A_116 = arith.constant 48 : i32
    %add3A_117 = arith.addi %mul3A_75, %add3A_116 : i32
    %add3A_118 = vector.broadcast %add3A_117 : i32 to vector<16xi32>
    %add3A_119 = arith.addi %add3A_118, %iota3A : vector<16xi32>
    %add3A_120 = arith.addi %mul3A_115, %add3A_119 : vector<16xi32>
    %swap3A_121 = arith.constant 48 : index
    %swap3A_122 = tpu.vector_load %arg17[%swap3A_121] {strides = array<i32>} : memref<128xi32, #tpu.memory_space<vmem>>, vector<16xi32>,
    tpu.vector_store %arg17[%swap3A_121], %add3A_120 {strides = array<i32>} : memref<128xi32, #tpu.memory_space<vmem>>, vector<16xi32>,
    %get3A_123 = arith.constant 64 : index
    %get3A_124 = tpu.vector_load %arg14[%get3A_123] {strides = array<i32>} : memref<128xi32, #tpu.memory_space<vmem>>, vector<16xi32>,
    %mul3A_125 = arith.constant 512 : i32
    %mul3A_126 = vector.broadcast %mul3A_125 : i32 to vector<16xi32>
    %mul3A_127 = arith.muli %get3A_124, %mul3A_126 : vector<16xi32>
    %add3A_128 = arith.constant 64 : i32
    %add3A_129 = arith.addi %mul3A_75, %add3A_128 : i32
    %add3A_130 = vector.broadcast %add3A_129 : i32 to vector<16xi32>
    %add3A_131 = arith.addi %add3A_130, %iota3A : vector<16xi32>
    %add3A_132 = arith.addi %mul3A_127, %add3A_131 : vector<16xi32>
    %swap3A_133 = arith.constant 64 : index
    %swap3A_134 = tpu.vector_load %arg17[%swap3A_133] {strides = array<i32>} : memref<128xi32, #tpu.memory_space<vmem>>, vector<16xi32>,
    tpu.vector_store %arg17[%swap3A_133], %add3A_132 {strides = array<i32>} : memref<128xi32, #tpu.memory_space<vmem>>, vector<16xi32>,
    %get3A_135 = arith.constant 80 : index
    %get3A_136 = tpu.vector_load %arg14[%get3A_135] {strides = array<i32>} : memref<128xi32, #tpu.memory_space<vmem>>, vector<16xi32>,
    %mul3A_137 = arith.constant 512 : i32
    %mul3A_138 = vector.broadcast %mul3A_137 : i32 to vector<16xi32>
    %mul3A_139 = arith.muli %get3A_136, %mul3A_138 : vector<16xi32>
    %add3A_140 = arith.constant 80 : i32
    %add3A_141 = arith.addi %mul3A_75, %add3A_140 : i32
    %add3A_142 = vector.broadcast %add3A_141 : i32 to vector<16xi32>
    %add3A_143 = arith.addi %add3A_142, %iota3A : vector<16xi32>
    %add3A_144 = arith.addi %mul3A_139, %add3A_143 : vector<16xi32>
    %swap3A_145 = arith.constant 80 : index
    %swap3A_146 = tpu.vector_load %arg17[%swap3A_145] {strides = array<i32>} : memref<128xi32, #tpu.memory_space<vmem>>, vector<16xi32>,
    tpu.vector_store %arg17[%swap3A_145], %add3A_144 {strides = array<i32>} : memref<128xi32, #tpu.memory_space<vmem>>, vector<16xi32>,
    %get3A_147 = arith.constant 96 : index
    %get3A_148 = tpu.vector_load %arg14[%get3A_147] {strides = array<i32>} : memref<128xi32, #tpu.memory_space<vmem>>, vector<16xi32>,
    %mul3A_149 = arith.constant 512 : i32
    %mul3A_150 = vector.broadcast %mul3A_149 : i32 to vector<16xi32>
    %mul3A_151 = arith.muli %get3A_148, %mul3A_150 : vector<16xi32>
    %add3A_152 = arith.constant 96 : i32
    %add3A_153 = arith.addi %mul3A_75, %add3A_152 : i32
    %add3A_154 = vector.broadcast %add3A_153 : i32 to vector<16xi32>
    %add3A_155 = arith.addi %add3A_154, %iota3A : vector<16xi32>
    %add3A_156 = arith.addi %mul3A_151, %add3A_155 : vector<16xi32>
    %swap3A_157 = arith.constant 96 : index
    %swap3A_158 = tpu.vector_load %arg17[%swap3A_157] {strides = array<i32>} : memref<128xi32, #tpu.memory_space<vmem>>, vector<16xi32>,
    tpu.vector_store %arg17[%swap3A_157], %add3A_156 {strides = array<i32>} : memref<128xi32, #tpu.memory_space<vmem>>, vector<16xi32>,
    %get3A_159 = arith.constant 112 : index
    %get3A_160 = tpu.vector_load %arg14[%get3A_159] {strides = array<i32>} : memref<128xi32, #tpu.memory_space<vmem>>, vector<16xi32>,
    %mul3A_161 = arith.constant 512 : i32
    %mul3A_162 = vector.broadcast %mul3A_161 : i32 to vector<16xi32>
    %mul3A_163 = arith.muli %get3A_160, %mul3A_162 : vector<16xi32>
    %add3A_164 = arith.constant 112 : i32
    %add3A_165 = arith.addi %mul3A_75, %add3A_164 : i32
    %add3A_166 = vector.broadcast %add3A_165 : i32 to vector<16xi32>
    %add3A_167 = arith.addi %add3A_166, %iota3A : vector<16xi32>
    %add3A_168 = arith.addi %mul3A_163, %add3A_167 : vector<16xi32>
    %swap3A_169 = arith.constant 112 : index
    %swap3A_170 = tpu.vector_load %arg17[%swap3A_169] {strides = array<i32>} : memref<128xi32, #tpu.memory_space<vmem>>, vector<16xi32>,
    tpu.vector_store %arg17[%swap3A_169], %add3A_168 {strides = array<i32>} : memref<128xi32, #tpu.memory_space<vmem>>, vector<16xi32>,
    %dma_wait3A_171 = tpu.memref_slice %arg2[%mul3A_2] : memref<524288xi32, #tpu.memory_space<hbm>> -> memref<128xi32, #tpu.memory_space<hbm>>
    %dma_wait3A_172 = tpu.memref_slice %arg2[%mul3A_2] : memref<524288xi32, #tpu.memory_space<hbm>> -> memref<128xi32, #tpu.memory_space<hbm>>
    tpu.wait_dma2 semaphore(%arg25 : memref<!tpu.dma_semaphore, #tpu.memory_space<semaphore_mem>>) src(%dma_wait3A_172 : memref<128xi32, #tpu.memory_space<hbm>>) dst(%arg12 : memref<128xi32, #tpu.memory_space<vmem>>)
    %dma_start3A_173 = arith.constant 0 : i32
    %dma_start3A_174 = arith.constant 0 : i32
    %dma_start3A_175 = tpu.memref_slice %arg4[%dma_start3A_173, %dma_start3A_174] : memref<100000x128xf32, #tpu.memory_space<hbm>> -> memref<100000x128xf32, #tpu.memory_space<hbm>>
    tpu.enqueue_indirect_dma source(%dma_start3A_175 : memref<100000x128xf32, #tpu.memory_space<hbm>>) target(%arg21 : memref<128x128xf32, #tpu.memory_space<vmem>>) offsets(%arg12 : memref<128xi32, #tpu.memory_space<vmem>>) semaphore(%arg31 : memref<!tpu.dma_semaphore, #tpu.memory_space<semaphore_mem>>)
    %dma_wait3A_176 = arith.constant 0 : i32
    %dma_wait3A_177 = arith.constant 0 : i32
    %dma_wait3A_178 = tpu.memref_slice %arg4[%dma_wait3A_176, %dma_wait3A_177] : memref<100000x128xf32, #tpu.memory_space<hbm>> -> memref<100000x128xf32, #tpu.memory_space<hbm>>
    tpu.wait_indirect_dma semaphore(%arg30 : memref<!tpu.dma_semaphore, #tpu.memory_space<semaphore_mem>>) src(%dma_wait3A_178 : memref<100000x128xf32, #tpu.memory_space<hbm>>) dst(%arg20 : memref<128x128xf32, #tpu.memory_space<vmem>>)
    %dma_start3A_179 = arith.constant 0 : i32
    %dma_start3A_180 = arith.constant 0 : i32
    %dma_start3A_181 = tpu.memref_slice %arg23[%dma_start3A_179, %dma_start3A_180] : memref<1536x128xf32, #tpu.memory_space<vmem_shared>> -> memref<1536x128xf32, #tpu.memory_space<vmem_shared>>
    tpu.enqueue_indirect_dma source(%dma_start3A_181 : memref<1536x128xf32, #tpu.memory_space<vmem_shared>>) target(%arg20 : memref<128x128xf32, #tpu.memory_space<vmem>>) offsets(%arg17 : memref<128xi32, #tpu.memory_space<vmem>>) semaphore(%arg33 : memref<!tpu.dma_semaphore, #tpu.memory_space<semaphore_mem>>) {add = true}
    %scan3A = arith.constant 0 : i32
    %scan3A_182 = arith.constant 0 : i32
    %scan3A_183 = arith.constant 43 : i32
    %scan3A_184 = arith.addi %scan3A_182, %scan3A_183 : i32
    %scan3A_185 = arith.constant 1 : i32
    %scan3A_186 = scf.for %scan3A_204 = %scan3A_182 to %scan3A_184 step %scan3A_185 iter_args(%scan3A_205 = %scan3A) -> (i32)  : i32 {
      %mul3A_206 = arith.constant 3 : i32
      %mul3A_207 = arith.muli %scan3A_204, %mul3A_206 : i32
      %add3A_208 = arith.constant 0 : i32
      %add3A_209 = arith.addi %mul3A_207, %add3A_208 : i32
      %gt3A = arith.constant 0 : i32
      %gt3A_210 = arith.cmpi sgt, %add3A_209, %gt3A : i32
      %convert_element_type3A_211 = arith.extui %gt3A_210 : i1 to i32
      %cond3A_212 = arith.constant 0 : i32
      %cond3A_213 = arith.cmpi ne, %convert_element_type3A_211, %cond3A_212 : i32
      scf.if %cond3A_213 {
        %dma_wait3A_659 = arith.constant 0 : i32
        %dma_wait3A_660 = tpu.memref_slice %arg8[%mul3A_2, %dma_wait3A_659] : memref<524288x128xf32, #tpu.memory_space<hbm>> -> memref<128x128xf32, #tpu.memory_space<hbm>>
        %dma_wait3A_661 = arith.constant 0 : i32
        %dma_wait3A_662 = tpu.memref_slice %arg8[%mul3A_2, %dma_wait3A_661] : memref<524288x128xf32, #tpu.memory_space<hbm>> -> memref<128x128xf32, #tpu.memory_space<hbm>>
        tpu.wait_dma2 semaphore(%arg38 : memref<!tpu.dma_semaphore, #tpu.memory_space<semaphore_mem>>) src(%arg22 : memref<128x128xf32, #tpu.memory_space<vmem>>) dst(%dma_wait3A_662 : memref<128x128xf32, #tpu.memory_space<hbm>>)
      } else {
      }
      %dma_wait3A_214 = tpu.memref_slice %arg2[%mul3A_2] : memref<524288xi32, #tpu.memory_space<hbm>> -> memref<128xi32, #tpu.memory_space<hbm>>
      %dma_wait3A_215 = tpu.memref_slice %arg2[%mul3A_2] : memref<524288xi32, #tpu.memory_space<hbm>> -> memref<128xi32, #tpu.memory_space<hbm>>
      tpu.wait_dma2 semaphore(%arg26 : memref<!tpu.dma_semaphore, #tpu.memory_space<semaphore_mem>>) src(%dma_wait3A_215 : memref<128xi32, #tpu.memory_space<hbm>>) dst(%arg13 : memref<128xi32, #tpu.memory_space<vmem>>)
      %dma_start3A_216 = arith.constant 0 : i32
      %dma_start3A_217 = arith.constant 0 : i32
      %dma_start3A_218 = tpu.memref_slice %arg4[%dma_start3A_216, %dma_start3A_217] : memref<100000x128xf32, #tpu.memory_space<hbm>> -> memref<100000x128xf32, #tpu.memory_space<hbm>>
      tpu.enqueue_indirect_dma source(%dma_start3A_218 : memref<100000x128xf32, #tpu.memory_space<hbm>>) target(%arg22 : memref<128x128xf32, #tpu.memory_space<vmem>>) offsets(%arg13 : memref<128xi32, #tpu.memory_space<vmem>>) semaphore(%arg32 : memref<!tpu.dma_semaphore, #tpu.memory_space<semaphore_mem>>)
      %dma_wait3A_219 = tpu.memref_slice %arg3[%mul3A_2] : memref<524288xi32, #tpu.memory_space<hbm>> -> memref<128xi32, #tpu.memory_space<hbm>>
      %dma_wait3A_220 = tpu.memref_slice %arg3[%mul3A_2] : memref<524288xi32, #tpu.memory_space<hbm>> -> memref<128xi32, #tpu.memory_space<hbm>>
      tpu.wait_dma2 semaphore(%arg28 : memref<!tpu.dma_semaphore, #tpu.memory_space<semaphore_mem>>) src(%dma_wait3A_220 : memref<128xi32, #tpu.memory_space<hbm>>) dst(%arg15 : memref<128xi32, #tpu.memory_space<vmem>>)
      %add3A_221 = arith.constant 1 : i32
      %add3A_222 = arith.addi %add3A_209, %add3A_221 : i32
      %min3A_223 = arith.constant 127 : i32
      %min3A_224 = arith.minsi %add3A_222, %min3A_223 : i32
      %rem3A_225 = arith.constant 4 : i32
      %rem3A_226 = arith.remsi %min3A_224, %rem3A_225 : i32
      %mul3A_227 = arith.constant 128 : i32
      %mul3A_228 = arith.muli %rem3A_226, %mul3A_227 : i32
      %get3A_229 = arith.constant 0 : index
      %get3A_230 = tpu.vector_load %arg15[%get3A_229] {strides = array<i32>} : memref<128xi32, #tpu.memory_space<vmem>>, vector<16xi32>,
      %mul3A_231 = arith.constant 512 : i32
      %mul3A_232 = vector.broadcast %mul3A_231 : i32 to vector<16xi32>
      %mul3A_233 = arith.muli %get3A_230, %mul3A_232 : vector<16xi32>
      %add3A_234 = arith.constant 0 : i32
      %add3A_235 = arith.addi %mul3A_228, %add3A_234 : i32
      %add3A_236 = vector.broadcast %add3A_235 : i32 to vector<16xi32>
      %add3A_237 = arith.addi %add3A_236, %iota3A : vector<16xi32>
      %add3A_238 = arith.addi %mul3A_233, %add3A_237 : vector<16xi32>
      %swap3A_239 = arith.constant 0 : index
      %swap3A_240 = tpu.vector_load %arg18[%swap3A_239] {strides = array<i32>} : memref<128xi32, #tpu.memory_space<vmem>>, vector<16xi32>,
      tpu.vector_store %arg18[%swap3A_239], %add3A_238 {strides = array<i32>} : memref<128xi32, #tpu.memory_space<vmem>>, vector<16xi32>,
      %get3A_241 = arith.constant 16 : index
      %get3A_242 = tpu.vector_load %arg15[%get3A_241] {strides = array<i32>} : memref<128xi32, #tpu.memory_space<vmem>>, vector<16xi32>,
      %mul3A_243 = arith.constant 512 : i32
      %mul3A_244 = vector.broadcast %mul3A_243 : i32 to vector<16xi32>
      %mul3A_245 = arith.muli %get3A_242, %mul3A_244 : vector<16xi32>
      %add3A_246 = arith.constant 16 : i32
      %add3A_247 = arith.addi %mul3A_228, %add3A_246 : i32
      %add3A_248 = vector.broadcast %add3A_247 : i32 to vector<16xi32>
      %add3A_249 = arith.addi %add3A_248, %iota3A : vector<16xi32>
      %add3A_250 = arith.addi %mul3A_245, %add3A_249 : vector<16xi32>
      %swap3A_251 = arith.constant 16 : index
      %swap3A_252 = tpu.vector_load %arg18[%swap3A_251] {strides = array<i32>} : memref<128xi32, #tpu.memory_space<vmem>>, vector<16xi32>,
      tpu.vector_store %arg18[%swap3A_251], %add3A_250 {strides = array<i32>} : memref<128xi32, #tpu.memory_space<vmem>>, vector<16xi32>,
      %get3A_253 = arith.constant 32 : index
      %get3A_254 = tpu.vector_load %arg15[%get3A_253] {strides = array<i32>} : memref<128xi32, #tpu.memory_space<vmem>>, vector<16xi32>,
      %mul3A_255 = arith.constant 512 : i32
      %mul3A_256 = vector.broadcast %mul3A_255 : i32 to vector<16xi32>
      %mul3A_257 = arith.muli %get3A_254, %mul3A_256 : vector<16xi32>
      %add3A_258 = arith.constant 32 : i32
      %add3A_259 = arith.addi %mul3A_228, %add3A_258 : i32
      %add3A_260 = vector.broadcast %add3A_259 : i32 to vector<16xi32>
      %add3A_261 = arith.addi %add3A_260, %iota3A : vector<16xi32>
      %add3A_262 = arith.addi %mul3A_257, %add3A_261 : vector<16xi32>
      %swap3A_263 = arith.constant 32 : index
      %swap3A_264 = tpu.vector_load %arg18[%swap3A_263] {strides = array<i32>} : memref<128xi32, #tpu.memory_space<vmem>>, vector<16xi32>,
      tpu.vector_store %arg18[%swap3A_263], %add3A_262 {strides = array<i32>} : memref<128xi32, #tpu.memory_space<vmem>>, vector<16xi32>,
      %get3A_265 = arith.constant 48 : index
      %get3A_266 = tpu.vector_load %arg15[%get3A_265] {strides = array<i32>} : memref<128xi32, #tpu.memory_space<vmem>>, vector<16xi32>,
      %mul3A_267 = arith.constant 512 : i32
      %mul3A_268 = vector.broadcast %mul3A_267 : i32 to vector<16xi32>
      %mul3A_269 = arith.muli %get3A_266, %mul3A_268 : vector<16xi32>
      %add3A_270 = arith.constant 48 : i32
      %add3A_271 = arith.addi %mul3A_228, %add3A_270 : i32
      %add3A_272 = vector.broadcast %add3A_271 : i32 to vector<16xi32>
      %add3A_273 = arith.addi %add3A_272, %iota3A : vector<16xi32>
      %add3A_274 = arith.addi %mul3A_269, %add3A_273 : vector<16xi32>
      %swap3A_275 = arith.constant 48 : index
      %swap3A_276 = tpu.vector_load %arg18[%swap3A_275] {strides = array<i32>} : memref<128xi32, #tpu.memory_space<vmem>>, vector<16xi32>,
      tpu.vector_store %arg18[%swap3A_275], %add3A_274 {strides = array<i32>} : memref<128xi32, #tpu.memory_space<vmem>>, vector<16xi32>,
      %get3A_277 = arith.constant 64 : index
      %get3A_278 = tpu.vector_load %arg15[%get3A_277] {strides = array<i32>} : memref<128xi32, #tpu.memory_space<vmem>>, vector<16xi32>,
      %mul3A_279 = arith.constant 512 : i32
      %mul3A_280 = vector.broadcast %mul3A_279 : i32 to vector<16xi32>
      %mul3A_281 = arith.muli %get3A_278, %mul3A_280 : vector<16xi32>
      %add3A_282 = arith.constant 64 : i32
      %add3A_283 = arith.addi %mul3A_228, %add3A_282 : i32
      %add3A_284 = vector.broadcast %add3A_283 : i32 to vector<16xi32>
      %add3A_285 = arith.addi %add3A_284, %iota3A : vector<16xi32>
      %add3A_286 = arith.addi %mul3A_281, %add3A_285 : vector<16xi32>
      %swap3A_287 = arith.constant 64 : index
      %swap3A_288 = tpu.vector_load %arg18[%swap3A_287] {strides = array<i32>} : memref<128xi32, #tpu.memory_space<vmem>>, vector<16xi32>,
      tpu.vector_store %arg18[%swap3A_287], %add3A_286 {strides = array<i32>} : memref<128xi32, #tpu.memory_space<vmem>>, vector<16xi32>,
      %get3A_289 = arith.constant 80 : index
      %get3A_290 = tpu.vector_load %arg15[%get3A_289] {strides = array<i32>} : memref<128xi32, #tpu.memory_space<vmem>>, vector<16xi32>,
      %mul3A_291 = arith.constant 512 : i32
      %mul3A_292 = vector.broadcast %mul3A_291 : i32 to vector<16xi32>
      %mul3A_293 = arith.muli %get3A_290, %mul3A_292 : vector<16xi32>
      %add3A_294 = arith.constant 80 : i32
      %add3A_295 = arith.addi %mul3A_228, %add3A_294 : i32
      %add3A_296 = vector.broadcast %add3A_295 : i32 to vector<16xi32>
      %add3A_297 = arith.addi %add3A_296, %iota3A : vector<16xi32>
      %add3A_298 = arith.addi %mul3A_293, %add3A_297 : vector<16xi32>
      %swap3A_299 = arith.constant 80 : index
      %swap3A_300 = tpu.vector_load %arg18[%swap3A_299] {strides = array<i32>} : memref<128xi32, #tpu.memory_space<vmem>>, vector<16xi32>,
      tpu.vector_store %arg18[%swap3A_299], %add3A_298 {strides = array<i32>} : memref<128xi32, #tpu.memory_space<vmem>>, vector<16xi32>,
      %get3A_301 = arith.constant 96 : index
      %get3A_302 = tpu.vector_load %arg15[%get3A_301] {strides = array<i32>} : memref<128xi32, #tpu.memory_space<vmem>>, vector<16xi32>,
      %mul3A_303 = arith.constant 512 : i32
      %mul3A_304 = vector.broadcast %mul3A_303 : i32 to vector<16xi32>
      %mul3A_305 = arith.muli %get3A_302, %mul3A_304 : vector<16xi32>
      %add3A_306 = arith.constant 96 : i32
      %add3A_307 = arith.addi %mul3A_228, %add3A_306 : i32
      %add3A_308 = vector.broadcast %add3A_307 : i32 to vector<16xi32>
      %add3A_309 = arith.addi %add3A_308, %iota3A : vector<16xi32>
      %add3A_310 = arith.addi %mul3A_305, %add3A_309 : vector<16xi32>
      %swap3A_311 = arith.constant 96 : index
      %swap3A_312 = tpu.vector_load %arg18[%swap3A_311] {strides = array<i32>} : memref<128xi32, #tpu.memory_space<vmem>>, vector<16xi32>,
      tpu.vector_store %arg18[%swap3A_311], %add3A_310 {strides = array<i32>} : memref<128xi32, #tpu.memory_space<vmem>>, vector<16xi32>,
      %get3A_313 = arith.constant 112 : index
      %get3A_314 = tpu.vector_load %arg15[%get3A_313] {strides = array<i32>} : memref<128xi32, #tpu.memory_space<vmem>>, vector<16xi32>,
      %mul3A_315 = arith.constant 512 : i32
      %mul3A_316 = vector.broadcast %mul3A_315 : i32 to vector<16xi32>
      %mul3A_317 = arith.muli %get3A_314, %mul3A_316 : vector<16xi32>
      %add3A_318 = arith.constant 112 : i32
      %add3A_319 = arith.addi %mul3A_228, %add3A_318 : i32
      %add3A_320 = vector.broadcast %add3A_319 : i32 to vector<16xi32>
      %add3A_321 = arith.addi %add3A_320, %iota3A : vector<16xi32>
      %add3A_322 = arith.addi %mul3A_317, %add3A_321 : vector<16xi32>
      %swap3A_323 = arith.constant 112 : index
      %swap3A_324 = tpu.vector_load %arg18[%swap3A_323] {strides = array<i32>} : memref<128xi32, #tpu.memory_space<vmem>>, vector<16xi32>,
      tpu.vector_store %arg18[%swap3A_323], %add3A_322 {strides = array<i32>} : memref<128xi32, #tpu.memory_space<vmem>>, vector<16xi32>,
      %dma_wait3A_325 = arith.constant 0 : i32
      %dma_wait3A_326 = arith.constant 0 : i32
      %dma_wait3A_327 = tpu.memref_slice %arg4[%dma_wait3A_325, %dma_wait3A_326] : memref<100000x128xf32, #tpu.memory_space<hbm>> -> memref<100000x128xf32, #tpu.memory_space<hbm>>
      tpu.wait_indirect_dma semaphore(%arg31 : memref<!tpu.dma_semaphore, #tpu.memory_space<semaphore_mem>>) src(%dma_wait3A_327 : memref<100000x128xf32, #tpu.memory_space<hbm>>) dst(%arg21 : memref<128x128xf32, #tpu.memory_space<vmem>>)
      %dma_start3A_328 = arith.constant 0 : i32
      %dma_start3A_329 = arith.constant 0 : i32
      %dma_start3A_330 = tpu.memref_slice %arg23[%dma_start3A_328, %dma_start3A_329] : memref<1536x128xf32, #tpu.memory_space<vmem_shared>> -> memref<1536x128xf32, #tpu.memory_space<vmem_shared>>
      tpu.enqueue_indirect_dma source(%dma_start3A_330 : memref<1536x128xf32, #tpu.memory_space<vmem_shared>>) target(%arg21 : memref<128x128xf32, #tpu.memory_space<vmem>>) offsets(%arg18 : memref<128xi32, #tpu.memory_space<vmem>>) semaphore(%arg34 : memref<!tpu.dma_semaphore, #tpu.memory_space<semaphore_mem>>) {add = true}
      %dma_wait3A_331 = arith.constant 0 : i32
      %dma_wait3A_332 = arith.constant 0 : i32
      %dma_wait3A_333 = tpu.memref_slice %arg23[%dma_wait3A_331, %dma_wait3A_332] : memref<1536x128xf32, #tpu.memory_space<vmem_shared>> -> memref<1536x128xf32, #tpu.memory_space<vmem_shared>>
      tpu.wait_indirect_dma semaphore(%arg33 : memref<!tpu.dma_semaphore, #tpu.memory_space<semaphore_mem>>) src(%dma_wait3A_333 : memref<1536x128xf32, #tpu.memory_space<vmem_shared>>) dst(%arg20 : memref<128x128xf32, #tpu.memory_space<vmem>>)
      %parallel_loop3A = arith.constant 0 : i32
      %parallel_loop3A_334 = arith.constant 128 : i32
      %parallel_loop3A_335 = arith.constant 1 : i32
      scf.for %parallel_loop3A_659 = %parallel_loop3A to %parallel_loop3A_334 step %parallel_loop3A_335  : i32 {
        %parallel_loop3A_660 = arith.index_cast %parallel_loop3A_659 : i32 to index
        %parallel_loop3A_661 = arith.constant 0 : index
        %parallel_loop3A_662 = tpu.vector_load %arg20[%parallel_loop3A_660, %parallel_loop3A_661] {strides = array<i32>} : memref<128x128xf32, #tpu.memory_space<vmem>>, vector<16xf32>,
        %parallel_loop3A_663 = arith.mulf %parallel_loop3A_662, %parallel_loop3A_662 : vector<16xf32>
        %parallel_loop3A_664 = arith.index_cast %parallel_loop3A_659 : i32 to index
        %parallel_loop3A_665 = arith.constant 16 : index
        %parallel_loop3A_666 = tpu.vector_load %arg20[%parallel_loop3A_664, %parallel_loop3A_665] {strides = array<i32>} : memref<128x128xf32, #tpu.memory_space<vmem>>, vector<16xf32>,
        %parallel_loop3A_667 = arith.addf %parallel_loop3A_662, %parallel_loop3A_666 : vector<16xf32>
        %parallel_loop3A_668 = arith.mulf %parallel_loop3A_666, %parallel_loop3A_666 : vector<16xf32>
        %parallel_loop3A_669 = arith.addf %parallel_loop3A_663, %parallel_loop3A_668 : vector<16xf32>
        %parallel_loop3A_670 = arith.index_cast %parallel_loop3A_659 : i32 to index
        %parallel_loop3A_671 = arith.constant 32 : index
        %parallel_loop3A_672 = tpu.vector_load %arg20[%parallel_loop3A_670, %parallel_loop3A_671] {strides = array<i32>} : memref<128x128xf32, #tpu.memory_space<vmem>>, vector<16xf32>,
        %parallel_loop3A_673 = arith.addf %parallel_loop3A_667, %parallel_loop3A_672 : vector<16xf32>
        %parallel_loop3A_674 = arith.mulf %parallel_loop3A_672, %parallel_loop3A_672 : vector<16xf32>
        %parallel_loop3A_675 = arith.addf %parallel_loop3A_669, %parallel_loop3A_674 : vector<16xf32>
        %parallel_loop3A_676 = arith.index_cast %parallel_loop3A_659 : i32 to index
        %parallel_loop3A_677 = arith.constant 48 : index
        %parallel_loop3A_678 = tpu.vector_load %arg20[%parallel_loop3A_676, %parallel_loop3A_677] {strides = array<i32>} : memref<128x128xf32, #tpu.memory_space<vmem>>, vector<16xf32>,
        %parallel_loop3A_679 = arith.addf %parallel_loop3A_673, %parallel_loop3A_678 : vector<16xf32>
        %parallel_loop3A_680 = arith.mulf %parallel_loop3A_678, %parallel_loop3A_678 : vector<16xf32>
        %parallel_loop3A_681 = arith.addf %parallel_loop3A_675, %parallel_loop3A_680 : vector<16xf32>
        %parallel_loop3A_682 = arith.index_cast %parallel_loop3A_659 : i32 to index
        %parallel_loop3A_683 = arith.constant 64 : index
        %parallel_loop3A_684 = tpu.vector_load %arg20[%parallel_loop3A_682, %parallel_loop3A_683] {strides = array<i32>} : memref<128x128xf32, #tpu.memory_space<vmem>>, vector<16xf32>,
        %parallel_loop3A_685 = arith.addf %parallel_loop3A_679, %parallel_loop3A_684 : vector<16xf32>
        %parallel_loop3A_686 = arith.mulf %parallel_loop3A_684, %parallel_loop3A_684 : vector<16xf32>
        %parallel_loop3A_687 = arith.addf %parallel_loop3A_681, %parallel_loop3A_686 : vector<16xf32>
        %parallel_loop3A_688 = arith.index_cast %parallel_loop3A_659 : i32 to index
        %parallel_loop3A_689 = arith.constant 80 : index
        %parallel_loop3A_690 = tpu.vector_load %arg20[%parallel_loop3A_688, %parallel_loop3A_689] {strides = array<i32>} : memref<128x128xf32, #tpu.memory_space<vmem>>, vector<16xf32>,
        %parallel_loop3A_691 = arith.addf %parallel_loop3A_685, %parallel_loop3A_690 : vector<16xf32>
        %parallel_loop3A_692 = arith.mulf %parallel_loop3A_690, %parallel_loop3A_690 : vector<16xf32>
        %parallel_loop3A_693 = arith.addf %parallel_loop3A_687, %parallel_loop3A_692 : vector<16xf32>
        %parallel_loop3A_694 = arith.index_cast %parallel_loop3A_659 : i32 to index
        %parallel_loop3A_695 = arith.constant 96 : index
        %parallel_loop3A_696 = tpu.vector_load %arg20[%parallel_loop3A_694, %parallel_loop3A_695] {strides = array<i32>} : memref<128x128xf32, #tpu.memory_space<vmem>>, vector<16xf32>,
        %parallel_loop3A_697 = arith.addf %parallel_loop3A_691, %parallel_loop3A_696 : vector<16xf32>
        %parallel_loop3A_698 = arith.mulf %parallel_loop3A_696, %parallel_loop3A_696 : vector<16xf32>
        %parallel_loop3A_699 = arith.addf %parallel_loop3A_693, %parallel_loop3A_698 : vector<16xf32>
        %parallel_loop3A_700 = arith.index_cast %parallel_loop3A_659 : i32 to index
        %parallel_loop3A_701 = arith.constant 112 : index
        %parallel_loop3A_702 = tpu.vector_load %arg20[%parallel_loop3A_700, %parallel_loop3A_701] {strides = array<i32>} : memref<128x128xf32, #tpu.memory_space<vmem>>, vector<16xf32>,
        %parallel_loop3A_703 = arith.addf %parallel_loop3A_697, %parallel_loop3A_702 : vector<16xf32>
        %parallel_loop3A_704 = arith.mulf %parallel_loop3A_702, %parallel_loop3A_702 : vector<16xf32>
        %parallel_loop3A_705 = arith.addf %parallel_loop3A_699, %parallel_loop3A_704 : vector<16xf32>
        %parallel_loop3A_706 = arith.constant true
        %parallel_loop3A_707 = vector.broadcast %parallel_loop3A_706 : i1 to vector<16xi1>
        %parallel_loop3A_708 = tpu.scan <sum>, %parallel_loop3A_703 masked %parallel_loop3A_707 : vector<16xf32>, vector<16xi1> -> vector<16xf32>
        %parallel_loop3A_709 = vector.extract %parallel_loop3A_708[15] : f32 from vector<16xf32>
        %parallel_loop3A_710 = vector.broadcast %parallel_loop3A_709 : f32 to vector<16xf32>
        %parallel_loop3A_711 = arith.constant 7.812500e-03 : f32
        %parallel_loop3A_712 = vector.broadcast %parallel_loop3A_711 : f32 to vector<16xf32>
        %parallel_loop3A_713 = arith.mulf %parallel_loop3A_710, %parallel_loop3A_712 : vector<16xf32>
        %parallel_loop3A_714 = arith.constant true
        %parallel_loop3A_715 = vector.broadcast %parallel_loop3A_714 : i1 to vector<16xi1>
        %parallel_loop3A_716 = tpu.scan <sum>, %parallel_loop3A_705 masked %parallel_loop3A_715 : vector<16xf32>, vector<16xi1> -> vector<16xf32>
        %parallel_loop3A_717 = vector.extract %parallel_loop3A_716[15] : f32 from vector<16xf32>
        %parallel_loop3A_718 = vector.broadcast %parallel_loop3A_717 : f32 to vector<16xf32>
        %parallel_loop3A_719 = arith.constant 7.812500e-03 : f32
        %parallel_loop3A_720 = vector.broadcast %parallel_loop3A_719 : f32 to vector<16xf32>
        %parallel_loop3A_721 = arith.mulf %parallel_loop3A_718, %parallel_loop3A_720 : vector<16xf32>
        %parallel_loop3A_722 = arith.mulf %parallel_loop3A_713, %parallel_loop3A_713 : vector<16xf32>
        %parallel_loop3A_723 = arith.subf %parallel_loop3A_721, %parallel_loop3A_722 : vector<16xf32>
        %parallel_loop3A_724 = arith.constant 9.99999974E-6 : f32
        %parallel_loop3A_725 = vector.broadcast %parallel_loop3A_724 : f32 to vector<16xf32>
        %parallel_loop3A_726 = arith.addf %parallel_loop3A_723, %parallel_loop3A_725 : vector<16xf32>
        %parallel_loop3A_727 = vector.bitcast %parallel_loop3A_726 : vector<16xf32> to vector<16xi32>
        %parallel_loop3A_728 = arith.constant 1 : i32
        %parallel_loop3A_729 = vector.broadcast %parallel_loop3A_728 : i32 to vector<16xi32>
        %parallel_loop3A_730 = arith.shrsi %parallel_loop3A_727, %parallel_loop3A_729 : vector<16xi32>
        %parallel_loop3A_731 = arith.constant 1597463007 : i32
        %parallel_loop3A_732 = vector.broadcast %parallel_loop3A_731 : i32 to vector<16xi32>
        %parallel_loop3A_733 = arith.subi %parallel_loop3A_732, %parallel_loop3A_730 : vector<16xi32>
        %parallel_loop3A_734 = vector.bitcast %parallel_loop3A_733 : vector<16xi32> to vector<16xf32>
        %parallel_loop3A_735 = arith.constant 5.000000e-01 : f32
        %parallel_loop3A_736 = vector.broadcast %parallel_loop3A_735 : f32 to vector<16xf32>
        %parallel_loop3A_737 = arith.mulf %parallel_loop3A_736, %parallel_loop3A_726 : vector<16xf32>
        %parallel_loop3A_738 = arith.mulf %parallel_loop3A_737, %parallel_loop3A_734 : vector<16xf32>
        %parallel_loop3A_739 = arith.mulf %parallel_loop3A_738, %parallel_loop3A_734 : vector<16xf32>
        %parallel_loop3A_740 = arith.constant 1.500000e+00 : f32
        %parallel_loop3A_741 = vector.broadcast %parallel_loop3A_740 : f32 to vector<16xf32>
        %parallel_loop3A_742 = arith.subf %parallel_loop3A_741, %parallel_loop3A_739 : vector<16xf32>
        %parallel_loop3A_743 = arith.mulf %parallel_loop3A_734, %parallel_loop3A_742 : vector<16xf32>
        %parallel_loop3A_744 = arith.constant 5.000000e-01 : f32
        %parallel_loop3A_745 = vector.broadcast %parallel_loop3A_744 : f32 to vector<16xf32>
        %parallel_loop3A_746 = arith.mulf %parallel_loop3A_745, %parallel_loop3A_726 : vector<16xf32>
        %parallel_loop3A_747 = arith.mulf %parallel_loop3A_746, %parallel_loop3A_743 : vector<16xf32>
        %parallel_loop3A_748 = arith.mulf %parallel_loop3A_747, %parallel_loop3A_743 : vector<16xf32>
        %parallel_loop3A_749 = arith.constant 1.500000e+00 : f32
        %parallel_loop3A_750 = vector.broadcast %parallel_loop3A_749 : f32 to vector<16xf32>
        %parallel_loop3A_751 = arith.subf %parallel_loop3A_750, %parallel_loop3A_748 : vector<16xf32>
        %parallel_loop3A_752 = arith.mulf %parallel_loop3A_743, %parallel_loop3A_751 : vector<16xf32>
        %parallel_loop3A_753 = arith.subf %parallel_loop3A_662, %parallel_loop3A_713 : vector<16xf32>
        %parallel_loop3A_754 = arith.mulf %parallel_loop3A_753, %parallel_loop3A_752 : vector<16xf32>
        %parallel_loop3A_755 = arith.mulf %parallel_loop3A_754, %get3A_5 : vector<16xf32>
        %parallel_loop3A_756 = arith.addf %parallel_loop3A_755, %get3A_21 : vector<16xf32>
        %parallel_loop3A_757 = arith.index_cast %parallel_loop3A_659 : i32 to index
        %parallel_loop3A_758 = arith.constant 0 : index
        %parallel_loop3A_759 = tpu.vector_load %arg20[%parallel_loop3A_757, %parallel_loop3A_758] {strides = array<i32>} : memref<128x128xf32, #tpu.memory_space<vmem>>, vector<16xf32>,
        tpu.vector_store %arg20[%parallel_loop3A_757, %parallel_loop3A_758], %parallel_loop3A_756 {strides = array<i32>} : memref<128x128xf32, #tpu.memory_space<vmem>>, vector<16xf32>,
        %parallel_loop3A_760 = arith.subf %parallel_loop3A_666, %parallel_loop3A_713 : vector<16xf32>
        %parallel_loop3A_761 = arith.mulf %parallel_loop3A_760, %parallel_loop3A_752 : vector<16xf32>
        %parallel_loop3A_762 = arith.mulf %parallel_loop3A_761, %get3A_7 : vector<16xf32>
        %parallel_loop3A_763 = arith.addf %parallel_loop3A_762, %get3A_23 : vector<16xf32>
        %parallel_loop3A_764 = arith.index_cast %parallel_loop3A_659 : i32 to index
        %parallel_loop3A_765 = arith.constant 16 : index
        %parallel_loop3A_766 = tpu.vector_load %arg20[%parallel_loop3A_764, %parallel_loop3A_765] {strides = array<i32>} : memref<128x128xf32, #tpu.memory_space<vmem>>, vector<16xf32>,
        tpu.vector_store %arg20[%parallel_loop3A_764, %parallel_loop3A_765], %parallel_loop3A_763 {strides = array<i32>} : memref<128x128xf32, #tpu.memory_space<vmem>>, vector<16xf32>,
        %parallel_loop3A_767 = arith.subf %parallel_loop3A_672, %parallel_loop3A_713 : vector<16xf32>
        %parallel_loop3A_768 = arith.mulf %parallel_loop3A_767, %parallel_loop3A_752 : vector<16xf32>
        %parallel_loop3A_769 = arith.mulf %parallel_loop3A_768, %get3A_9 : vector<16xf32>
        %parallel_loop3A_770 = arith.addf %parallel_loop3A_769, %get3A_25 : vector<16xf32>
        %parallel_loop3A_771 = arith.index_cast %parallel_loop3A_659 : i32 to index
        %parallel_loop3A_772 = arith.constant 32 : index
        %parallel_loop3A_773 = tpu.vector_load %arg20[%parallel_loop3A_771, %parallel_loop3A_772] {strides = array<i32>} : memref<128x128xf32, #tpu.memory_space<vmem>>, vector<16xf32>,
        tpu.vector_store %arg20[%parallel_loop3A_771, %parallel_loop3A_772], %parallel_loop3A_770 {strides = array<i32>} : memref<128x128xf32, #tpu.memory_space<vmem>>, vector<16xf32>,
        %parallel_loop3A_774 = arith.subf %parallel_loop3A_678, %parallel_loop3A_713 : vector<16xf32>
        %parallel_loop3A_775 = arith.mulf %parallel_loop3A_774, %parallel_loop3A_752 : vector<16xf32>
        %parallel_loop3A_776 = arith.mulf %parallel_loop3A_775, %get3A_11 : vector<16xf32>
        %parallel_loop3A_777 = arith.addf %parallel_loop3A_776, %get3A_27 : vector<16xf32>
        %parallel_loop3A_778 = arith.index_cast %parallel_loop3A_659 : i32 to index
        %parallel_loop3A_779 = arith.constant 48 : index
        %parallel_loop3A_780 = tpu.vector_load %arg20[%parallel_loop3A_778, %parallel_loop3A_779] {strides = array<i32>} : memref<128x128xf32, #tpu.memory_space<vmem>>, vector<16xf32>,
        tpu.vector_store %arg20[%parallel_loop3A_778, %parallel_loop3A_779], %parallel_loop3A_777 {strides = array<i32>} : memref<128x128xf32, #tpu.memory_space<vmem>>, vector<16xf32>,
        %parallel_loop3A_781 = arith.subf %parallel_loop3A_684, %parallel_loop3A_713 : vector<16xf32>
        %parallel_loop3A_782 = arith.mulf %parallel_loop3A_781, %parallel_loop3A_752 : vector<16xf32>
        %parallel_loop3A_783 = arith.mulf %parallel_loop3A_782, %get3A_13 : vector<16xf32>
        %parallel_loop3A_784 = arith.addf %parallel_loop3A_783, %get3A_29 : vector<16xf32>
        %parallel_loop3A_785 = arith.index_cast %parallel_loop3A_659 : i32 to index
        %parallel_loop3A_786 = arith.constant 64 : index
        %parallel_loop3A_787 = tpu.vector_load %arg20[%parallel_loop3A_785, %parallel_loop3A_786] {strides = array<i32>} : memref<128x128xf32, #tpu.memory_space<vmem>>, vector<16xf32>,
        tpu.vector_store %arg20[%parallel_loop3A_785, %parallel_loop3A_786], %parallel_loop3A_784 {strides = array<i32>} : memref<128x128xf32, #tpu.memory_space<vmem>>, vector<16xf32>,
        %parallel_loop3A_788 = arith.subf %parallel_loop3A_690, %parallel_loop3A_713 : vector<16xf32>
        %parallel_loop3A_789 = arith.mulf %parallel_loop3A_788, %parallel_loop3A_752 : vector<16xf32>
        %parallel_loop3A_790 = arith.mulf %parallel_loop3A_789, %get3A_15 : vector<16xf32>
        %parallel_loop3A_791 = arith.addf %parallel_loop3A_790, %get3A_31 : vector<16xf32>
        %parallel_loop3A_792 = arith.index_cast %parallel_loop3A_659 : i32 to index
        %parallel_loop3A_793 = arith.constant 80 : index
        %parallel_loop3A_794 = tpu.vector_load %arg20[%parallel_loop3A_792, %parallel_loop3A_793] {strides = array<i32>} : memref<128x128xf32, #tpu.memory_space<vmem>>, vector<16xf32>,
        tpu.vector_store %arg20[%parallel_loop3A_792, %parallel_loop3A_793], %parallel_loop3A_791 {strides = array<i32>} : memref<128x128xf32, #tpu.memory_space<vmem>>, vector<16xf32>,
        %parallel_loop3A_795 = arith.subf %parallel_loop3A_696, %parallel_loop3A_713 : vector<16xf32>
        %parallel_loop3A_796 = arith.mulf %parallel_loop3A_795, %parallel_loop3A_752 : vector<16xf32>
        %parallel_loop3A_797 = arith.mulf %parallel_loop3A_796, %get3A_17 : vector<16xf32>
        %parallel_loop3A_798 = arith.addf %parallel_loop3A_797, %get3A_33 : vector<16xf32>
        %parallel_loop3A_799 = arith.index_cast %parallel_loop3A_659 : i32 to index
        %parallel_loop3A_800 = arith.constant 96 : index
        %parallel_loop3A_801 = tpu.vector_load %arg20[%parallel_loop3A_799, %parallel_loop3A_800] {strides = array<i32>} : memref<128x128xf32, #tpu.memory_space<vmem>>, vector<16xf32>,
        tpu.vector_store %arg20[%parallel_loop3A_799, %parallel_loop3A_800], %parallel_loop3A_798 {strides = array<i32>} : memref<128x128xf32, #tpu.memory_space<vmem>>, vector<16xf32>,
        %parallel_loop3A_802 = arith.subf %parallel_loop3A_702, %parallel_loop3A_713 : vector<16xf32>
        %parallel_loop3A_803 = arith.mulf %parallel_loop3A_802, %parallel_loop3A_752 : vector<16xf32>
        %parallel_loop3A_804 = arith.mulf %parallel_loop3A_803, %get3A_19 : vector<16xf32>
        %parallel_loop3A_805 = arith.addf %parallel_loop3A_804, %get3A_35 : vector<16xf32>
        %parallel_loop3A_806 = arith.index_cast %parallel_loop3A_659 : i32 to index
        %parallel_loop3A_807 = arith.constant 112 : index
        %parallel_loop3A_808 = tpu.vector_load %arg20[%parallel_loop3A_806, %parallel_loop3A_807] {strides = array<i32>} : memref<128x128xf32, #tpu.memory_space<vmem>>, vector<16xf32>,
        tpu.vector_store %arg20[%parallel_loop3A_806, %parallel_loop3A_807], %parallel_loop3A_805 {strides = array<i32>} : memref<128x128xf32, #tpu.memory_space<vmem>>, vector<16xf32>,
      } {sc.loop_unroll_factor = 1 : i64, sc.parallel_access}
      %min3A_336 = arith.constant 127 : i32
      %min3A_337 = arith.minsi %add3A_209, %min3A_336 : i32
      %mul3A_338 = arith.constant 128 : i32
      %mul3A_339 = arith.muli %min3A_337, %mul3A_338 : i32
      %add3A_340 = arith.addi %mul3A_2, %mul3A_339 : i32
      %dma_start3A_341 = arith.constant 0 : i32
      %dma_start3A_342 = tpu.memref_slice %arg8[%add3A_340, %dma_start3A_341] : memref<524288x128xf32, #tpu.memory_space<hbm>> -> memref<128x128xf32, #tpu.memory_space<hbm>>
      %dma_start3A_343 = arith.constant 0 : i32
      %dma_start3A_344 = tpu.memref_slice %arg8[%add3A_340, %dma_start3A_343] : memref<524288x128xf32, #tpu.memory_space<hbm>> -> memref<128x128xf32, #tpu.memory_space<hbm>>
      tpu.enqueue_dma source(%arg20 : memref<128x128xf32, #tpu.memory_space<vmem>>) target(%dma_start3A_344 : memref<128x128xf32, #tpu.memory_space<hbm>>) target_semaphore(%arg36 : memref<!tpu.dma_semaphore, #tpu.memory_space<semaphore_mem>>)
      %add3A_345 = arith.constant 3 : i32
      %add3A_346 = arith.addi %add3A_209, %add3A_345 : i32
      %min3A_347 = arith.constant 127 : i32
      %min3A_348 = arith.minsi %add3A_346, %min3A_347 : i32
      %mul3A_349 = arith.constant 128 : i32
      %mul3A_350 = arith.muli %min3A_348, %mul3A_349 : i32
      %add3A_351 = arith.addi %mul3A_2, %mul3A_350 : i32
      %dma_start3A_352 = tpu.memref_slice %arg2[%add3A_351] : memref<524288xi32, #tpu.memory_space<hbm>> -> memref<128xi32, #tpu.memory_space<hbm>>
      %dma_start3A_353 = tpu.memref_slice %arg2[%add3A_351] : memref<524288xi32, #tpu.memory_space<hbm>> -> memref<128xi32, #tpu.memory_space<hbm>>
      tpu.enqueue_dma source(%dma_start3A_353 : memref<128xi32, #tpu.memory_space<hbm>>) target(%arg11 : memref<128xi32, #tpu.memory_space<vmem>>) target_semaphore(%arg24 : memref<!tpu.dma_semaphore, #tpu.memory_space<semaphore_mem>>)
      %dma_start3A_354 = tpu.memref_slice %arg3[%add3A_351] : memref<524288xi32, #tpu.memory_space<hbm>> -> memref<128xi32, #tpu.memory_space<hbm>>
      %dma_start3A_355 = tpu.memref_slice %arg3[%add3A_351] : memref<524288xi32, #tpu.memory_space<hbm>> -> memref<128xi32, #tpu.memory_space<hbm>>
      tpu.enqueue_dma source(%dma_start3A_355 : memref<128xi32, #tpu.memory_space<hbm>>) target(%arg14 : memref<128xi32, #tpu.memory_space<vmem>>) target_semaphore(%arg27 : memref<!tpu.dma_semaphore, #tpu.memory_space<semaphore_mem>>)
      %mul3A_356 = arith.constant 3 : i32
      %mul3A_357 = arith.muli %scan3A_204, %mul3A_356 : i32
      %add3A_358 = arith.constant 1 : i32
      %add3A_359 = arith.addi %mul3A_357, %add3A_358 : i32
      %dma_wait3A_360 = arith.constant 0 : i32
      %dma_wait3A_361 = tpu.memref_slice %arg8[%mul3A_2, %dma_wait3A_360] : memref<524288x128xf32, #tpu.memory_space<hbm>> -> memref<128x128xf32, #tpu.memory_space<hbm>>
      %dma_wait3A_362 = arith.constant 0 : i32
      %dma_wait3A_363 = tpu.memref_slice %arg8[%mul3A_2, %dma_wait3A_362] : memref<524288x128xf32, #tpu.memory_space<hbm>> -> memref<128x128xf32, #tpu.memory_space<hbm>>
      tpu.wait_dma2 semaphore(%arg36 : memref<!tpu.dma_semaphore, #tpu.memory_space<semaphore_mem>>) src(%arg20 : memref<128x128xf32, #tpu.memory_space<vmem>>) dst(%dma_wait3A_363 : memref<128x128xf32, #tpu.memory_space<hbm>>)
      %dma_wait3A_364 = tpu.memref_slice %arg2[%mul3A_2] : memref<524288xi32, #tpu.memory_space<hbm>> -> memref<128xi32, #tpu.memory_space<hbm>>
      %dma_wait3A_365 = tpu.memref_slice %arg2[%mul3A_2] : memref<524288xi32, #tpu.memory_space<hbm>> -> memref<128xi32, #tpu.memory_space<hbm>>
      tpu.wait_dma2 semaphore(%arg24 : memref<!tpu.dma_semaphore, #tpu.memory_space<semaphore_mem>>) src(%dma_wait3A_365 : memref<128xi32, #tpu.memory_space<hbm>>) dst(%arg11 : memref<128xi32, #tpu.memory_space<vmem>>)
      %dma_start3A_366 = arith.constant 0 : i32
      %dma_start3A_367 = arith.constant 0 : i32
      %dma_start3A_368 = tpu.memref_slice %arg4[%dma_start3A_366, %dma_start3A_367] : memref<100000x128xf32, #tpu.memory_space<hbm>> -> memref<100000x128xf32, #tpu.memory_space<hbm>>
      tpu.enqueue_indirect_dma source(%dma_start3A_368 : memref<100000x128xf32, #tpu.memory_space<hbm>>) target(%arg20 : memref<128x128xf32, #tpu.memory_space<vmem>>) offsets(%arg11 : memref<128xi32, #tpu.memory_space<vmem>>) semaphore(%arg30 : memref<!tpu.dma_semaphore, #tpu.memory_space<semaphore_mem>>)
      %dma_wait3A_369 = tpu.memref_slice %arg3[%mul3A_2] : memref<524288xi32, #tpu.memory_space<hbm>> -> memref<128xi32, #tpu.memory_space<hbm>>
      %dma_wait3A_370 = tpu.memref_slice %arg3[%mul3A_2] : memref<524288xi32, #tpu.memory_space<hbm>> -> memref<128xi32, #tpu.memory_space<hbm>>
      tpu.wait_dma2 semaphore(%arg29 : memref<!tpu.dma_semaphore, #tpu.memory_space<semaphore_mem>>) src(%dma_wait3A_370 : memref<128xi32, #tpu.memory_space<hbm>>) dst(%arg16 : memref<128xi32, #tpu.memory_space<vmem>>)
      %add3A_371 = arith.constant 1 : i32
      %add3A_372 = arith.addi %add3A_359, %add3A_371 : i32
      %min3A_373 = arith.constant 127 : i32
      %min3A_374 = arith.minsi %add3A_372, %min3A_373 : i32
      %rem3A_375 = arith.constant 4 : i32
      %rem3A_376 = arith.remsi %min3A_374, %rem3A_375 : i32
      %mul3A_377 = arith.constant 128 : i32
      %mul3A_378 = arith.muli %rem3A_376, %mul3A_377 : i32
      %get3A_379 = arith.constant 0 : index
      %get3A_380 = tpu.vector_load %arg16[%get3A_379] {strides = array<i32>} : memref<128xi32, #tpu.memory_space<vmem>>, vector<16xi32>,
      %mul3A_381 = arith.constant 512 : i32
      %mul3A_382 = vector.broadcast %mul3A_381 : i32 to vector<16xi32>
      %mul3A_383 = arith.muli %get3A_380, %mul3A_382 : vector<16xi32>
      %add3A_384 = arith.constant 0 : i32
      %add3A_385 = arith.addi %mul3A_378, %add3A_384 : i32
      %add3A_386 = vector.broadcast %add3A_385 : i32 to vector<16xi32>
      %add3A_387 = arith.addi %add3A_386, %iota3A : vector<16xi32>
      %add3A_388 = arith.addi %mul3A_383, %add3A_387 : vector<16xi32>
      %swap3A_389 = arith.constant 0 : index
      %swap3A_390 = tpu.vector_load %arg19[%swap3A_389] {strides = array<i32>} : memref<128xi32, #tpu.memory_space<vmem>>, vector<16xi32>,
      tpu.vector_store %arg19[%swap3A_389], %add3A_388 {strides = array<i32>} : memref<128xi32, #tpu.memory_space<vmem>>, vector<16xi32>,
      %get3A_391 = arith.constant 16 : index
      %get3A_392 = tpu.vector_load %arg16[%get3A_391] {strides = array<i32>} : memref<128xi32, #tpu.memory_space<vmem>>, vector<16xi32>,
      %mul3A_393 = arith.constant 512 : i32
      %mul3A_394 = vector.broadcast %mul3A_393 : i32 to vector<16xi32>
      %mul3A_395 = arith.muli %get3A_392, %mul3A_394 : vector<16xi32>
      %add3A_396 = arith.constant 16 : i32
      %add3A_397 = arith.addi %mul3A_378, %add3A_396 : i32
      %add3A_398 = vector.broadcast %add3A_397 : i32 to vector<16xi32>
      %add3A_399 = arith.addi %add3A_398, %iota3A : vector<16xi32>
      %add3A_400 = arith.addi %mul3A_395, %add3A_399 : vector<16xi32>
      %swap3A_401 = arith.constant 16 : index
      %swap3A_402 = tpu.vector_load %arg19[%swap3A_401] {strides = array<i32>} : memref<128xi32, #tpu.memory_space<vmem>>, vector<16xi32>,
      tpu.vector_store %arg19[%swap3A_401], %add3A_400 {strides = array<i32>} : memref<128xi32, #tpu.memory_space<vmem>>, vector<16xi32>,
      %get3A_403 = arith.constant 32 : index
      %get3A_404 = tpu.vector_load %arg16[%get3A_403] {strides = array<i32>} : memref<128xi32, #tpu.memory_space<vmem>>, vector<16xi32>,
      %mul3A_405 = arith.constant 512 : i32
      %mul3A_406 = vector.broadcast %mul3A_405 : i32 to vector<16xi32>
      %mul3A_407 = arith.muli %get3A_404, %mul3A_406 : vector<16xi32>
      %add3A_408 = arith.constant 32 : i32
      %add3A_409 = arith.addi %mul3A_378, %add3A_408 : i32
      %add3A_410 = vector.broadcast %add3A_409 : i32 to vector<16xi32>
      %add3A_411 = arith.addi %add3A_410, %iota3A : vector<16xi32>
      %add3A_412 = arith.addi %mul3A_407, %add3A_411 : vector<16xi32>
      %swap3A_413 = arith.constant 32 : index
      %swap3A_414 = tpu.vector_load %arg19[%swap3A_413] {strides = array<i32>} : memref<128xi32, #tpu.memory_space<vmem>>, vector<16xi32>,
      tpu.vector_store %arg19[%swap3A_413], %add3A_412 {strides = array<i32>} : memref<128xi32, #tpu.memory_space<vmem>>, vector<16xi32>,
      %get3A_415 = arith.constant 48 : index
      %get3A_416 = tpu.vector_load %arg16[%get3A_415] {strides = array<i32>} : memref<128xi32, #tpu.memory_space<vmem>>, vector<16xi32>,
      %mul3A_417 = arith.constant 512 : i32
      %mul3A_418 = vector.broadcast %mul3A_417 : i32 to vector<16xi32>
      %mul3A_419 = arith.muli %get3A_416, %mul3A_418 : vector<16xi32>
      %add3A_420 = arith.constant 48 : i32
      %add3A_421 = arith.addi %mul3A_378, %add3A_420 : i32
      %add3A_422 = vector.broadcast %add3A_421 : i32 to vector<16xi32>
      %add3A_423 = arith.addi %add3A_422, %iota3A : vector<16xi32>
      %add3A_424 = arith.addi %mul3A_419, %add3A_423 : vector<16xi32>
      %swap3A_425 = arith.constant 48 : index
      %swap3A_426 = tpu.vector_load %arg19[%swap3A_425] {strides = array<i32>} : memref<128xi32, #tpu.memory_space<vmem>>, vector<16xi32>,
      tpu.vector_store %arg19[%swap3A_425], %add3A_424 {strides = array<i32>} : memref<128xi32, #tpu.memory_space<vmem>>, vector<16xi32>,
      %get3A_427 = arith.constant 64 : index
      %get3A_428 = tpu.vector_load %arg16[%get3A_427] {strides = array<i32>} : memref<128xi32, #tpu.memory_space<vmem>>, vector<16xi32>,
      %mul3A_429 = arith.constant 512 : i32
      %mul3A_430 = vector.broadcast %mul3A_429 : i32 to vector<16xi32>
      %mul3A_431 = arith.muli %get3A_428, %mul3A_430 : vector<16xi32>
      %add3A_432 = arith.constant 64 : i32
      %add3A_433 = arith.addi %mul3A_378, %add3A_432 : i32
      %add3A_434 = vector.broadcast %add3A_433 : i32 to vector<16xi32>
      %add3A_435 = arith.addi %add3A_434, %iota3A : vector<16xi32>
      %add3A_436 = arith.addi %mul3A_431, %add3A_435 : vector<16xi32>
      %swap3A_437 = arith.constant 64 : index
      %swap3A_438 = tpu.vector_load %arg19[%swap3A_437] {strides = array<i32>} : memref<128xi32, #tpu.memory_space<vmem>>, vector<16xi32>,
      tpu.vector_store %arg19[%swap3A_437], %add3A_436 {strides = array<i32>} : memref<128xi32, #tpu.memory_space<vmem>>, vector<16xi32>,
      %get3A_439 = arith.constant 80 : index
      %get3A_440 = tpu.vector_load %arg16[%get3A_439] {strides = array<i32>} : memref<128xi32, #tpu.memory_space<vmem>>, vector<16xi32>,
      %mul3A_441 = arith.constant 512 : i32
      %mul3A_442 = vector.broadcast %mul3A_441 : i32 to vector<16xi32>
      %mul3A_443 = arith.muli %get3A_440, %mul3A_442 : vector<16xi32>
      %add3A_444 = arith.constant 80 : i32
      %add3A_445 = arith.addi %mul3A_378, %add3A_444 : i32
      %add3A_446 = vector.broadcast %add3A_445 : i32 to vector<16xi32>
      %add3A_447 = arith.addi %add3A_446, %iota3A : vector<16xi32>
      %add3A_448 = arith.addi %mul3A_443, %add3A_447 : vector<16xi32>
      %swap3A_449 = arith.constant 80 : index
      %swap3A_450 = tpu.vector_load %arg19[%swap3A_449] {strides = array<i32>} : memref<128xi32, #tpu.memory_space<vmem>>, vector<16xi32>,
      tpu.vector_store %arg19[%swap3A_449], %add3A_448 {strides = array<i32>} : memref<128xi32, #tpu.memory_space<vmem>>, vector<16xi32>,
      %get3A_451 = arith.constant 96 : index
      %get3A_452 = tpu.vector_load %arg16[%get3A_451] {strides = array<i32>} : memref<128xi32, #tpu.memory_space<vmem>>, vector<16xi32>,
      %mul3A_453 = arith.constant 512 : i32
      %mul3A_454 = vector.broadcast %mul3A_453 : i32 to vector<16xi32>
      %mul3A_455 = arith.muli %get3A_452, %mul3A_454 : vector<16xi32>
      %add3A_456 = arith.constant 96 : i32
      %add3A_457 = arith.addi %mul3A_378, %add3A_456 : i32
      %add3A_458 = vector.broadcast %add3A_457 : i32 to vector<16xi32>
      %add3A_459 = arith.addi %add3A_458, %iota3A : vector<16xi32>
      %add3A_460 = arith.addi %mul3A_455, %add3A_459 : vector<16xi32>
      %swap3A_461 = arith.constant 96 : index
      %swap3A_462 = tpu.vector_load %arg19[%swap3A_461] {strides = array<i32>} : memref<128xi32, #tpu.memory_space<vmem>>, vector<16xi32>,
      tpu.vector_store %arg19[%swap3A_461], %add3A_460 {strides = array<i32>} : memref<128xi32, #tpu.memory_space<vmem>>, vector<16xi32>,
      %get3A_463 = arith.constant 112 : index
      %get3A_464 = tpu.vector_load %arg16[%get3A_463] {strides = array<i32>} : memref<128xi32, #tpu.memory_space<vmem>>, vector<16xi32>,
      %mul3A_465 = arith.constant 512 : i32
      %mul3A_466 = vector.broadcast %mul3A_465 : i32 to vector<16xi32>
      %mul3A_467 = arith.muli %get3A_464, %mul3A_466 : vector<16xi32>
      %add3A_468 = arith.constant 112 : i32
      %add3A_469 = arith.addi %mul3A_378, %add3A_468 : i32
      %add3A_470 = vector.broadcast %add3A_469 : i32 to vector<16xi32>
      %add3A_471 = arith.addi %add3A_470, %iota3A : vector<16xi32>
      %add3A_472 = arith.addi %mul3A_467, %add3A_471 : vector<16xi32>
      %swap3A_473 = arith.constant 112 : index
      %swap3A_474 = tpu.vector_load %arg19[%swap3A_473] {strides = array<i32>} : memref<128xi32, #tpu.memory_space<vmem>>, vector<16xi32>,
      tpu.vector_store %arg19[%swap3A_473], %add3A_472 {strides = array<i32>} : memref<128xi32, #tpu.memory_space<vmem>>, vector<16xi32>,
      %dma_wait3A_475 = arith.constant 0 : i32
      %dma_wait3A_476 = arith.constant 0 : i32
      %dma_wait3A_477 = tpu.memref_slice %arg4[%dma_wait3A_475, %dma_wait3A_476] : memref<100000x128xf32, #tpu.memory_space<hbm>> -> memref<100000x128xf32, #tpu.memory_space<hbm>>
      tpu.wait_indirect_dma semaphore(%arg32 : memref<!tpu.dma_semaphore, #tpu.memory_space<semaphore_mem>>) src(%dma_wait3A_477 : memref<100000x128xf32, #tpu.memory_space<hbm>>) dst(%arg22 : memref<128x128xf32, #tpu.memory_space<vmem>>)
      %dma_start3A_478 = arith.constant 0 : i32
      %dma_start3A_479 = arith.constant 0 : i32
      %dma_start3A_480 = tpu.memref_slice %arg23[%dma_start3A_478, %dma_start3A_479] : memref<1536x128xf32, #tpu.memory_space<vmem_shared>> -> memref<1536x128xf32, #tpu.memory_space<vmem_shared>>
      tpu.enqueue_indirect_dma source(%dma_start3A_480 : memref<1536x128xf32, #tpu.memory_space<vmem_shared>>) target(%arg22 : memref<128x128xf32, #tpu.memory_space<vmem>>) offsets(%arg19 : memref<128xi32, #tpu.memory_space<vmem>>) semaphore(%arg35 : memref<!tpu.dma_semaphore, #tpu.memory_space<semaphore_mem>>) {add = true}
      %dma_wait3A_481 = arith.constant 0 : i32
      %dma_wait3A_482 = arith.constant 0 : i32
      %dma_wait3A_483 = tpu.memref_slice %arg23[%dma_wait3A_481, %dma_wait3A_482] : memref<1536x128xf32, #tpu.memory_space<vmem_shared>> -> memref<1536x128xf32, #tpu.memory_space<vmem_shared>>
      tpu.wait_indirect_dma semaphore(%arg34 : memref<!tpu.dma_semaphore, #tpu.memory_space<semaphore_mem>>) src(%dma_wait3A_483 : memref<1536x128xf32, #tpu.memory_space<vmem_shared>>) dst(%arg21 : memref<128x128xf32, #tpu.memory_space<vmem>>)
      %parallel_loop3A_484 = arith.constant 0 : i32
      %parallel_loop3A_485 = arith.constant 128 : i32
      %parallel_loop3A_486 = arith.constant 1 : i32
      scf.for %parallel_loop3A_659 = %parallel_loop3A_484 to %parallel_loop3A_485 step %parallel_loop3A_486  : i32 {
        %parallel_loop3A_660 = arith.index_cast %parallel_loop3A_659 : i32 to index
        %parallel_loop3A_661 = arith.constant 0 : index
        %parallel_loop3A_662 = tpu.vector_load %arg21[%parallel_loop3A_660, %parallel_loop3A_661] {strides = array<i32>} : memref<128x128xf32, #tpu.memory_space<vmem>>, vector<16xf32>,
        %parallel_loop3A_663 = arith.mulf %parallel_loop3A_662, %parallel_loop3A_662 : vector<16xf32>
        %parallel_loop3A_664 = arith.index_cast %parallel_loop3A_659 : i32 to index
        %parallel_loop3A_665 = arith.constant 16 : index
        %parallel_loop3A_666 = tpu.vector_load %arg21[%parallel_loop3A_664, %parallel_loop3A_665] {strides = array<i32>} : memref<128x128xf32, #tpu.memory_space<vmem>>, vector<16xf32>,
        %parallel_loop3A_667 = arith.addf %parallel_loop3A_662, %parallel_loop3A_666 : vector<16xf32>
        %parallel_loop3A_668 = arith.mulf %parallel_loop3A_666, %parallel_loop3A_666 : vector<16xf32>
        %parallel_loop3A_669 = arith.addf %parallel_loop3A_663, %parallel_loop3A_668 : vector<16xf32>
        %parallel_loop3A_670 = arith.index_cast %parallel_loop3A_659 : i32 to index
        %parallel_loop3A_671 = arith.constant 32 : index
        %parallel_loop3A_672 = tpu.vector_load %arg21[%parallel_loop3A_670, %parallel_loop3A_671] {strides = array<i32>} : memref<128x128xf32, #tpu.memory_space<vmem>>, vector<16xf32>,
        %parallel_loop3A_673 = arith.addf %parallel_loop3A_667, %parallel_loop3A_672 : vector<16xf32>
        %parallel_loop3A_674 = arith.mulf %parallel_loop3A_672, %parallel_loop3A_672 : vector<16xf32>
        %parallel_loop3A_675 = arith.addf %parallel_loop3A_669, %parallel_loop3A_674 : vector<16xf32>
        %parallel_loop3A_676 = arith.index_cast %parallel_loop3A_659 : i32 to index
        %parallel_loop3A_677 = arith.constant 48 : index
        %parallel_loop3A_678 = tpu.vector_load %arg21[%parallel_loop3A_676, %parallel_loop3A_677] {strides = array<i32>} : memref<128x128xf32, #tpu.memory_space<vmem>>, vector<16xf32>,
        %parallel_loop3A_679 = arith.addf %parallel_loop3A_673, %parallel_loop3A_678 : vector<16xf32>
        %parallel_loop3A_680 = arith.mulf %parallel_loop3A_678, %parallel_loop3A_678 : vector<16xf32>
        %parallel_loop3A_681 = arith.addf %parallel_loop3A_675, %parallel_loop3A_680 : vector<16xf32>
        %parallel_loop3A_682 = arith.index_cast %parallel_loop3A_659 : i32 to index
        %parallel_loop3A_683 = arith.constant 64 : index
        %parallel_loop3A_684 = tpu.vector_load %arg21[%parallel_loop3A_682, %parallel_loop3A_683] {strides = array<i32>} : memref<128x128xf32, #tpu.memory_space<vmem>>, vector<16xf32>,
        %parallel_loop3A_685 = arith.addf %parallel_loop3A_679, %parallel_loop3A_684 : vector<16xf32>
        %parallel_loop3A_686 = arith.mulf %parallel_loop3A_684, %parallel_loop3A_684 : vector<16xf32>
        %parallel_loop3A_687 = arith.addf %parallel_loop3A_681, %parallel_loop3A_686 : vector<16xf32>
        %parallel_loop3A_688 = arith.index_cast %parallel_loop3A_659 : i32 to index
        %parallel_loop3A_689 = arith.constant 80 : index
        %parallel_loop3A_690 = tpu.vector_load %arg21[%parallel_loop3A_688, %parallel_loop3A_689] {strides = array<i32>} : memref<128x128xf32, #tpu.memory_space<vmem>>, vector<16xf32>,
        %parallel_loop3A_691 = arith.addf %parallel_loop3A_685, %parallel_loop3A_690 : vector<16xf32>
        %parallel_loop3A_692 = arith.mulf %parallel_loop3A_690, %parallel_loop3A_690 : vector<16xf32>
        %parallel_loop3A_693 = arith.addf %parallel_loop3A_687, %parallel_loop3A_692 : vector<16xf32>
        %parallel_loop3A_694 = arith.index_cast %parallel_loop3A_659 : i32 to index
        %parallel_loop3A_695 = arith.constant 96 : index
        %parallel_loop3A_696 = tpu.vector_load %arg21[%parallel_loop3A_694, %parallel_loop3A_695] {strides = array<i32>} : memref<128x128xf32, #tpu.memory_space<vmem>>, vector<16xf32>,
        %parallel_loop3A_697 = arith.addf %parallel_loop3A_691, %parallel_loop3A_696 : vector<16xf32>
        %parallel_loop3A_698 = arith.mulf %parallel_loop3A_696, %parallel_loop3A_696 : vector<16xf32>
        %parallel_loop3A_699 = arith.addf %parallel_loop3A_693, %parallel_loop3A_698 : vector<16xf32>
        %parallel_loop3A_700 = arith.index_cast %parallel_loop3A_659 : i32 to index
        %parallel_loop3A_701 = arith.constant 112 : index
        %parallel_loop3A_702 = tpu.vector_load %arg21[%parallel_loop3A_700, %parallel_loop3A_701] {strides = array<i32>} : memref<128x128xf32, #tpu.memory_space<vmem>>, vector<16xf32>,
        %parallel_loop3A_703 = arith.addf %parallel_loop3A_697, %parallel_loop3A_702 : vector<16xf32>
        %parallel_loop3A_704 = arith.mulf %parallel_loop3A_702, %parallel_loop3A_702 : vector<16xf32>
        %parallel_loop3A_705 = arith.addf %parallel_loop3A_699, %parallel_loop3A_704 : vector<16xf32>
        %parallel_loop3A_706 = arith.constant true
        %parallel_loop3A_707 = vector.broadcast %parallel_loop3A_706 : i1 to vector<16xi1>
        %parallel_loop3A_708 = tpu.scan <sum>, %parallel_loop3A_703 masked %parallel_loop3A_707 : vector<16xf32>, vector<16xi1> -> vector<16xf32>
        %parallel_loop3A_709 = vector.extract %parallel_loop3A_708[15] : f32 from vector<16xf32>
        %parallel_loop3A_710 = vector.broadcast %parallel_loop3A_709 : f32 to vector<16xf32>
        %parallel_loop3A_711 = arith.constant 7.812500e-03 : f32
        %parallel_loop3A_712 = vector.broadcast %parallel_loop3A_711 : f32 to vector<16xf32>
        %parallel_loop3A_713 = arith.mulf %parallel_loop3A_710, %parallel_loop3A_712 : vector<16xf32>
        %parallel_loop3A_714 = arith.constant true
        %parallel_loop3A_715 = vector.broadcast %parallel_loop3A_714 : i1 to vector<16xi1>
        %parallel_loop3A_716 = tpu.scan <sum>, %parallel_loop3A_705 masked %parallel_loop3A_715 : vector<16xf32>, vector<16xi1> -> vector<16xf32>
        %parallel_loop3A_717 = vector.extract %parallel_loop3A_716[15] : f32 from vector<16xf32>
        %parallel_loop3A_718 = vector.broadcast %parallel_loop3A_717 : f32 to vector<16xf32>
        %parallel_loop3A_719 = arith.constant 7.812500e-03 : f32
        %parallel_loop3A_720 = vector.broadcast %parallel_loop3A_719 : f32 to vector<16xf32>
        %parallel_loop3A_721 = arith.mulf %parallel_loop3A_718, %parallel_loop3A_720 : vector<16xf32>
        %parallel_loop3A_722 = arith.mulf %parallel_loop3A_713, %parallel_loop3A_713 : vector<16xf32>
        %parallel_loop3A_723 = arith.subf %parallel_loop3A_721, %parallel_loop3A_722 : vector<16xf32>
        %parallel_loop3A_724 = arith.constant 9.99999974E-6 : f32
        %parallel_loop3A_725 = vector.broadcast %parallel_loop3A_724 : f32 to vector<16xf32>
        %parallel_loop3A_726 = arith.addf %parallel_loop3A_723, %parallel_loop3A_725 : vector<16xf32>
        %parallel_loop3A_727 = vector.bitcast %parallel_loop3A_726 : vector<16xf32> to vector<16xi32>
        %parallel_loop3A_728 = arith.constant 1 : i32
        %parallel_loop3A_729 = vector.broadcast %parallel_loop3A_728 : i32 to vector<16xi32>
        %parallel_loop3A_730 = arith.shrsi %parallel_loop3A_727, %parallel_loop3A_729 : vector<16xi32>
        %parallel_loop3A_731 = arith.constant 1597463007 : i32
        %parallel_loop3A_732 = vector.broadcast %parallel_loop3A_731 : i32 to vector<16xi32>
        %parallel_loop3A_733 = arith.subi %parallel_loop3A_732, %parallel_loop3A_730 : vector<16xi32>
        %parallel_loop3A_734 = vector.bitcast %parallel_loop3A_733 : vector<16xi32> to vector<16xf32>
        %parallel_loop3A_735 = arith.constant 5.000000e-01 : f32
        %parallel_loop3A_736 = vector.broadcast %parallel_loop3A_735 : f32 to vector<16xf32>
        %parallel_loop3A_737 = arith.mulf %parallel_loop3A_736, %parallel_loop3A_726 : vector<16xf32>
        %parallel_loop3A_738 = arith.mulf %parallel_loop3A_737, %parallel_loop3A_734 : vector<16xf32>
        %parallel_loop3A_739 = arith.mulf %parallel_loop3A_738, %parallel_loop3A_734 : vector<16xf32>
        %parallel_loop3A_740 = arith.constant 1.500000e+00 : f32
        %parallel_loop3A_741 = vector.broadcast %parallel_loop3A_740 : f32 to vector<16xf32>
        %parallel_loop3A_742 = arith.subf %parallel_loop3A_741, %parallel_loop3A_739 : vector<16xf32>
        %parallel_loop3A_743 = arith.mulf %parallel_loop3A_734, %parallel_loop3A_742 : vector<16xf32>
        %parallel_loop3A_744 = arith.constant 5.000000e-01 : f32
        %parallel_loop3A_745 = vector.broadcast %parallel_loop3A_744 : f32 to vector<16xf32>
        %parallel_loop3A_746 = arith.mulf %parallel_loop3A_745, %parallel_loop3A_726 : vector<16xf32>
        %parallel_loop3A_747 = arith.mulf %parallel_loop3A_746, %parallel_loop3A_743 : vector<16xf32>
        %parallel_loop3A_748 = arith.mulf %parallel_loop3A_747, %parallel_loop3A_743 : vector<16xf32>
        %parallel_loop3A_749 = arith.constant 1.500000e+00 : f32
        %parallel_loop3A_750 = vector.broadcast %parallel_loop3A_749 : f32 to vector<16xf32>
        %parallel_loop3A_751 = arith.subf %parallel_loop3A_750, %parallel_loop3A_748 : vector<16xf32>
        %parallel_loop3A_752 = arith.mulf %parallel_loop3A_743, %parallel_loop3A_751 : vector<16xf32>
        %parallel_loop3A_753 = arith.subf %parallel_loop3A_662, %parallel_loop3A_713 : vector<16xf32>
        %parallel_loop3A_754 = arith.mulf %parallel_loop3A_753, %parallel_loop3A_752 : vector<16xf32>
        %parallel_loop3A_755 = arith.mulf %parallel_loop3A_754, %get3A_5 : vector<16xf32>
        %parallel_loop3A_756 = arith.addf %parallel_loop3A_755, %get3A_21 : vector<16xf32>
        %parallel_loop3A_757 = arith.index_cast %parallel_loop3A_659 : i32 to index
        %parallel_loop3A_758 = arith.constant 0 : index
        %parallel_loop3A_759 = tpu.vector_load %arg21[%parallel_loop3A_757, %parallel_loop3A_758] {strides = array<i32>} : memref<128x128xf32, #tpu.memory_space<vmem>>, vector<16xf32>,
        tpu.vector_store %arg21[%parallel_loop3A_757, %parallel_loop3A_758], %parallel_loop3A_756 {strides = array<i32>} : memref<128x128xf32, #tpu.memory_space<vmem>>, vector<16xf32>,
        %parallel_loop3A_760 = arith.subf %parallel_loop3A_666, %parallel_loop3A_713 : vector<16xf32>
        %parallel_loop3A_761 = arith.mulf %parallel_loop3A_760, %parallel_loop3A_752 : vector<16xf32>
        %parallel_loop3A_762 = arith.mulf %parallel_loop3A_761, %get3A_7 : vector<16xf32>
        %parallel_loop3A_763 = arith.addf %parallel_loop3A_762, %get3A_23 : vector<16xf32>
        %parallel_loop3A_764 = arith.index_cast %parallel_loop3A_659 : i32 to index
        %parallel_loop3A_765 = arith.constant 16 : index
        %parallel_loop3A_766 = tpu.vector_load %arg21[%parallel_loop3A_764, %parallel_loop3A_765] {strides = array<i32>} : memref<128x128xf32, #tpu.memory_space<vmem>>, vector<16xf32>,
        tpu.vector_store %arg21[%parallel_loop3A_764, %parallel_loop3A_765], %parallel_loop3A_763 {strides = array<i32>} : memref<128x128xf32, #tpu.memory_space<vmem>>, vector<16xf32>,
        %parallel_loop3A_767 = arith.subf %parallel_loop3A_672, %parallel_loop3A_713 : vector<16xf32>
        %parallel_loop3A_768 = arith.mulf %parallel_loop3A_767, %parallel_loop3A_752 : vector<16xf32>
        %parallel_loop3A_769 = arith.mulf %parallel_loop3A_768, %get3A_9 : vector<16xf32>
        %parallel_loop3A_770 = arith.addf %parallel_loop3A_769, %get3A_25 : vector<16xf32>
        %parallel_loop3A_771 = arith.index_cast %parallel_loop3A_659 : i32 to index
        %parallel_loop3A_772 = arith.constant 32 : index
        %parallel_loop3A_773 = tpu.vector_load %arg21[%parallel_loop3A_771, %parallel_loop3A_772] {strides = array<i32>} : memref<128x128xf32, #tpu.memory_space<vmem>>, vector<16xf32>,
        tpu.vector_store %arg21[%parallel_loop3A_771, %parallel_loop3A_772], %parallel_loop3A_770 {strides = array<i32>} : memref<128x128xf32, #tpu.memory_space<vmem>>, vector<16xf32>,
        %parallel_loop3A_774 = arith.subf %parallel_loop3A_678, %parallel_loop3A_713 : vector<16xf32>
        %parallel_loop3A_775 = arith.mulf %parallel_loop3A_774, %parallel_loop3A_752 : vector<16xf32>
        %parallel_loop3A_776 = arith.mulf %parallel_loop3A_775, %get3A_11 : vector<16xf32>
        %parallel_loop3A_777 = arith.addf %parallel_loop3A_776, %get3A_27 : vector<16xf32>
        %parallel_loop3A_778 = arith.index_cast %parallel_loop3A_659 : i32 to index
        %parallel_loop3A_779 = arith.constant 48 : index
        %parallel_loop3A_780 = tpu.vector_load %arg21[%parallel_loop3A_778, %parallel_loop3A_779] {strides = array<i32>} : memref<128x128xf32, #tpu.memory_space<vmem>>, vector<16xf32>,
        tpu.vector_store %arg21[%parallel_loop3A_778, %parallel_loop3A_779], %parallel_loop3A_777 {strides = array<i32>} : memref<128x128xf32, #tpu.memory_space<vmem>>, vector<16xf32>,
        %parallel_loop3A_781 = arith.subf %parallel_loop3A_684, %parallel_loop3A_713 : vector<16xf32>
        %parallel_loop3A_782 = arith.mulf %parallel_loop3A_781, %parallel_loop3A_752 : vector<16xf32>
        %parallel_loop3A_783 = arith.mulf %parallel_loop3A_782, %get3A_13 : vector<16xf32>
        %parallel_loop3A_784 = arith.addf %parallel_loop3A_783, %get3A_29 : vector<16xf32>
        %parallel_loop3A_785 = arith.index_cast %parallel_loop3A_659 : i32 to index
        %parallel_loop3A_786 = arith.constant 64 : index
        %parallel_loop3A_787 = tpu.vector_load %arg21[%parallel_loop3A_785, %parallel_loop3A_786] {strides = array<i32>} : memref<128x128xf32, #tpu.memory_space<vmem>>, vector<16xf32>,
        tpu.vector_store %arg21[%parallel_loop3A_785, %parallel_loop3A_786], %parallel_loop3A_784 {strides = array<i32>} : memref<128x128xf32, #tpu.memory_space<vmem>>, vector<16xf32>,
        %parallel_loop3A_788 = arith.subf %parallel_loop3A_690, %parallel_loop3A_713 : vector<16xf32>
        %parallel_loop3A_789 = arith.mulf %parallel_loop3A_788, %parallel_loop3A_752 : vector<16xf32>
        %parallel_loop3A_790 = arith.mulf %parallel_loop3A_789, %get3A_15 : vector<16xf32>
        %parallel_loop3A_791 = arith.addf %parallel_loop3A_790, %get3A_31 : vector<16xf32>
        %parallel_loop3A_792 = arith.index_cast %parallel_loop3A_659 : i32 to index
        %parallel_loop3A_793 = arith.constant 80 : index
        %parallel_loop3A_794 = tpu.vector_load %arg21[%parallel_loop3A_792, %parallel_loop3A_793] {strides = array<i32>} : memref<128x128xf32, #tpu.memory_space<vmem>>, vector<16xf32>,
        tpu.vector_store %arg21[%parallel_loop3A_792, %parallel_loop3A_793], %parallel_loop3A_791 {strides = array<i32>} : memref<128x128xf32, #tpu.memory_space<vmem>>, vector<16xf32>,
        %parallel_loop3A_795 = arith.subf %parallel_loop3A_696, %parallel_loop3A_713 : vector<16xf32>
        %parallel_loop3A_796 = arith.mulf %parallel_loop3A_795, %parallel_loop3A_752 : vector<16xf32>
        %parallel_loop3A_797 = arith.mulf %parallel_loop3A_796, %get3A_17 : vector<16xf32>
        %parallel_loop3A_798 = arith.addf %parallel_loop3A_797, %get3A_33 : vector<16xf32>
        %parallel_loop3A_799 = arith.index_cast %parallel_loop3A_659 : i32 to index
        %parallel_loop3A_800 = arith.constant 96 : index
        %parallel_loop3A_801 = tpu.vector_load %arg21[%parallel_loop3A_799, %parallel_loop3A_800] {strides = array<i32>} : memref<128x128xf32, #tpu.memory_space<vmem>>, vector<16xf32>,
        tpu.vector_store %arg21[%parallel_loop3A_799, %parallel_loop3A_800], %parallel_loop3A_798 {strides = array<i32>} : memref<128x128xf32, #tpu.memory_space<vmem>>, vector<16xf32>,
        %parallel_loop3A_802 = arith.subf %parallel_loop3A_702, %parallel_loop3A_713 : vector<16xf32>
        %parallel_loop3A_803 = arith.mulf %parallel_loop3A_802, %parallel_loop3A_752 : vector<16xf32>
        %parallel_loop3A_804 = arith.mulf %parallel_loop3A_803, %get3A_19 : vector<16xf32>
        %parallel_loop3A_805 = arith.addf %parallel_loop3A_804, %get3A_35 : vector<16xf32>
        %parallel_loop3A_806 = arith.index_cast %parallel_loop3A_659 : i32 to index
        %parallel_loop3A_807 = arith.constant 112 : index
        %parallel_loop3A_808 = tpu.vector_load %arg21[%parallel_loop3A_806, %parallel_loop3A_807] {strides = array<i32>} : memref<128x128xf32, #tpu.memory_space<vmem>>, vector<16xf32>,
        tpu.vector_store %arg21[%parallel_loop3A_806, %parallel_loop3A_807], %parallel_loop3A_805 {strides = array<i32>} : memref<128x128xf32, #tpu.memory_space<vmem>>, vector<16xf32>,
      } {sc.loop_unroll_factor = 1 : i64, sc.parallel_access}
      %min3A_487 = arith.constant 127 : i32
      %min3A_488 = arith.minsi %add3A_359, %min3A_487 : i32
      %mul3A_489 = arith.constant 128 : i32
      %mul3A_490 = arith.muli %min3A_488, %mul3A_489 : i32
      %add3A_491 = arith.addi %mul3A_2, %mul3A_490 : i32
      %dma_start3A_492 = arith.constant 0 : i32
      %dma_start3A_493 = tpu.memref_slice %arg8[%add3A_491, %dma_start3A_492] : memref<524288x128xf32, #tpu.memory_space<hbm>> -> memref<128x128xf32, #tpu.memory_space<hbm>>
      %dma_start3A_494 = arith.constant 0 : i32
      %dma_start3A_495 = tpu.memref_slice %arg8[%add3A_491, %dma_start3A_494] : memref<524288x128xf32, #tpu.memory_space<hbm>> -> memref<128x128xf32, #tpu.memory_space<hbm>>
      tpu.enqueue_dma source(%arg21 : memref<128x128xf32, #tpu.memory_space<vmem>>) target(%dma_start3A_495 : memref<128x128xf32, #tpu.memory_space<hbm>>) target_semaphore(%arg37 : memref<!tpu.dma_semaphore, #tpu.memory_space<semaphore_mem>>)
      %add3A_496 = arith.constant 3 : i32
      %add3A_497 = arith.addi %add3A_359, %add3A_496 : i32
      %min3A_498 = arith.constant 127 : i32
      %min3A_499 = arith.minsi %add3A_497, %min3A_498 : i32
      %mul3A_500 = arith.constant 128 : i32
      %mul3A_501 = arith.muli %min3A_499, %mul3A_500 : i32
      %add3A_502 = arith.addi %mul3A_2, %mul3A_501 : i32
      %dma_start3A_503 = tpu.memref_slice %arg2[%add3A_502] : memref<524288xi32, #tpu.memory_space<hbm>> -> memref<128xi32, #tpu.memory_space<hbm>>
      %dma_start3A_504 = tpu.memref_slice %arg2[%add3A_502] : memref<524288xi32, #tpu.memory_space<hbm>> -> memref<128xi32, #tpu.memory_space<hbm>>
      tpu.enqueue_dma source(%dma_start3A_504 : memref<128xi32, #tpu.memory_space<hbm>>) target(%arg12 : memref<128xi32, #tpu.memory_space<vmem>>) target_semaphore(%arg25 : memref<!tpu.dma_semaphore, #tpu.memory_space<semaphore_mem>>)
      %dma_start3A_505 = tpu.memref_slice %arg3[%add3A_502] : memref<524288xi32, #tpu.memory_space<hbm>> -> memref<128xi32, #tpu.memory_space<hbm>>
      %dma_start3A_506 = tpu.memref_slice %arg3[%add3A_502] : memref<524288xi32, #tpu.memory_space<hbm>> -> memref<128xi32, #tpu.memory_space<hbm>>
      tpu.enqueue_dma source(%dma_start3A_506 : memref<128xi32, #tpu.memory_space<hbm>>) target(%arg15 : memref<128xi32, #tpu.memory_space<vmem>>) target_semaphore(%arg28 : memref<!tpu.dma_semaphore, #tpu.memory_space<semaphore_mem>>)
      %mul3A_507 = arith.constant 3 : i32
      %mul3A_508 = arith.muli %scan3A_204, %mul3A_507 : i32
      %add3A_509 = arith.constant 2 : i32
      %add3A_510 = arith.addi %mul3A_508, %add3A_509 : i32
      %dma_wait3A_511 = arith.constant 0 : i32
      %dma_wait3A_512 = tpu.memref_slice %arg8[%mul3A_2, %dma_wait3A_511] : memref<524288x128xf32, #tpu.memory_space<hbm>> -> memref<128x128xf32, #tpu.memory_space<hbm>>
      %dma_wait3A_513 = arith.constant 0 : i32
      %dma_wait3A_514 = tpu.memref_slice %arg8[%mul3A_2, %dma_wait3A_513] : memref<524288x128xf32, #tpu.memory_space<hbm>> -> memref<128x128xf32, #tpu.memory_space<hbm>>
      tpu.wait_dma2 semaphore(%arg37 : memref<!tpu.dma_semaphore, #tpu.memory_space<semaphore_mem>>) src(%arg21 : memref<128x128xf32, #tpu.memory_space<vmem>>) dst(%dma_wait3A_514 : memref<128x128xf32, #tpu.memory_space<hbm>>)
      %dma_wait3A_515 = tpu.memref_slice %arg2[%mul3A_2] : memref<524288xi32, #tpu.memory_space<hbm>> -> memref<128xi32, #tpu.memory_space<hbm>>
      %dma_wait3A_516 = tpu.memref_slice %arg2[%mul3A_2] : memref<524288xi32, #tpu.memory_space<hbm>> -> memref<128xi32, #tpu.memory_space<hbm>>
      tpu.wait_dma2 semaphore(%arg25 : memref<!tpu.dma_semaphore, #tpu.memory_space<semaphore_mem>>) src(%dma_wait3A_516 : memref<128xi32, #tpu.memory_space<hbm>>) dst(%arg12 : memref<128xi32, #tpu.memory_space<vmem>>)
      %dma_start3A_517 = arith.constant 0 : i32
      %dma_start3A_518 = arith.constant 0 : i32
      %dma_start3A_519 = tpu.memref_slice %arg4[%dma_start3A_517, %dma_start3A_518] : memref<100000x128xf32, #tpu.memory_space<hbm>> -> memref<100000x128xf32, #tpu.memory_space<hbm>>
      tpu.enqueue_indirect_dma source(%dma_start3A_519 : memref<100000x128xf32, #tpu.memory_space<hbm>>) target(%arg21 : memref<128x128xf32, #tpu.memory_space<vmem>>) offsets(%arg12 : memref<128xi32, #tpu.memory_space<vmem>>) semaphore(%arg31 : memref<!tpu.dma_semaphore, #tpu.memory_space<semaphore_mem>>)
      %dma_wait3A_520 = tpu.memref_slice %arg3[%mul3A_2] : memref<524288xi32, #tpu.memory_space<hbm>> -> memref<128xi32, #tpu.memory_space<hbm>>
      %dma_wait3A_521 = tpu.memref_slice %arg3[%mul3A_2] : memref<524288xi32, #tpu.memory_space<hbm>> -> memref<128xi32, #tpu.memory_space<hbm>>
      tpu.wait_dma2 semaphore(%arg27 : memref<!tpu.dma_semaphore, #tpu.memory_space<semaphore_mem>>) src(%dma_wait3A_521 : memref<128xi32, #tpu.memory_space<hbm>>) dst(%arg14 : memref<128xi32, #tpu.memory_space<vmem>>)
      %add3A_522 = arith.constant 1 : i32
      %add3A_523 = arith.addi %add3A_510, %add3A_522 : i32
      %min3A_524 = arith.constant 127 : i32
      %min3A_525 = arith.minsi %add3A_523, %min3A_524 : i32
      %rem3A_526 = arith.constant 4 : i32
      %rem3A_527 = arith.remsi %min3A_525, %rem3A_526 : i32
      %mul3A_528 = arith.constant 128 : i32
      %mul3A_529 = arith.muli %rem3A_527, %mul3A_528 : i32
      %get3A_530 = arith.constant 0 : index
      %get3A_531 = tpu.vector_load %arg14[%get3A_530] {strides = array<i32>} : memref<128xi32, #tpu.memory_space<vmem>>, vector<16xi32>,
      %mul3A_532 = arith.constant 512 : i32
      %mul3A_533 = vector.broadcast %mul3A_532 : i32 to vector<16xi32>
      %mul3A_534 = arith.muli %get3A_531, %mul3A_533 : vector<16xi32>
      %add3A_535 = arith.constant 0 : i32
      %add3A_536 = arith.addi %mul3A_529, %add3A_535 : i32
      %add3A_537 = vector.broadcast %add3A_536 : i32 to vector<16xi32>
      %add3A_538 = arith.addi %add3A_537, %iota3A : vector<16xi32>
      %add3A_539 = arith.addi %mul3A_534, %add3A_538 : vector<16xi32>
      %swap3A_540 = arith.constant 0 : index
      %swap3A_541 = tpu.vector_load %arg17[%swap3A_540] {strides = array<i32>} : memref<128xi32, #tpu.memory_space<vmem>>, vector<16xi32>,
      tpu.vector_store %arg17[%swap3A_540], %add3A_539 {strides = array<i32>} : memref<128xi32, #tpu.memory_space<vmem>>, vector<16xi32>,
      %get3A_542 = arith.constant 16 : index
      %get3A_543 = tpu.vector_load %arg14[%get3A_542] {strides = array<i32>} : memref<128xi32, #tpu.memory_space<vmem>>, vector<16xi32>,
      %mul3A_544 = arith.constant 512 : i32
      %mul3A_545 = vector.broadcast %mul3A_544 : i32 to vector<16xi32>
      %mul3A_546 = arith.muli %get3A_543, %mul3A_545 : vector<16xi32>
      %add3A_547 = arith.constant 16 : i32
      %add3A_548 = arith.addi %mul3A_529, %add3A_547 : i32
      %add3A_549 = vector.broadcast %add3A_548 : i32 to vector<16xi32>
      %add3A_550 = arith.addi %add3A_549, %iota3A : vector<16xi32>
      %add3A_551 = arith.addi %mul3A_546, %add3A_550 : vector<16xi32>
      %swap3A_552 = arith.constant 16 : index
      %swap3A_553 = tpu.vector_load %arg17[%swap3A_552] {strides = array<i32>} : memref<128xi32, #tpu.memory_space<vmem>>, vector<16xi32>,
      tpu.vector_store %arg17[%swap3A_552], %add3A_551 {strides = array<i32>} : memref<128xi32, #tpu.memory_space<vmem>>, vector<16xi32>,
      %get3A_554 = arith.constant 32 : index
      %get3A_555 = tpu.vector_load %arg14[%get3A_554] {strides = array<i32>} : memref<128xi32, #tpu.memory_space<vmem>>, vector<16xi32>,
      %mul3A_556 = arith.constant 512 : i32
      %mul3A_557 = vector.broadcast %mul3A_556 : i32 to vector<16xi32>
      %mul3A_558 = arith.muli %get3A_555, %mul3A_557 : vector<16xi32>
      %add3A_559 = arith.constant 32 : i32
      %add3A_560 = arith.addi %mul3A_529, %add3A_559 : i32
      %add3A_561 = vector.broadcast %add3A_560 : i32 to vector<16xi32>
      %add3A_562 = arith.addi %add3A_561, %iota3A : vector<16xi32>
      %add3A_563 = arith.addi %mul3A_558, %add3A_562 : vector<16xi32>
      %swap3A_564 = arith.constant 32 : index
      %swap3A_565 = tpu.vector_load %arg17[%swap3A_564] {strides = array<i32>} : memref<128xi32, #tpu.memory_space<vmem>>, vector<16xi32>,
      tpu.vector_store %arg17[%swap3A_564], %add3A_563 {strides = array<i32>} : memref<128xi32, #tpu.memory_space<vmem>>, vector<16xi32>,
      %get3A_566 = arith.constant 48 : index
      %get3A_567 = tpu.vector_load %arg14[%get3A_566] {strides = array<i32>} : memref<128xi32, #tpu.memory_space<vmem>>, vector<16xi32>,
      %mul3A_568 = arith.constant 512 : i32
      %mul3A_569 = vector.broadcast %mul3A_568 : i32 to vector<16xi32>
      %mul3A_570 = arith.muli %get3A_567, %mul3A_569 : vector<16xi32>
      %add3A_571 = arith.constant 48 : i32
      %add3A_572 = arith.addi %mul3A_529, %add3A_571 : i32
      %add3A_573 = vector.broadcast %add3A_572 : i32 to vector<16xi32>
      %add3A_574 = arith.addi %add3A_573, %iota3A : vector<16xi32>
      %add3A_575 = arith.addi %mul3A_570, %add3A_574 : vector<16xi32>
      %swap3A_576 = arith.constant 48 : index
      %swap3A_577 = tpu.vector_load %arg17[%swap3A_576] {strides = array<i32>} : memref<128xi32, #tpu.memory_space<vmem>>, vector<16xi32>,
      tpu.vector_store %arg17[%swap3A_576], %add3A_575 {strides = array<i32>} : memref<128xi32, #tpu.memory_space<vmem>>, vector<16xi32>,
      %get3A_578 = arith.constant 64 : index
      %get3A_579 = tpu.vector_load %arg14[%get3A_578] {strides = array<i32>} : memref<128xi32, #tpu.memory_space<vmem>>, vector<16xi32>,
      %mul3A_580 = arith.constant 512 : i32
      %mul3A_581 = vector.broadcast %mul3A_580 : i32 to vector<16xi32>
      %mul3A_582 = arith.muli %get3A_579, %mul3A_581 : vector<16xi32>
      %add3A_583 = arith.constant 64 : i32
      %add3A_584 = arith.addi %mul3A_529, %add3A_583 : i32
      %add3A_585 = vector.broadcast %add3A_584 : i32 to vector<16xi32>
      %add3A_586 = arith.addi %add3A_585, %iota3A : vector<16xi32>
      %add3A_587 = arith.addi %mul3A_582, %add3A_586 : vector<16xi32>
      %swap3A_588 = arith.constant 64 : index
      %swap3A_589 = tpu.vector_load %arg17[%swap3A_588] {strides = array<i32>} : memref<128xi32, #tpu.memory_space<vmem>>, vector<16xi32>,
      tpu.vector_store %arg17[%swap3A_588], %add3A_587 {strides = array<i32>} : memref<128xi32, #tpu.memory_space<vmem>>, vector<16xi32>,
      %get3A_590 = arith.constant 80 : index
      %get3A_591 = tpu.vector_load %arg14[%get3A_590] {strides = array<i32>} : memref<128xi32, #tpu.memory_space<vmem>>, vector<16xi32>,
      %mul3A_592 = arith.constant 512 : i32
      %mul3A_593 = vector.broadcast %mul3A_592 : i32 to vector<16xi32>
      %mul3A_594 = arith.muli %get3A_591, %mul3A_593 : vector<16xi32>
      %add3A_595 = arith.constant 80 : i32
      %add3A_596 = arith.addi %mul3A_529, %add3A_595 : i32
      %add3A_597 = vector.broadcast %add3A_596 : i32 to vector<16xi32>
      %add3A_598 = arith.addi %add3A_597, %iota3A : vector<16xi32>
      %add3A_599 = arith.addi %mul3A_594, %add3A_598 : vector<16xi32>
      %swap3A_600 = arith.constant 80 : index
      %swap3A_601 = tpu.vector_load %arg17[%swap3A_600] {strides = array<i32>} : memref<128xi32, #tpu.memory_space<vmem>>, vector<16xi32>,
      tpu.vector_store %arg17[%swap3A_600], %add3A_599 {strides = array<i32>} : memref<128xi32, #tpu.memory_space<vmem>>, vector<16xi32>,
      %get3A_602 = arith.constant 96 : index
      %get3A_603 = tpu.vector_load %arg14[%get3A_602] {strides = array<i32>} : memref<128xi32, #tpu.memory_space<vmem>>, vector<16xi32>,
      %mul3A_604 = arith.constant 512 : i32
      %mul3A_605 = vector.broadcast %mul3A_604 : i32 to vector<16xi32>
      %mul3A_606 = arith.muli %get3A_603, %mul3A_605 : vector<16xi32>
      %add3A_607 = arith.constant 96 : i32
      %add3A_608 = arith.addi %mul3A_529, %add3A_607 : i32
      %add3A_609 = vector.broadcast %add3A_608 : i32 to vector<16xi32>
      %add3A_610 = arith.addi %add3A_609, %iota3A : vector<16xi32>
      %add3A_611 = arith.addi %mul3A_606, %add3A_610 : vector<16xi32>
      %swap3A_612 = arith.constant 96 : index
      %swap3A_613 = tpu.vector_load %arg17[%swap3A_612] {strides = array<i32>} : memref<128xi32, #tpu.memory_space<vmem>>, vector<16xi32>,
      tpu.vector_store %arg17[%swap3A_612], %add3A_611 {strides = array<i32>} : memref<128xi32, #tpu.memory_space<vmem>>, vector<16xi32>,
      %get3A_614 = arith.constant 112 : index
      %get3A_615 = tpu.vector_load %arg14[%get3A_614] {strides = array<i32>} : memref<128xi32, #tpu.memory_space<vmem>>, vector<16xi32>,
      %mul3A_616 = arith.constant 512 : i32
      %mul3A_617 = vector.broadcast %mul3A_616 : i32 to vector<16xi32>
      %mul3A_618 = arith.muli %get3A_615, %mul3A_617 : vector<16xi32>
      %add3A_619 = arith.constant 112 : i32
      %add3A_620 = arith.addi %mul3A_529, %add3A_619 : i32
      %add3A_621 = vector.broadcast %add3A_620 : i32 to vector<16xi32>
      %add3A_622 = arith.addi %add3A_621, %iota3A : vector<16xi32>
      %add3A_623 = arith.addi %mul3A_618, %add3A_622 : vector<16xi32>
      %swap3A_624 = arith.constant 112 : index
      %swap3A_625 = tpu.vector_load %arg17[%swap3A_624] {strides = array<i32>} : memref<128xi32, #tpu.memory_space<vmem>>, vector<16xi32>,
      tpu.vector_store %arg17[%swap3A_624], %add3A_623 {strides = array<i32>} : memref<128xi32, #tpu.memory_space<vmem>>, vector<16xi32>,
      %dma_wait3A_626 = arith.constant 0 : i32
      %dma_wait3A_627 = arith.constant 0 : i32
      %dma_wait3A_628 = tpu.memref_slice %arg4[%dma_wait3A_626, %dma_wait3A_627] : memref<100000x128xf32, #tpu.memory_space<hbm>> -> memref<100000x128xf32, #tpu.memory_space<hbm>>
      tpu.wait_indirect_dma semaphore(%arg30 : memref<!tpu.dma_semaphore, #tpu.memory_space<semaphore_mem>>) src(%dma_wait3A_628 : memref<100000x128xf32, #tpu.memory_space<hbm>>) dst(%arg20 : memref<128x128xf32, #tpu.memory_space<vmem>>)
      %dma_start3A_629 = arith.constant 0 : i32
      %dma_start3A_630 = arith.constant 0 : i32
      %dma_start3A_631 = tpu.memref_slice %arg23[%dma_start3A_629, %dma_start3A_630] : memref<1536x128xf32, #tpu.memory_space<vmem_shared>> -> memref<1536x128xf32, #tpu.memory_space<vmem_shared>>
      tpu.enqueue_indirect_dma source(%dma_start3A_631 : memref<1536x128xf32, #tpu.memory_space<vmem_shared>>) target(%arg20 : memref<128x128xf32, #tpu.memory_space<vmem>>) offsets(%arg17 : memref<128xi32, #tpu.memory_space<vmem>>) semaphore(%arg33 : memref<!tpu.dma_semaphore, #tpu.memory_space<semaphore_mem>>) {add = true}
      %dma_wait3A_632 = arith.constant 0 : i32
      %dma_wait3A_633 = arith.constant 0 : i32
      %dma_wait3A_634 = tpu.memref_slice %arg23[%dma_wait3A_632, %dma_wait3A_633] : memref<1536x128xf32, #tpu.memory_space<vmem_shared>> -> memref<1536x128xf32, #tpu.memory_space<vmem_shared>>
      tpu.wait_indirect_dma semaphore(%arg35 : memref<!tpu.dma_semaphore, #tpu.memory_space<semaphore_mem>>) src(%dma_wait3A_634 : memref<1536x128xf32, #tpu.memory_space<vmem_shared>>) dst(%arg22 : memref<128x128xf32, #tpu.memory_space<vmem>>)
      %parallel_loop3A_635 = arith.constant 0 : i32
      %parallel_loop3A_636 = arith.constant 128 : i32
      %parallel_loop3A_637 = arith.constant 1 : i32
      scf.for %parallel_loop3A_659 = %parallel_loop3A_635 to %parallel_loop3A_636 step %parallel_loop3A_637  : i32 {
        %parallel_loop3A_660 = arith.index_cast %parallel_loop3A_659 : i32 to index
        %parallel_loop3A_661 = arith.constant 0 : index
        %parallel_loop3A_662 = tpu.vector_load %arg22[%parallel_loop3A_660, %parallel_loop3A_661] {strides = array<i32>} : memref<128x128xf32, #tpu.memory_space<vmem>>, vector<16xf32>,
        %parallel_loop3A_663 = arith.mulf %parallel_loop3A_662, %parallel_loop3A_662 : vector<16xf32>
        %parallel_loop3A_664 = arith.index_cast %parallel_loop3A_659 : i32 to index
        %parallel_loop3A_665 = arith.constant 16 : index
        %parallel_loop3A_666 = tpu.vector_load %arg22[%parallel_loop3A_664, %parallel_loop3A_665] {strides = array<i32>} : memref<128x128xf32, #tpu.memory_space<vmem>>, vector<16xf32>,
        %parallel_loop3A_667 = arith.addf %parallel_loop3A_662, %parallel_loop3A_666 : vector<16xf32>
        %parallel_loop3A_668 = arith.mulf %parallel_loop3A_666, %parallel_loop3A_666 : vector<16xf32>
        %parallel_loop3A_669 = arith.addf %parallel_loop3A_663, %parallel_loop3A_668 : vector<16xf32>
        %parallel_loop3A_670 = arith.index_cast %parallel_loop3A_659 : i32 to index
        %parallel_loop3A_671 = arith.constant 32 : index
        %parallel_loop3A_672 = tpu.vector_load %arg22[%parallel_loop3A_670, %parallel_loop3A_671] {strides = array<i32>} : memref<128x128xf32, #tpu.memory_space<vmem>>, vector<16xf32>,
        %parallel_loop3A_673 = arith.addf %parallel_loop3A_667, %parallel_loop3A_672 : vector<16xf32>
        %parallel_loop3A_674 = arith.mulf %parallel_loop3A_672, %parallel_loop3A_672 : vector<16xf32>
        %parallel_loop3A_675 = arith.addf %parallel_loop3A_669, %parallel_loop3A_674 : vector<16xf32>
        %parallel_loop3A_676 = arith.index_cast %parallel_loop3A_659 : i32 to index
        %parallel_loop3A_677 = arith.constant 48 : index
        %parallel_loop3A_678 = tpu.vector_load %arg22[%parallel_loop3A_676, %parallel_loop3A_677] {strides = array<i32>} : memref<128x128xf32, #tpu.memory_space<vmem>>, vector<16xf32>,
        %parallel_loop3A_679 = arith.addf %parallel_loop3A_673, %parallel_loop3A_678 : vector<16xf32>
        %parallel_loop3A_680 = arith.mulf %parallel_loop3A_678, %parallel_loop3A_678 : vector<16xf32>
        %parallel_loop3A_681 = arith.addf %parallel_loop3A_675, %parallel_loop3A_680 : vector<16xf32>
        %parallel_loop3A_682 = arith.index_cast %parallel_loop3A_659 : i32 to index
        %parallel_loop3A_683 = arith.constant 64 : index
        %parallel_loop3A_684 = tpu.vector_load %arg22[%parallel_loop3A_682, %parallel_loop3A_683] {strides = array<i32>} : memref<128x128xf32, #tpu.memory_space<vmem>>, vector<16xf32>,
        %parallel_loop3A_685 = arith.addf %parallel_loop3A_679, %parallel_loop3A_684 : vector<16xf32>
        %parallel_loop3A_686 = arith.mulf %parallel_loop3A_684, %parallel_loop3A_684 : vector<16xf32>
        %parallel_loop3A_687 = arith.addf %parallel_loop3A_681, %parallel_loop3A_686 : vector<16xf32>
        %parallel_loop3A_688 = arith.index_cast %parallel_loop3A_659 : i32 to index
        %parallel_loop3A_689 = arith.constant 80 : index
        %parallel_loop3A_690 = tpu.vector_load %arg22[%parallel_loop3A_688, %parallel_loop3A_689] {strides = array<i32>} : memref<128x128xf32, #tpu.memory_space<vmem>>, vector<16xf32>,
        %parallel_loop3A_691 = arith.addf %parallel_loop3A_685, %parallel_loop3A_690 : vector<16xf32>
        %parallel_loop3A_692 = arith.mulf %parallel_loop3A_690, %parallel_loop3A_690 : vector<16xf32>
        %parallel_loop3A_693 = arith.addf %parallel_loop3A_687, %parallel_loop3A_692 : vector<16xf32>
        %parallel_loop3A_694 = arith.index_cast %parallel_loop3A_659 : i32 to index
        %parallel_loop3A_695 = arith.constant 96 : index
        %parallel_loop3A_696 = tpu.vector_load %arg22[%parallel_loop3A_694, %parallel_loop3A_695] {strides = array<i32>} : memref<128x128xf32, #tpu.memory_space<vmem>>, vector<16xf32>,
        %parallel_loop3A_697 = arith.addf %parallel_loop3A_691, %parallel_loop3A_696 : vector<16xf32>
        %parallel_loop3A_698 = arith.mulf %parallel_loop3A_696, %parallel_loop3A_696 : vector<16xf32>
        %parallel_loop3A_699 = arith.addf %parallel_loop3A_693, %parallel_loop3A_698 : vector<16xf32>
        %parallel_loop3A_700 = arith.index_cast %parallel_loop3A_659 : i32 to index
        %parallel_loop3A_701 = arith.constant 112 : index
        %parallel_loop3A_702 = tpu.vector_load %arg22[%parallel_loop3A_700, %parallel_loop3A_701] {strides = array<i32>} : memref<128x128xf32, #tpu.memory_space<vmem>>, vector<16xf32>,
        %parallel_loop3A_703 = arith.addf %parallel_loop3A_697, %parallel_loop3A_702 : vector<16xf32>
        %parallel_loop3A_704 = arith.mulf %parallel_loop3A_702, %parallel_loop3A_702 : vector<16xf32>
        %parallel_loop3A_705 = arith.addf %parallel_loop3A_699, %parallel_loop3A_704 : vector<16xf32>
        %parallel_loop3A_706 = arith.constant true
        %parallel_loop3A_707 = vector.broadcast %parallel_loop3A_706 : i1 to vector<16xi1>
        %parallel_loop3A_708 = tpu.scan <sum>, %parallel_loop3A_703 masked %parallel_loop3A_707 : vector<16xf32>, vector<16xi1> -> vector<16xf32>
        %parallel_loop3A_709 = vector.extract %parallel_loop3A_708[15] : f32 from vector<16xf32>
        %parallel_loop3A_710 = vector.broadcast %parallel_loop3A_709 : f32 to vector<16xf32>
        %parallel_loop3A_711 = arith.constant 7.812500e-03 : f32
        %parallel_loop3A_712 = vector.broadcast %parallel_loop3A_711 : f32 to vector<16xf32>
        %parallel_loop3A_713 = arith.mulf %parallel_loop3A_710, %parallel_loop3A_712 : vector<16xf32>
        %parallel_loop3A_714 = arith.constant true
        %parallel_loop3A_715 = vector.broadcast %parallel_loop3A_714 : i1 to vector<16xi1>
        %parallel_loop3A_716 = tpu.scan <sum>, %parallel_loop3A_705 masked %parallel_loop3A_715 : vector<16xf32>, vector<16xi1> -> vector<16xf32>
        %parallel_loop3A_717 = vector.extract %parallel_loop3A_716[15] : f32 from vector<16xf32>
        %parallel_loop3A_718 = vector.broadcast %parallel_loop3A_717 : f32 to vector<16xf32>
        %parallel_loop3A_719 = arith.constant 7.812500e-03 : f32
        %parallel_loop3A_720 = vector.broadcast %parallel_loop3A_719 : f32 to vector<16xf32>
        %parallel_loop3A_721 = arith.mulf %parallel_loop3A_718, %parallel_loop3A_720 : vector<16xf32>
        %parallel_loop3A_722 = arith.mulf %parallel_loop3A_713, %parallel_loop3A_713 : vector<16xf32>
        %parallel_loop3A_723 = arith.subf %parallel_loop3A_721, %parallel_loop3A_722 : vector<16xf32>
        %parallel_loop3A_724 = arith.constant 9.99999974E-6 : f32
        %parallel_loop3A_725 = vector.broadcast %parallel_loop3A_724 : f32 to vector<16xf32>
        %parallel_loop3A_726 = arith.addf %parallel_loop3A_723, %parallel_loop3A_725 : vector<16xf32>
        %parallel_loop3A_727 = vector.bitcast %parallel_loop3A_726 : vector<16xf32> to vector<16xi32>
        %parallel_loop3A_728 = arith.constant 1 : i32
        %parallel_loop3A_729 = vector.broadcast %parallel_loop3A_728 : i32 to vector<16xi32>
        %parallel_loop3A_730 = arith.shrsi %parallel_loop3A_727, %parallel_loop3A_729 : vector<16xi32>
        %parallel_loop3A_731 = arith.constant 1597463007 : i32
        %parallel_loop3A_732 = vector.broadcast %parallel_loop3A_731 : i32 to vector<16xi32>
        %parallel_loop3A_733 = arith.subi %parallel_loop3A_732, %parallel_loop3A_730 : vector<16xi32>
        %parallel_loop3A_734 = vector.bitcast %parallel_loop3A_733 : vector<16xi32> to vector<16xf32>
        %parallel_loop3A_735 = arith.constant 5.000000e-01 : f32
        %parallel_loop3A_736 = vector.broadcast %parallel_loop3A_735 : f32 to vector<16xf32>
        %parallel_loop3A_737 = arith.mulf %parallel_loop3A_736, %parallel_loop3A_726 : vector<16xf32>
        %parallel_loop3A_738 = arith.mulf %parallel_loop3A_737, %parallel_loop3A_734 : vector<16xf32>
        %parallel_loop3A_739 = arith.mulf %parallel_loop3A_738, %parallel_loop3A_734 : vector<16xf32>
        %parallel_loop3A_740 = arith.constant 1.500000e+00 : f32
        %parallel_loop3A_741 = vector.broadcast %parallel_loop3A_740 : f32 to vector<16xf32>
        %parallel_loop3A_742 = arith.subf %parallel_loop3A_741, %parallel_loop3A_739 : vector<16xf32>
        %parallel_loop3A_743 = arith.mulf %parallel_loop3A_734, %parallel_loop3A_742 : vector<16xf32>
        %parallel_loop3A_744 = arith.constant 5.000000e-01 : f32
        %parallel_loop3A_745 = vector.broadcast %parallel_loop3A_744 : f32 to vector<16xf32>
        %parallel_loop3A_746 = arith.mulf %parallel_loop3A_745, %parallel_loop3A_726 : vector<16xf32>
        %parallel_loop3A_747 = arith.mulf %parallel_loop3A_746, %parallel_loop3A_743 : vector<16xf32>
        %parallel_loop3A_748 = arith.mulf %parallel_loop3A_747, %parallel_loop3A_743 : vector<16xf32>
        %parallel_loop3A_749 = arith.constant 1.500000e+00 : f32
        %parallel_loop3A_750 = vector.broadcast %parallel_loop3A_749 : f32 to vector<16xf32>
        %parallel_loop3A_751 = arith.subf %parallel_loop3A_750, %parallel_loop3A_748 : vector<16xf32>
        %parallel_loop3A_752 = arith.mulf %parallel_loop3A_743, %parallel_loop3A_751 : vector<16xf32>
        %parallel_loop3A_753 = arith.subf %parallel_loop3A_662, %parallel_loop3A_713 : vector<16xf32>
        %parallel_loop3A_754 = arith.mulf %parallel_loop3A_753, %parallel_loop3A_752 : vector<16xf32>
        %parallel_loop3A_755 = arith.mulf %parallel_loop3A_754, %get3A_5 : vector<16xf32>
        %parallel_loop3A_756 = arith.addf %parallel_loop3A_755, %get3A_21 : vector<16xf32>
        %parallel_loop3A_757 = arith.index_cast %parallel_loop3A_659 : i32 to index
        %parallel_loop3A_758 = arith.constant 0 : index
        %parallel_loop3A_759 = tpu.vector_load %arg22[%parallel_loop3A_757, %parallel_loop3A_758] {strides = array<i32>} : memref<128x128xf32, #tpu.memory_space<vmem>>, vector<16xf32>,
        tpu.vector_store %arg22[%parallel_loop3A_757, %parallel_loop3A_758], %parallel_loop3A_756 {strides = array<i32>} : memref<128x128xf32, #tpu.memory_space<vmem>>, vector<16xf32>,
        %parallel_loop3A_760 = arith.subf %parallel_loop3A_666, %parallel_loop3A_713 : vector<16xf32>
        %parallel_loop3A_761 = arith.mulf %parallel_loop3A_760, %parallel_loop3A_752 : vector<16xf32>
        %parallel_loop3A_762 = arith.mulf %parallel_loop3A_761, %get3A_7 : vector<16xf32>
        %parallel_loop3A_763 = arith.addf %parallel_loop3A_762, %get3A_23 : vector<16xf32>
        %parallel_loop3A_764 = arith.index_cast %parallel_loop3A_659 : i32 to index
        %parallel_loop3A_765 = arith.constant 16 : index
        %parallel_loop3A_766 = tpu.vector_load %arg22[%parallel_loop3A_764, %parallel_loop3A_765] {strides = array<i32>} : memref<128x128xf32, #tpu.memory_space<vmem>>, vector<16xf32>,
        tpu.vector_store %arg22[%parallel_loop3A_764, %parallel_loop3A_765], %parallel_loop3A_763 {strides = array<i32>} : memref<128x128xf32, #tpu.memory_space<vmem>>, vector<16xf32>,
        %parallel_loop3A_767 = arith.subf %parallel_loop3A_672, %parallel_loop3A_713 : vector<16xf32>
        %parallel_loop3A_768 = arith.mulf %parallel_loop3A_767, %parallel_loop3A_752 : vector<16xf32>
        %parallel_loop3A_769 = arith.mulf %parallel_loop3A_768, %get3A_9 : vector<16xf32>
        %parallel_loop3A_770 = arith.addf %parallel_loop3A_769, %get3A_25 : vector<16xf32>
        %parallel_loop3A_771 = arith.index_cast %parallel_loop3A_659 : i32 to index
        %parallel_loop3A_772 = arith.constant 32 : index
        %parallel_loop3A_773 = tpu.vector_load %arg22[%parallel_loop3A_771, %parallel_loop3A_772] {strides = array<i32>} : memref<128x128xf32, #tpu.memory_space<vmem>>, vector<16xf32>,
        tpu.vector_store %arg22[%parallel_loop3A_771, %parallel_loop3A_772], %parallel_loop3A_770 {strides = array<i32>} : memref<128x128xf32, #tpu.memory_space<vmem>>, vector<16xf32>,
        %parallel_loop3A_774 = arith.subf %parallel_loop3A_678, %parallel_loop3A_713 : vector<16xf32>
        %parallel_loop3A_775 = arith.mulf %parallel_loop3A_774, %parallel_loop3A_752 : vector<16xf32>
        %parallel_loop3A_776 = arith.mulf %parallel_loop3A_775, %get3A_11 : vector<16xf32>
        %parallel_loop3A_777 = arith.addf %parallel_loop3A_776, %get3A_27 : vector<16xf32>
        %parallel_loop3A_778 = arith.index_cast %parallel_loop3A_659 : i32 to index
        %parallel_loop3A_779 = arith.constant 48 : index
        %parallel_loop3A_780 = tpu.vector_load %arg22[%parallel_loop3A_778, %parallel_loop3A_779] {strides = array<i32>} : memref<128x128xf32, #tpu.memory_space<vmem>>, vector<16xf32>,
        tpu.vector_store %arg22[%parallel_loop3A_778, %parallel_loop3A_779], %parallel_loop3A_777 {strides = array<i32>} : memref<128x128xf32, #tpu.memory_space<vmem>>, vector<16xf32>,
        %parallel_loop3A_781 = arith.subf %parallel_loop3A_684, %parallel_loop3A_713 : vector<16xf32>
        %parallel_loop3A_782 = arith.mulf %parallel_loop3A_781, %parallel_loop3A_752 : vector<16xf32>
        %parallel_loop3A_783 = arith.mulf %parallel_loop3A_782, %get3A_13 : vector<16xf32>
        %parallel_loop3A_784 = arith.addf %parallel_loop3A_783, %get3A_29 : vector<16xf32>
        %parallel_loop3A_785 = arith.index_cast %parallel_loop3A_659 : i32 to index
        %parallel_loop3A_786 = arith.constant 64 : index
        %parallel_loop3A_787 = tpu.vector_load %arg22[%parallel_loop3A_785, %parallel_loop3A_786] {strides = array<i32>} : memref<128x128xf32, #tpu.memory_space<vmem>>, vector<16xf32>,
        tpu.vector_store %arg22[%parallel_loop3A_785, %parallel_loop3A_786], %parallel_loop3A_784 {strides = array<i32>} : memref<128x128xf32, #tpu.memory_space<vmem>>, vector<16xf32>,
        %parallel_loop3A_788 = arith.subf %parallel_loop3A_690, %parallel_loop3A_713 : vector<16xf32>
        %parallel_loop3A_789 = arith.mulf %parallel_loop3A_788, %parallel_loop3A_752 : vector<16xf32>
        %parallel_loop3A_790 = arith.mulf %parallel_loop3A_789, %get3A_15 : vector<16xf32>
        %parallel_loop3A_791 = arith.addf %parallel_loop3A_790, %get3A_31 : vector<16xf32>
        %parallel_loop3A_792 = arith.index_cast %parallel_loop3A_659 : i32 to index
        %parallel_loop3A_793 = arith.constant 80 : index
        %parallel_loop3A_794 = tpu.vector_load %arg22[%parallel_loop3A_792, %parallel_loop3A_793] {strides = array<i32>} : memref<128x128xf32, #tpu.memory_space<vmem>>, vector<16xf32>,
        tpu.vector_store %arg22[%parallel_loop3A_792, %parallel_loop3A_793], %parallel_loop3A_791 {strides = array<i32>} : memref<128x128xf32, #tpu.memory_space<vmem>>, vector<16xf32>,
        %parallel_loop3A_795 = arith.subf %parallel_loop3A_696, %parallel_loop3A_713 : vector<16xf32>
        %parallel_loop3A_796 = arith.mulf %parallel_loop3A_795, %parallel_loop3A_752 : vector<16xf32>
        %parallel_loop3A_797 = arith.mulf %parallel_loop3A_796, %get3A_17 : vector<16xf32>
        %parallel_loop3A_798 = arith.addf %parallel_loop3A_797, %get3A_33 : vector<16xf32>
        %parallel_loop3A_799 = arith.index_cast %parallel_loop3A_659 : i32 to index
        %parallel_loop3A_800 = arith.constant 96 : index
        %parallel_loop3A_801 = tpu.vector_load %arg22[%parallel_loop3A_799, %parallel_loop3A_800] {strides = array<i32>} : memref<128x128xf32, #tpu.memory_space<vmem>>, vector<16xf32>,
        tpu.vector_store %arg22[%parallel_loop3A_799, %parallel_loop3A_800], %parallel_loop3A_798 {strides = array<i32>} : memref<128x128xf32, #tpu.memory_space<vmem>>, vector<16xf32>,
        %parallel_loop3A_802 = arith.subf %parallel_loop3A_702, %parallel_loop3A_713 : vector<16xf32>
        %parallel_loop3A_803 = arith.mulf %parallel_loop3A_802, %parallel_loop3A_752 : vector<16xf32>
        %parallel_loop3A_804 = arith.mulf %parallel_loop3A_803, %get3A_19 : vector<16xf32>
        %parallel_loop3A_805 = arith.addf %parallel_loop3A_804, %get3A_35 : vector<16xf32>
        %parallel_loop3A_806 = arith.index_cast %parallel_loop3A_659 : i32 to index
        %parallel_loop3A_807 = arith.constant 112 : index
        %parallel_loop3A_808 = tpu.vector_load %arg22[%parallel_loop3A_806, %parallel_loop3A_807] {strides = array<i32>} : memref<128x128xf32, #tpu.memory_space<vmem>>, vector<16xf32>,
        tpu.vector_store %arg22[%parallel_loop3A_806, %parallel_loop3A_807], %parallel_loop3A_805 {strides = array<i32>} : memref<128x128xf32, #tpu.memory_space<vmem>>, vector<16xf32>,
      } {sc.loop_unroll_factor = 1 : i64, sc.parallel_access}
      %min3A_638 = arith.constant 127 : i32
      %min3A_639 = arith.minsi %add3A_510, %min3A_638 : i32
      %mul3A_640 = arith.constant 128 : i32
      %mul3A_641 = arith.muli %min3A_639, %mul3A_640 : i32
      %add3A_642 = arith.addi %mul3A_2, %mul3A_641 : i32
      %dma_start3A_643 = arith.constant 0 : i32
      %dma_start3A_644 = tpu.memref_slice %arg8[%add3A_642, %dma_start3A_643] : memref<524288x128xf32, #tpu.memory_space<hbm>> -> memref<128x128xf32, #tpu.memory_space<hbm>>
      %dma_start3A_645 = arith.constant 0 : i32
      %dma_start3A_646 = tpu.memref_slice %arg8[%add3A_642, %dma_start3A_645] : memref<524288x128xf32, #tpu.memory_space<hbm>> -> memref<128x128xf32, #tpu.memory_space<hbm>>
      tpu.enqueue_dma source(%arg22 : memref<128x128xf32, #tpu.memory_space<vmem>>) target(%dma_start3A_646 : memref<128x128xf32, #tpu.memory_space<hbm>>) target_semaphore(%arg38 : memref<!tpu.dma_semaphore, #tpu.memory_space<semaphore_mem>>)
      %add3A_647 = arith.constant 3 : i32
      %add3A_648 = arith.addi %add3A_510, %add3A_647 : i32
      %min3A_649 = arith.constant 127 : i32
      %min3A_650 = arith.minsi %add3A_648, %min3A_649 : i32
      %mul3A_651 = arith.constant 128 : i32
      %mul3A_652 = arith.muli %min3A_650, %mul3A_651 : i32
      %add3A_653 = arith.addi %mul3A_2, %mul3A_652 : i32
      %dma_start3A_654 = tpu.memref_slice %arg2[%add3A_653] : memref<524288xi32, #tpu.memory_space<hbm>> -> memref<128xi32, #tpu.memory_space<hbm>>
      %dma_start3A_655 = tpu.memref_slice %arg2[%add3A_653] : memref<524288xi32, #tpu.memory_space<hbm>> -> memref<128xi32, #tpu.memory_space<hbm>>
      tpu.enqueue_dma source(%dma_start3A_655 : memref<128xi32, #tpu.memory_space<hbm>>) target(%arg13 : memref<128xi32, #tpu.memory_space<vmem>>) target_semaphore(%arg26 : memref<!tpu.dma_semaphore, #tpu.memory_space<semaphore_mem>>)
      %dma_start3A_656 = tpu.memref_slice %arg3[%add3A_653] : memref<524288xi32, #tpu.memory_space<hbm>> -> memref<128xi32, #tpu.memory_space<hbm>>
      %dma_start3A_657 = tpu.memref_slice %arg3[%add3A_653] : memref<524288xi32, #tpu.memory_space<hbm>> -> memref<128xi32, #tpu.memory_space<hbm>>
      tpu.enqueue_dma source(%dma_start3A_657 : memref<128xi32, #tpu.memory_space<hbm>>) target(%arg16 : memref<128xi32, #tpu.memory_space<vmem>>) target_semaphore(%arg29 : memref<!tpu.dma_semaphore, #tpu.memory_space<semaphore_mem>>)
      %scan3A_658 = arith.constant 0 : i32
      scf.yield %scan3A_658 : i32
    }
    %scan3A_187 = arith.constant 43 : i32
    %dma_wait3A_188 = arith.constant 0 : i32
    %dma_wait3A_189 = tpu.memref_slice %arg8[%mul3A_2, %dma_wait3A_188] : memref<524288x128xf32, #tpu.memory_space<hbm>> -> memref<128x128xf32, #tpu.memory_space<hbm>>
    %dma_wait3A_190 = arith.constant 0 : i32
    %dma_wait3A_191 = tpu.memref_slice %arg8[%mul3A_2, %dma_wait3A_190] : memref<524288x128xf32, #tpu.memory_space<hbm>> -> memref<128x128xf32, #tpu.memory_space<hbm>>
    tpu.wait_dma2 semaphore(%arg38 : memref<!tpu.dma_semaphore, #tpu.memory_space<semaphore_mem>>) src(%arg22 : memref<128x128xf32, #tpu.memory_space<vmem>>) dst(%dma_wait3A_191 : memref<128x128xf32, #tpu.memory_space<hbm>>)
    %dma_wait3A_192 = arith.constant 0 : i32
    %dma_wait3A_193 = arith.constant 0 : i32
    %dma_wait3A_194 = tpu.memref_slice %arg23[%dma_wait3A_192, %dma_wait3A_193] : memref<1536x128xf32, #tpu.memory_space<vmem_shared>> -> memref<1536x128xf32, #tpu.memory_space<vmem_shared>>
    tpu.wait_indirect_dma semaphore(%arg33 : memref<!tpu.dma_semaphore, #tpu.memory_space<semaphore_mem>>) src(%dma_wait3A_194 : memref<1536x128xf32, #tpu.memory_space<vmem_shared>>) dst(%arg20 : memref<128x128xf32, #tpu.memory_space<vmem>>)
    %dma_wait3A_195 = arith.constant 0 : i32
    %dma_wait3A_196 = arith.constant 0 : i32
    %dma_wait3A_197 = tpu.memref_slice %arg4[%dma_wait3A_195, %dma_wait3A_196] : memref<100000x128xf32, #tpu.memory_space<hbm>> -> memref<100000x128xf32, #tpu.memory_space<hbm>>
    tpu.wait_indirect_dma semaphore(%arg31 : memref<!tpu.dma_semaphore, #tpu.memory_space<semaphore_mem>>) src(%dma_wait3A_197 : memref<100000x128xf32, #tpu.memory_space<hbm>>) dst(%arg21 : memref<128x128xf32, #tpu.memory_space<vmem>>)
    %dma_wait3A_198 = tpu.memref_slice %arg2[%mul3A_2] : memref<524288xi32, #tpu.memory_space<hbm>> -> memref<128xi32, #tpu.memory_space<hbm>>
    %dma_wait3A_199 = tpu.memref_slice %arg2[%mul3A_2] : memref<524288xi32, #tpu.memory_space<hbm>> -> memref<128xi32, #tpu.memory_space<hbm>>
    tpu.wait_dma2 semaphore(%arg26 : memref<!tpu.dma_semaphore, #tpu.memory_space<semaphore_mem>>) src(%dma_wait3A_199 : memref<128xi32, #tpu.memory_space<hbm>>) dst(%arg13 : memref<128xi32, #tpu.memory_space<vmem>>)
    %dma_wait3A_200 = tpu.memref_slice %arg3[%mul3A_2] : memref<524288xi32, #tpu.memory_space<hbm>> -> memref<128xi32, #tpu.memory_space<hbm>>
    %dma_wait3A_201 = tpu.memref_slice %arg3[%mul3A_2] : memref<524288xi32, #tpu.memory_space<hbm>> -> memref<128xi32, #tpu.memory_space<hbm>>
    tpu.wait_dma2 semaphore(%arg28 : memref<!tpu.dma_semaphore, #tpu.memory_space<semaphore_mem>>) src(%dma_wait3A_201 : memref<128xi32, #tpu.memory_space<hbm>>) dst(%arg15 : memref<128xi32, #tpu.memory_space<vmem>>)
    %dma_wait3A_202 = tpu.memref_slice %arg3[%mul3A_2] : memref<524288xi32, #tpu.memory_space<hbm>> -> memref<128xi32, #tpu.memory_space<hbm>>
    %dma_wait3A_203 = tpu.memref_slice %arg3[%mul3A_2] : memref<524288xi32, #tpu.memory_space<hbm>> -> memref<128xi32, #tpu.memory_space<hbm>>
    tpu.wait_dma2 semaphore(%arg29 : memref<!tpu.dma_semaphore, #tpu.memory_space<semaphore_mem>>) src(%dma_wait3A_203 : memref<128xi32, #tpu.memory_space<hbm>>) dst(%arg16 : memref<128xi32, #tpu.memory_space<vmem>>)
    return
  }
}

</mosaic_0001>

<sc_bundles>
// kernel: kernel.3.cloned.1.call-start
scs
__scs_entry_jumppad:
0x0: {  	(pc) =	sbr.rel $0x88, $3  }
0x1: {  	(tag) =	ssettag $0x0;
	lr =	simm.s32 $0x1  }
0x2: {  	[smem:$0x3F9A] =	sst lr;
	_ =	strace $0xD0000000  }
0x3: {  	_ = 	snop  }
0x4: {  	_ = 	snop  }
0x5: {  	_ = 	snop  }
0x6: {  	_ = 	snop  }
0x7: {  	_ = 	snop  }
__scs_overlays_trampoline_lowered:
0x8: {  	[smem:$0x3FA9] =	sst s0  }
0x9: {  	[smem:$0x3FAA] =	sst s1  }
0xa: {  	[smem:$0x3FAB] =	sst s2  }
0xb: {  	[smem:$0x3FAC] =	sst s3  }
0xc: {  	[smem:$0x3FAD] =	sst s4  }
0xd: {  	[smem:$0x3FAE] =	sst s5  }
0xe: {  	[smem:$0x3FAF] =	sst s6  }
0xf: {  	[smem:$0x3FB0] =	sst s7  }
0x10: {  	[smem:$0x3FB1] =	sst s8  }
0x11: {  	[smem:$0x3FB2] =	sst s9;
	s0 =	simm.s32 @!p0 $0x0  }
0x12: {  	s1 =	sld [smem:$0x3F98];
	s0 =	simm.s32 @p0 $0x1  }
0x13: {  	[smem:$0x3FB3] =	sst s0;
	s0 =	simm.s32 @!p1 $0x0  }
0x14: {  	s2 =	sld [smem:$0x3F97];
	s0 =	simm.s32 @p1 $0x1  }
0x15: {  	[smem:$0x3FB4] =	sst s0;
	s0 =	simm.s32 @!p2 $0x0  }
0x16: {  	s3 =	sld [smem:$0x3FDB];
	s0 =	simm.s32 @p2 $0x1  }
0x17: {  	s4 =	simm.s32 $0x1BF5;
	[smem:$0x3FB6] =	sst s0  }
0x18: {  	s0 =	sld [smem:$0x3F99];
	_ =	swait.ge [sflag:s4], $0x0  }
0x19: {  	s7 =	sld [smem:$0x3F9A]  }
0x1a: {  	s8 =	sadd.s32 $0xFFFFE003, lr  }
0x1b: {  	s9 =	sadd.s32 $0xFFFFFEF7, lr;
	s5 =	simm.s32 $0xFFFFFFFF;
	p2 =	slt.u32 s8, $0xFFFFF086  }
0x1c: {  	p1 =	slt.u32 s9, $0xF7A;
	s5 =	simm.s32 @!p2 $0x0  }
0x1d: {  	s5 =	simm.s32 @p1 $0x1;
	p0 =	seq.s32 s7, s2  }
0x1e: {  	s7 =	smul.u32 @!p0 $0xF7A, s2;
	p2 =	seq.s32 @!p0 s5, $0x0  }
0x1f: {  	s9 =	smul.u32 $0xF7A, s1;
	s8 =	simm.s32 @!p0 $0x1BF5;
	p2 =	por !p2, p0  }
0x20: {  	[sflag:s8] =	ssyncset.s32 @!p0 $0xFFFFF086;
	s6 =	sadd.s32 @!p0 s3, s7;
	s7 =	simm.s32 @!p0 $0x108  }
0x21: {  	s3 =	sadd.s32 s3, s9;
	s6 =	sadd.s32 @!p0 $0x88, s6;
	s7 =	simm.s32 @p2 $0x1082  }
0x22: {  	[simem:s7], [sflag:s8] =	dma.local @!p0 [hbm:s6], $0xF7A  }
0x23: {  	s9 =	sor.u32 $0xD0000000, s2;
	s6 =	simm.s32 $0x108;
	_ =	swait.ge @!p0 [sflag:s8], $0x0  }
0x24: {  	s3 =	sadd.s32 $0x88, s3;
	s6 =	simm.s32 @!p1 $0x1082;
	[sflag:s4] =	ssyncset.s32 $0xFFFFF086  }
0x25: {  	[simem:s6], [sflag:s4] =	dma.local [hbm:s3], $0xF7A  }
0x26: {  	[smem:$0x3F9A] =	sst s1;
	(tag) =	ssettag s2;
	_ =	strace s9  }
0x27: {  	s1 =	sld [smem:$0x3FAA]  }
0x28: {  	s2 =	sld [smem:$0x3FAB]  }
0x29: {  	s4 =	sld [smem:$0x3FAD]  }
0x2a: {  	p0 =	seq.s32 s5, $0x0;
	s5 =	sld [smem:$0x3FAE]  }
0x2b: {  	s6 =	sld [smem:$0x3FAF]  }
0x2c: {  	s7 =	sld [smem:$0x3FB0]  }
0x2d: {  	s3 =	simm.s32 $0x108;
	s8 =	sld [smem:$0x3FB1]  }
0x2e: {  	s3 =	simm.s32 @!p0 $0x1082;
	s9 =	sld [smem:$0x3FB2]  }
0x2f: {  	lr =	sadd.s32 s0, s3;
	s0 =	sld [smem:$0x3FA9]  }
0x30: {  	s3 =	sld [smem:$0x3FAC]  }
0x31: {  	[smem:$0x3FB5] =	sst s10  }
0x32: {  	s10 =	sld [smem:$0x3FB3];
	_ =	sdelay $0x3  }
0x33: {  	p0 =	seq.s32 s10, $0x1;
	s10 =	sld [smem:$0x3FB5];
	_ =	sdelay $0x3  }
0x34: {  	[smem:$0x3FB5] =	sst s10  }
0x35: {  	s10 =	sld [smem:$0x3FB4];
	_ =	sdelay $0x3  }
0x36: {  	p1 =	seq.s32 s10, $0x1;
	s10 =	sld [smem:$0x3FB5];
	_ =	sdelay $0x3  }
0x37: {  	[smem:$0x3FB5] =	sst s10  }
0x38: {  	s10 =	sld [smem:$0x3FB6]  }
0x39: {  	_ = 	snop;
	(pc) =	sbr.ind lr, $3  }
0x3a: {  	_ = 	snop  }
0x3b: {  	_ = 	snop  }
0x3c: {  	p2 =	seq.s32 s10, $0x1;
	s10 =	sld [smem:$0x3FB5]  }
0x3d: {  	_ =	shalt  }
0x3e: {  	_ =	shalt  }
0x3f: {  	_ =	shalt  }
0x40: {  	_ =	shalt  }
0x41: {  	_ =	shalt  }
0x42: {  	_ =	shalt  }
0x43: {  	_ =	shalt  }
0x44: {  	_ =	shalt  }
0x45: {  	_ =	shalt  }
0x46: {  	_ =	shalt  }
0x47: {  	_ =	shalt  }
0x48: {  	_ =	shalt  }
0x49: {  	_ =	shalt  }
0x4a: {  	_ =	shalt  }
0x4b: {  	_ =	shalt  }
0x4c: {  	_ =	shalt  }
0x4d: {  	_ =	shalt  }
0x4e: {  	_ =	shalt  }
0x4f: {  	_ =	shalt  }
0x50: {  	_ =	shalt  }
0x51: {  	_ =	shalt  }
0x52: {  	_ =	shalt  }
0x53: {  	_ =	shalt  }
0x54: {  	_ =	shalt  }
0x55: {  	_ =	shalt  }
0x56: {  	_ =	shalt  }
0x57: {  	_ =	shalt  }
0x58: {  	_ =	shalt  }
0x59: {  	_ =	shalt  }
0x5a: {  	_ =	shalt  }
0x5b: {  	_ =	shalt  }
0x5c: {  	_ =	shalt  }
0x5d: {  	_ =	shalt  }
0x5e: {  	_ =	shalt  }
0x5f: {  	_ =	shalt  }
0x60: {  	_ =	shalt  }
0x61: {  	_ =	shalt  }
0x62: {  	_ =	shalt  }
0x63: {  	_ =	shalt  }
0x64: {  	_ =	shalt  }
0x65: {  	_ =	shalt  }
0x66: {  	_ =	shalt  }
0x67: {  	_ =	shalt  }
0x68: {  	_ =	shalt  }
0x69: {  	_ =	shalt  }
0x6a: {  	_ =	shalt  }
0x6b: {  	_ =	shalt  }
0x6c: {  	_ =	shalt  }
0x6d: {  	_ =	shalt  }
0x6e: {  	_ =	shalt  }
0x6f: {  	_ =	shalt  }
0x70: {  	_ =	shalt  }
0x71: {  	_ =	shalt  }
0x72: {  	_ =	shalt  }
0x73: {  	_ =	shalt  }
0x74: {  	_ =	shalt  }
0x75: {  	_ =	shalt  }
0x76: {  	_ =	shalt  }
0x77: {  	_ =	shalt  }
0x78: {  	_ =	shalt  }
0x79: {  	_ =	shalt  }
0x7a: {  	_ =	shalt  }
0x7b: {  	_ =	shalt  }
0x7c: {  	_ =	shalt  }
0x7d: {  	_ =	shalt  }
0x7e: {  	_ =	shalt  }
0x7f: {  	_ =	shalt  }
0x80: {  	_ =	shalt  }
0x81: {  	_ =	shalt  }
0x82: {  	_ =	shalt  }
0x83: {  	_ =	shalt  }
0x84: {  	_ =	shalt  }
0x85: {  	_ =	shalt  }
0x86: {  	_ =	shalt  }
0x87: {  	_ =	shalt  }
.Lfunc_end0:
.L_simem_size_0:
called_computation_lowered:
.L_overlay_start_0:
0x88: {  	s2 =	sld [smem:$0x3FD9]  }
0x89: {  	s3 =	sld [smem:$0x3FFE];
	_ =	sdelay $0x1  }
0x8a: {  	s1 =	srdreg.scid  }
0x8b: {  	s0 =	sand.u32 $0x1, s1  }
0x8c: {  	s17 =	sshll.u32 s0, $0xA;
	s2 =	sadd.s32 s3, s2  }
0x8d: {  	s2 =	sadd.s32 s2, s17  }
0x8e: {  	[smem:$0x3FC1] =	sst s2  }
0x8f: {  	_ = 	snop  }
0x90: {  	s2 =	sld [smem:$0x3FC7]  }
0x91: {  	s18 =	sld [smem:$0x3FC5]  }
0x92: {  	s4 =	sld [smem:$0x3FC4]  }
0x93: {  	s5 =	sld [smem:$0x3FD0];
	(tm) =	ssettm $0x1  }
0x94: {  	s6 =	sld [smem:$0x3FFB];
	_ =	sdelay $0x3  }
0x95: {  	_ =	strace s6  }
0x96: {  	s6 =	sld [smem:$0x3FFC];
	_ =	sdelay $0x3  }
0x97: {  	_ =	strace s6  }
0x98: {  	s6 =	sld [smem:$0x3FFD];
	_ =	sdelay $0x3  }
0x99: {  	_ =	strace s6  }
0x9a: {  	_ =	strace $0x8FFFFFFF  }
0x9b: {  	s19 =	sld [smem:$0x3FDB];
	_ =	sdelay $0x1  }
0x9c: {  	s7 =	simm.s32 $_scs_section_size  }
0x9d: {  	s8 =	simm.s32 $_size__tile_overlayer_lowered;
	s9 =	simm.s32 $_tile_overlayer_lowered  }
0x9e: {  	s22 =	simm.s32 $0x1BFF;
	s21 =	sshll.u32 s9, $0x1;
	s6 =	sadd.s32 s7, s19  }
0x9f: {  	s10 =	simm.s32 $0x0;
	s20 =	sshll.u32 s8, $0x1;
	s8 =	sadd.s32 s21, s6  }
0xa0: {  	[timem:s10], [sflag:s22] =	dma.local [hbm:s8], s20  }
0xa1: {  	_ =	swait.ge [sflag:s22], s20  }
0xa2: {  	s7 =	ssub.s32 $0x0, s20;
	[sflag:s22] =	ssyncset.done $0x0  }
0xa3: {  	[sflag:s22] =	ssyncadd.s32 s7;
	_ =	sdelay $0x1  }
0xa4: {  	s23 =	simm.s32 $0x1B8B  }
0xa5: {  	_ =	swait.ge [sflag:s23], $0x1  }
0xa6: {  	[sflag:s23] =	ssyncset.done $0x0  }
0xa7: {  	s25 =	simm.s32 $0x1B8E;
	s24 =	sld [smem:$0x3FFE];
	[sflag:s23] =	ssyncadd.s32 $0xFFFFFFFF  }
0xa8: {  	s26 =	simm.s32 $execute0_lowered;
	[smem:$0x3FD2] =	sst s25  }
0xa9: {  	s8 =	sshll.u32 s26, $0x1;
	_ =	strace $0x80000046;
	[dreg:$0x1] =	wrdreg $0xFFFFFFFF  }
0xaa: {  	s28 =	simm.s32 $_size_execute0_lowered;
	s6 =	sadd.s32 s6, s8;
	[dreg:$0x0] =	wrdreg $0x0  }
0xab: {  	s8 =	sshll.u32 s28, $0x1;
	[dreg:$0x2] =	wrdreg s6  }
0xac: {  	[dreg:$0x3] =	wrdreg s8  }
0xad: {  	[dreg:$0x4] =	wrdreg $0xC0  }
0xae: {  	_ =	task [dreg:s10], $0x5FFFF  }
0xaf: {  	[dreg:$0x1] =	wrdreg $0xFFFFFFFF  }
0xb0: {  	[dreg:$0x0] =	wrdreg $0x60  }
0xb1: {  	[dreg:$0x2] =	wrdreg s24  }
0xb2: {  	[dreg:$0x3] =	wrdreg s2  }
0xb3: {  	[dreg:$0x4] =	wrdreg s18  }
0xb4: {  	[dreg:$0x5] =	wrdreg s4  }
0xb5: {  	[dreg:$0x6] =	wrdreg s5  }
0xb6: {  	[dreg:$0x7] =	wrdreg $0xC5800  }
0xb7: {  	[dreg:$0x8] =	wrdreg $0x9  }
0xb8: {  	_ =	task.clear_ibuf [dreg:s10], $0x9FFFF;
	_ =	strace $0x90000046  }
0xb9: {  	s29 =	simm.s32 $0x9;
	_ =	strace $0x80000048  }
0xba: {  	_ =	swait.ge [sflag:s29], $0x1  }
0xbb: {  	[sflag:s29] =	ssyncadd.s32 $0xFFFFFFFF  }
0xbc: {  	_ =	strace $0x90000048  }
0xbd: {  	_ =	sfence  }
0xbe: {  	s30 =	sld [smem:$0x0];
	_ =	sdelay $0x2  }
0xbf: {  	s31 =	sshll.u32 s1, $0xD;
	s1 =	sshrl.u32 s1, $0x2  }
0xc0: {  	s3 =	sand.u32 $0x4000, s31;
	s1 =	sadd.s32 s1, s30  }
0xc1: {  	s0 =	sor.u32 s3, s0;
	s1 =	sshll.u32 s1, $0x11  }
0xc2: {  	s0 =	sor.u32 s1, s0  }
0xc3: {  	s0 =	sadd.s32 $0x8F2B, s0  }
0xc4: {  	[sflag:s0] =	ssyncadd.remote.s32 $0x1  }
0xc5: {  	_ =	sfence.sel $0xFFFF  }
0xc6: {  	[dreg:$0x0] =	wrdreg $0xFFFFFFFF;
	(pc) =	sbr.abs _section_cstart, $3  }
0xc7: {  	[dreg:$0x1] =	wrdreg $0xFFFFFFFF  }
0xc8: {  	_ =	task.clear_ibuf [dreg:s10], $0x2FFFF;
	_ =	strace $0x9FFFFFFF  }
0xc9: {  	(tm) =	ssettm $0x7FFFFFFF  }
tec
execute0_lowered:
.L_overlay_start_1:
0x0: {  	(tag) =	ssettag $0x1  }
0x1: {  	s0 =	rddreg [dreg:$0x0]  }
0x2: {  	s25 =	rddreg [dreg:$0x1]  }
0x3: {  	s1 =	rddreg [dreg:$0x4]  }
0x4: {  	s10 =	rddreg [dreg:$0x5];
	s5 =	simm.s32 $0x0  }
0x5: {  	s2 =	srdreg.scid;
	s3 =	stileid.u32;
	s12 =	simm.s32 $0x200  }
0x6: {  	s30 =	simm.s32 $0x1;
	s31 =	simm.s32 $0x580;
	s11 =	simm.s32 $0x3  }
0x7: {  	s13 =	simm.s32 $0x5;
	s14 =	simm.s32 $0x8;
	s29 =	simm.s32 $0xC  }
0x8: {  	[smem:$0x7FF] =	sst s5;
	s6 =	sadd.s32 $0xA00, s0;
	s2 =	sand.u32 $0x1, s2  }
0x9: {  	s8 =	sshll.u32 s3, $0xF;
	s7 =	sadd.s32 $0x10A00, s0;
	s0 =	sadd.s32 $0x20A00, s0  }
0xa: {  	p0 =	sne.s32 s3, $0x0;
	s3 =	simm.s32 $0x4580;
	s4 =	ssub.s32 $0x2, s2  }
0xb: {  	_ =	strace $0x80000047;
	s2 =	sshll.u32 s2, $0xE;
	s9 =	sshrl.u32 s4, $0x1  }
0xc: {  	[dreg:$0x8] =	wrdreg s0;
	s8 =	sor.u32 s2, s8;
	s18 =	ssub.s32 s4, s9  }
0xd: {  	s2 =	sshrl.u32 s8, $0x3;
	s26 =	sor.u32 $0x200, s8;
	[dreg:$0x7] =	wrdreg s8  }
0xe: {  	s24 =	sshll.u32 s8, $0x4;
	s28 =	sor.u32 $0x280, s8;
	[dreg:$0xf] =	wrdreg s26  }
0xf: {  	s9 =	simm.s32 $0x7;
	s19 =	sadd.s32 s6, s2;
	[dreg:$0x10] =	wrdreg s28  }
0x10: {  	s20 =	sadd.s32 s7, s2;
	s21 =	sor.u32 $0x10, s2;
	[dreg:$0x9] =	wrdreg s19  }
0x11: {  	s2 =	sor.u32 $0x20, s2;
	s0 =	smax.u32 s18, $0x1;
	[dreg:$0xa] =	wrdreg s20  }
0x12: {  	s16 =	sadd.s32 s1, s24;
	s22 =	sadd.s32 s6, s21;
	[dreg:$0x11] =	wrdreg s0  }
0x13: {  	s24 =	smov.u32 s10;
	s4 =	sadd.s32 s7, s21;
	[dreg:$0xb] =	wrdreg s22  }
0x14: {  	v0 =	vlaneseq.u32;
	s26 =	simm.s32 $0xE;
	s23 =	sadd.s32 s6, s2;
	[dreg:$0xc] =	wrdreg s4  }
0x15: {  	v1 =	vor.u32 $0x10, v0;
	s2 =	sadd.s32 s7, s2;
	s0 =	sshrl.u32 @!p0 s10, $0x3;
	[dreg:$0xd] =	wrdreg s23  }
0x16: {  	[tilespmem:$0x1FFD0] =	vst v1;
	v1 =	vor.u32 $0x20, v0;
	s20 =	simm.s32 $0x8580;
	s19 =	simm.s32 $0xA;
	[dreg:$0xe] =	wrdreg s2  }
0x17: {  	v4 =	vor.u32 $0x40, v0;
	[tilespmem:$0x1FFE0] =	vst v1;
	v1 =	vor.u32 $0x30, v0;
	s21 =	simm.s32 $0x6;
	[dreg:$0x12] =	wrdreg s0;
	s22 =	simm.s32 $0x80  }
0x18: {  	v5 =	vor.u32 $0x50, v0;
	v6 =	vor.u32 $0x60, v0;
	v7 =	vor.u32 $0x70, v0;
	[tilespmem:$0x1FFF0] =	vst v1;
	s0 =	simm.s32 $0x4;
	s2 =	simm.s32 $0x2;
	s4 =	simm.s32 $0x0  }
.LBB2_1:
0x19: {  	[dreg:$0x13] =	wrdreg s4  }
0x1a: {  	s4 =	rddreg [dreg:$0x8]  }
0x1b: {  	s1 =	simm.s32 @!p0 $0x1C10;
	s8 =	rddreg [dreg:$0x12]  }
0x1c: {  	[spmem:s8], [sflag:s1] =	dma.local @!p0 [hbm:s4], $0x6000  }
0x1d: {  	s1 =	simm.s32 @!p0 $0x10  }
0x1e: {  	_ =	swait.ge @!p0 [sflag:s1], $0x6000  }
0x1f: {  	[sflag:s1] =	ssyncset.done @!p0 $0x0  }
0x20: {  	[sflag:s1] =	ssyncadd.s32 @!p0 $0xFFFFA000  }
0x21: {  	[bflag:$0x0] =	sbarrier.arrive $0xFFFF  }
0x22: {  	s8 =	simm.s32 $0x10;
	s4 =	rddreg [dreg:$0x2]  }
0x23: {  	[tilespmem:s5], [sflag:$0x10] =	stream.linear.gather [hbm4b:s4+s5], $0x80, $0x38;
	[tilespmem:$0xF580] =	vst v63  }
0x24: {  	_ =	swait.ge [sflag:s8], $0x80  }
0x25: {  	[sflag:s8] =	ssyncset.done $0x0  }
0x26: {  	[sflag:s8] =	ssyncadd.s32 $0xFFFFFF80  }
0x27: {  	s10 =	rddreg [dreg:$0x3]  }
0x28: {  	[tilespmem:s22], [sflag:$0x10] =	stream.linear.gather [hbm4b:s10+s5], $0x80, $0x38;
	[tilespmem:$0xF580] =	vst v63  }
0x29: {  	_ =	swait.ge [sflag:s8], $0x80  }
0x2a: {  	[sflag:s8] =	ssyncset.done $0x0  }
0x2b: {  	[sflag:s8] =	ssyncadd.s32 $0xFFFFFF80  }
0x2c: {  	v8 =	vld [tilespmem:$0x0]  }
0x2d: {  	v9 =	vld [tilespmem:$0x10]  }
0x2e: {  	v10 =	vld [tilespmem:$0x20]  }
0x2f: {  	v11 =	vld [tilespmem:$0x30]  }
0x30: {  	v12 =	vld [tilespmem:$0x40]  }
0x31: {  	v13 =	vld [tilespmem:$0x50]  }
0x32: {  	v14 =	vld [tilespmem:$0x60]  }
0x33: {  	v15 =	vld [tilespmem:$0x70]  }
0x34: {  	v16 =	vld [tilespmem:$0x80]  }
0x35: {  	v17 =	vld [tilespmem:$0x90]  }
0x36: {  	v18 =	vld [tilespmem:$0xA0]  }
0x37: {  	v19 =	vld [tilespmem:$0xB0]  }
0x38: {  	v20 =	vld [tilespmem:$0xC0]  }
0x39: {  	v21 =	vld [tilespmem:$0xD0]  }
0x3a: {  	s4 =	simm.s32 $0x100;
	s15 =	rddreg [dreg:$0x9];
	v22 =	vld [tilespmem:$0xE0]  }
0x3b: {  	v23 =	vld [tilespmem:$0xF0];
	[tilespmem:s4], [sflag:$0x1] =	stream.linear.gather [hbm4b:s15+s5], $0x80, $0x38  }
0x3c: {  	s18 =	simm.s32 $0x280;
	s17 =	rddreg [dreg:$0xa]  }
0x3d: {  	[tilespmem:s18], [sflag:$0x4] =	stream.linear.gather [hbm4b:s17+s5], $0x80, $0x38;
	[tilespmem:$0xF580] =	vst v63  }
0x3e: {  	s28 =	simm.s32 $0x180;
	s23 =	rddreg [dreg:$0xb]  }
0x3f: {  	[tilespmem:s28], [sflag:$0x2] =	stream.linear.gather [hbm4b:s23+s5], $0x80, $0x38;
	[tilespmem:$0xF580] =	vst v63  }
0x40: {  	s10 =	simm.s32 $0x300;
	s15 =	rddreg [dreg:$0xc]  }
0x41: {  	[tilespmem:s10], [sflag:$0x5] =	stream.linear.gather [hbm4b:s15+s5], $0x80, $0x38;
	[tilespmem:$0xF580] =	vst v63  }
0x42: {  	s17 =	rddreg [dreg:$0xd]  }
0x43: {  	[tilespmem:s12], [sflag:$0x3] =	stream.linear.gather [hbm4b:s17+s5], $0x80, $0x38;
	[tilespmem:$0xF580] =	vst v63  }
0x44: {  	s18 =	rddreg [dreg:$0xe];
	s23 =	simm.s32 $0x380  }
0x45: {  	[tilespmem:s23], [sflag:$0x6] =	stream.linear.gather [hbm4b:s18+s5], $0x80, $0x38;
	[tilespmem:$0xF580] =	vst v63  }
0x46: {  	_ =	swait.ge [sflag:s30], $0x80  }
0x47: {  	[sflag:s30] =	ssyncset.done $0x0  }
0x48: {  	[sflag:s30] =	ssyncadd.s32 $0xFFFFFF80  }
0x49: {  	[tilespmem:s31], [sflag:$0x7] =	stream.indirect.gather [hbm4b:s25+s22], $0x80, s4, s22, $0xb8;
	[tilespmem:$0xF580] =	vst v63  }
0x4a: {  	_ =	swait.ge [sflag:s0], $0x80  }
0x4b: {  	[sflag:s0] =	ssyncset.done $0x0  }
0x4c: {  	[sflag:s0] =	ssyncadd.s32 $0xFFFFFF80  }
0x4d: {  	v25 =	vld [tilespmem:$0x290]  }
0x4e: {  	v1 =	vld [tilespmem:$0x1FFD0]  }
0x4f: {  	v24 =	vld [tilespmem:$0x280]  }
0x50: {  	v26 =	vld [tilespmem:$0x2A0]  }
0x51: {  	v28 =	vld [tilespmem:$0x2C0]  }
0x52: {  	v29 =	vld [tilespmem:$0x2D0];
	v25 =	vshll.u32 v25, $0x9  }
0x53: {  	v50 =	vor.u32 v1, v25;
	v1 =	vld [tilespmem:$0x1FFE0]  }
0x54: {  	v30 =	vld [tilespmem:$0x2E0]  }
0x55: {  	v52 =	vld [tilespmem:$0x2F0];
	v24 =	vshll.u32 v24, $0x9  }
0x56: {  	v24 =	vor.u32 v0, v24  }
0x57: {  	v27 =	vld [tilespmem:$0x2B0];
	v51 =	vshll.u32 v26, $0x9;
	v56 =	vshll.u32 v28, $0x9;
	[tilespmem:$0x400] =	vst v24  }
0x58: {  	v58 =	vshll.u32 v29, $0x9;
	v57 =	vor.u32 v4, v56;
	[tilespmem:$0x410] =	vst v50;
	v53 =	vor.u32 v1, v51;
	v1 =	vld [tilespmem:$0x1FFF0]  }
0x59: {  	v60 =	vshll.u32 v30, $0x9;
	v59 =	vor.u32 v5, v58;
	[tilespmem:$0x440] =	vst v57  }
0x5a: {  	v62 =	vshll.u32 v52, $0x9;
	v61 =	vor.u32 v6, v60;
	[tilespmem:$0x450] =	vst v59  }
0x5b: {  	v63 =	vor.u32 v7, v62;
	[tilespmem:$0x460] =	vst v61  }
0x5c: {  	v54 =	vshll.u32 v27, $0x9;
	[tilespmem:$0x470] =	vst v63  }
0x5d: {  	[tilespmem:$0x420] =	vst v53;
	v55 =	vor.u32 v1, v54  }
0x5e: {  	[tilespmem:$0x430] =	vst v55  }
0x5f: {  	_ =	swait.ge [sflag:s2], $0x80  }
0x60: {  	[sflag:s2] =	ssyncset.done $0x0  }
0x61: {  	[sflag:s2] =	ssyncadd.s32 $0xFFFFFF80  }
0x62: {  	[tilespmem:s3], [sflag:$0x8] =	stream.indirect.gather [hbm4b:s25+s22], $0x80, s28, s22, $0xb8;
	[tilespmem:$0xF580] =	vst v63  }
0x63: {  	_ =	swait.ge [sflag:s9], $0x4000  }
0x64: {  	[sflag:s9] =	ssyncset.done $0x0  }
0x65: {  	s10 =	simm.s32 $0x0;
	s28 =	simm.s32 $0x400;
	[sflag:s9] =	ssyncadd.s32 $0xFFFFC000  }
0x66: {  	[tilespmem:s31], [sflag:$0xA] =	stream.indirect.gather.add.f32 [spmem:s24], $0x80, s28, s22, $0xb8;
	[tilespmem:$0xF580] =	vst v63  }
.LBB2_2:
0x67: {  	p1 =	seq.s32 s10, $0x0  }
0x68: {  	s1 =	simm.s32 @!p1 $0xF  }
0x69: {  	_ =	swait.ge @!p1 [sflag:s1], $0x4000  }
0x6a: {  	[sflag:s1] =	ssyncset.done @!p1 $0x0  }
0x6b: {  	[sflag:s1] =	ssyncadd.s32 @!p1 $0xFFFFC000  }
0x6c: {  	_ =	swait.ge [sflag:s11], $0x80  }
0x6d: {  	[sflag:s11] =	ssyncset.done $0x0  }
0x6e: {  	[sflag:s11] =	ssyncadd.s32 $0xFFFFFF80  }
0x6f: {  	[tilespmem:s20], [sflag:$0x9] =	stream.indirect.gather [hbm4b:s25+s22], $0x80, s12, s22, $0xb8;
	[tilespmem:$0xF580] =	vst v63  }
0x70: {  	_ =	swait.ge [sflag:s13], $0x80  }
0x71: {  	[sflag:s13] =	ssyncset.done $0x0  }
0x72: {  	[sflag:s13] =	ssyncadd.s32 $0xFFFFFF80  }
0x73: {  	v24 =	vld [tilespmem:$0x300]  }
0x74: {  	s8 =	smul.u32 $0x3, s10;
	v25 =	vld [tilespmem:$0x310]  }
0x75: {  	v26 =	vld [tilespmem:$0x320]  }
0x76: {  	s17 =	sadd.s32 $0x1, s8;
	v27 =	vld [tilespmem:$0x330]  }
0x77: {  	s15 =	sshll.u32 s17, $0x7;
	v28 =	vld [tilespmem:$0x340]  }
0x78: {  	s1 =	sand.u32 $0x180, s15;
	v29 =	vld [tilespmem:$0x350];
	v24 =	vshll.u32 v24, $0x9  }
0x79: {  	s4 =	sor.u32 $0x10, s1;
	v30 =	vld [tilespmem:$0x360];
	v25 =	vshll.u32 v25, $0x9;
	v24 =	vor.u32 s1, v24  }
0x7a: {  	s18 =	sor.u32 $0x20, s1;
	v31 =	vld [tilespmem:$0x370];
	v26 =	vshll.u32 v26, $0x9;
	v25 =	vor.u32 s4, v25;
	v24 =	vor.u32 v0, v24  }
0x7b: {  	s23 =	sor.u32 $0x30, s1;
	[tilespmem:$0x480] =	vst v24;
	v24 =	vor.u32 v0, v25;
	v25 =	vor.u32 s18, v26;
	v26 =	vshll.u32 v27, $0x9  }
0x7c: {  	s12 =	sor.u32 $0x40, s1;
	[tilespmem:$0x490] =	vst v24;
	v24 =	vor.u32 v0, v25;
	v25 =	vor.u32 s23, v26;
	v26 =	vshll.u32 v28, $0x9  }
0x7d: {  	s15 =	sor.u32 $0x50, s1;
	[tilespmem:$0x4A0] =	vst v24;
	v24 =	vor.u32 v0, v25;
	v25 =	vor.u32 s12, v26;
	v26 =	vshll.u32 v29, $0x9  }
0x7e: {  	s18 =	sor.u32 $0x60, s1;
	[tilespmem:$0x4B0] =	vst v24;
	v24 =	vor.u32 v0, v25;
	v25 =	vor.u32 s15, v26;
	v26 =	vshll.u32 v30, $0x9  }
0x7f: {  	s1 =	sor.u32 $0x70, s1;
	[tilespmem:$0x4C0] =	vst v24;
	v24 =	vor.u32 v0, v25;
	v25 =	vor.u32 s18, v26;
	v26 =	vshll.u32 v31, $0x9  }
0x80: {  	[tilespmem:$0x4D0] =	vst v24;
	v24 =	vor.u32 v0, v25;
	v25 =	vor.u32 s1, v26  }
0x81: {  	[tilespmem:$0x4E0] =	vst v24;
	v24 =	vor.u32 v0, v25  }
0x82: {  	[tilespmem:$0x4F0] =	vst v24  }
0x83: {  	_ =	swait.ge [sflag:s14], $0x4000  }
0x84: {  	[sflag:s14] =	ssyncset.done $0x0  }
0x85: {  	s23 =	simm.s32 $0x480;
	[sflag:s14] =	ssyncadd.s32 $0xFFFFC000  }
0x86: {  	[tilespmem:s3], [sflag:$0xB] =	stream.indirect.gather.add.f32 [spmem:s24], $0x80, s23, s22, $0xb8;
	[tilespmem:$0xF580] =	vst v63  }
0x87: {  	_ =	swait.ge [sflag:s19], $0x4000  }
0x88: {  	[sflag:s19] =	ssyncset.done $0x0  }
0x89: {  	s18 =	simm.s32 $0x0;
	[sflag:s19] =	ssyncadd.s32 $0xFFFFC000  }
0x8a: {  	v32 =	vld [tilespmem:s18+$0x580]  }
0x8b: {  	v33 =	vld [tilespmem:s18+$0x590];
	_ =	sdelay $0x1  }
0x8c: {  	v30 =	vld [tilespmem:s18+$0x5A0];
	_ =	sdelay $0x1  }
0x8d: {  	v31 =	vld [tilespmem:s18+$0x5B0]  }
0x8e: {  	v24 =	vadd.f32 v33, v32;
	v25 =	vmul.f32 v32, v32;
	v26 =	vmul.f32 v33, v33  }
0x8f: {  	v35 =	vld [tilespmem:s18+$0x5C0]  }
0x90: {  	v27 =	vmul.f32 v30, v30;
	v24 =	vadd.f32 v30, v24;
	v25 =	vadd.f32 v26, v25  }
0x91: {  	v37 =	vld [tilespmem:s18+$0x5D0]  }
0x92: {  	v26 =	vmul.f32 v31, v31;
	v24 =	vadd.f32 v31, v24;
	v25 =	vadd.f32 v27, v25  }
0x93: {  	v38 =	vld [tilespmem:s18+$0x5E0]  }
0x94: {  	v24 =	vadd.f32 v35, v24;
	v25 =	vadd.f32 v26, v25;
	v26 =	vmul.f32 v35, v35  }
0x95: {  	v29 =	vld [tilespmem:s18+$0x5F0]  }
0x96: {  	v24 =	vadd.f32 v37, v24;
	v25 =	vadd.f32 v26, v25;
	v26 =	vmul.f32 v37, v37;
	_ =	sdelay $0x1  }
0x97: {  	v24 =	vadd.f32 v38, v24;
	v25 =	vadd.f32 v26, v25;
	v26 =	vmul.f32 v38, v38;
	_ =	sdelay $0x1  }
0x98: {  	v24 =	vadd.f32 v29, v24;
	v25 =	vadd.f32 v26, v25;
	v26 =	vmul.f32 v29, v29;
	_ =	sdelay $0x1  }
0x99: {  	(xrf2) =	vadd.scan.msk.f32 $0xffff, v24;
	v24 =	vadd.f32 v26, v25;
	_ =	sdelay $0x1  }
0x9a: {  	s28 =	simm.s32 $0x80;
	(xrf2) =	vadd.scan.msk.f32 $0xffff, v24  }
0x9b: {  	v47 =	vld [tilespmem:s28+$0x590]  }
0x9c: {  	v39 =	vld [tilespmem:s28+$0x580];
	_ =	sdelay $0x1  }
0x9d: {  	v46 =	vld [tilespmem:s28+$0x5A0];
	_ =	sdelay $0x1  }
0x9e: {  	v44 =	vld [tilespmem:s28+$0x5B0];
	v27 =	vmul.f32 v47, v47  }
0x9f: {  	v24 =	vadd.f32 v47, v39  }
0xa0: {  	v40 =	vld [tilespmem:s28+$0x5C0];
	v25 =	vmul.f32 v39, v39;
	v26, _, _ =	vpop (xrf2)  }
0xa1: {  	v24 =	vadd.f32 v46, v24;
	v34 =	vmul.f32 $7.812500000e-03, v26  }
0xa2: {  	v41 =	vld [tilespmem:s28+$0x5D0];
	v25 =	vadd.f32 v27, v25;
	v26 =	vmul.f32 v46, v46;
	v27, _, _ =	vpop (xrf2)  }
0xa3: {  	v24 =	vadd.f32 v44, v24;
	v28 =	vmul.f32 v34, v34;
	v27 =	vmul.f32 $7.812500000e-03, v27  }
0xa4: {  	v45 =	vld [tilespmem:s28+$0x5E0];
	v25 =	vadd.f32 v26, v25;
	v26 =	vmul.f32 v44, v44  }
0xa5: {  	v24 =	vadd.f32 v40, v24;
	v27 =	vsub.f32 v27, v28  }
0xa6: {  	v48 =	vld [tilespmem:s28+$0x5F0];
	v25 =	vadd.f32 v26, v25;
	v26 =	vmul.f32 v40, v40  }
0xa7: {  	v24 =	vadd.f32 v41, v24;
	v27 =	vadd.f32 $9.999999740e-06, v27  }
0xa8: {  	v25 =	vadd.f32 v26, v25;
	v26 =	vmul.f32 v41, v41  }
0xa9: {  	v24 =	vadd.f32 v45, v24;
	v27 =	vbroadcast v27, $0xF  }
0xaa: {  	v25 =	vadd.f32 v26, v25;
	v26 =	vmul.f32 v45, v45  }
0xab: {  	v24 =	vadd.f32 v48, v24;
	v28 =	vshra.s32 v27, $0x1;
	v36 =	vmul.f32 $5.000000000e-01, v27  }
0xac: {  	v25 =	vadd.f32 v26, v25;
	v26 =	vmul.f32 v48, v48;
	v28 =	vsub.s32 $0x5F3759DF, v28  }
0xad: {  	(xrf2) =	vadd.scan.msk.f32 $0xffff, v24;
	v24 =	vmul.f32 v28, v36  }
0xae: {  	v25 =	vadd.f32 v26, v25  }
0xaf: {  	s23 =	simm.s32 $0x100;
	v26 =	vmul.f32 v28, v24  }
0xb0: {  	v27 =	vld [tilespmem:s23+$0x580];
	(xrf2) =	vadd.scan.msk.f32 $0xffff, v25  }
0xb1: {  	v24 =	vld [tilespmem:s23+$0x590];
	v25 =	vsub.f32 $1.500000000e+00, v26;
	_ =	sdelay $0x1  }
0xb2: {  	v26 =	vld [tilespmem:s23+$0x5A0];
	v42 =	vmul.f32 v28, v25;
	_ =	sdelay $0x1  }
0xb3: {  	v53 =	vbroadcast v34, $0xF;
	v25 =	vld [tilespmem:s23+$0x5B0];
	v28 =	vmul.f32 v42, v36  }
0xb4: {  	v43 =	vmul.f32 v27, v27;
	v62 =	vadd.f32 v24, v27  }
0xb5: {  	v55 =	vsub.f32 v29, v53;
	v49, _, _ =	vpop (xrf2);
	v51 =	vmul.f32 v24, v24;
	v50 =	vmul.f32 v28, v42;
	v28 =	vld [tilespmem:s23+$0x5C0]  }
0xb6: {  	v32 =	vsub.f32 v32, v53;
	v49 =	vmul.f32 $7.812500000e-03, v49;
	v36 =	vadd.f32 v26, v62  }
0xb7: {  	v34 =	vld [tilespmem:s23+$0x5D0];
	v33 =	vsub.f32 v33, v53;
	v52 =	vmul.f32 v26, v26;
	v43 =	vadd.f32 v51, v43  }
0xb8: {  	v31 =	vsub.f32 v31, v53;
	v54 =	vmul.f32 v49, v49;
	v36 =	vadd.f32 v25, v36;
	v63, _, _ =	vpop (xrf2)  }
0xb9: {  	v29 =	vld [tilespmem:s23+$0x5E0];
	v43 =	vadd.f32 v52, v43;
	v56 =	vmul.f32 v25, v25;
	v51 =	vmul.f32 $7.812500000e-03, v63  }
0xba: {  	v50 =	vsub.f32 $1.500000000e+00, v50;
	v57 =	vadd.f32 v28, v36  }
0xbb: {  	v43 =	vadd.f32 v56, v43;
	v51 =	vsub.f32 v51, v54;
	v58 =	vmul.f32 v28, v28;
	v36 =	vld [tilespmem:s23+$0x5F0]  }
0xbc: {  	v35 =	vsub.f32 v35, v53;
	v42 =	vmul.f32 v50, v42;
	v50 =	vadd.f32 v34, v57  }
0xbd: {  	v60 =	vmul.f32 v34, v34;
	v51 =	vadd.f32 $9.999999740e-06, v51;
	v43 =	vadd.f32 v58, v43  }
0xbe: {  	v38 =	vsub.f32 v38, v53;
	v50 =	vadd.f32 v29, v50  }
0xbf: {  	v61 =	vmul.f32 v29, v29;
	v51 =	vbroadcast v51, $0xF;
	v43 =	vadd.f32 v60, v43  }
0xc0: {  	v56 =	vsub.f32 v30, v53;
	v63 =	vmul.f32 v36, v36;
	v50 =	vadd.f32 v36, v50  }
0xc1: {  	v62 =	vshra.s32 v51, $0x1;
	v51 =	vmul.f32 $5.000000000e-01, v51;
	v43 =	vadd.f32 v61, v43  }
0xc2: {  	v59 =	vmul.f32 v42, v55;
	v32 =	vmul.f32 v42, v32;
	v55 =	vsub.s32 $0x5F3759DF, v62  }
0xc3: {  	v33 =	vmul.f32 v42, v33;
	(xrf2) =	vadd.scan.msk.f32 $0xffff, v50;
	v30 =	vmul.f32 v55, v51;
	v43 =	vadd.f32 v63, v43  }
0xc4: {  	s4 =	simm.s32 $0x180;
	v37 =	vsub.f32 v37, v53;
	v38 =	vmul.f32 v42, v38;
	v54 =	vmul.f32 v59, v15  }
0xc5: {  	v59 =	vmul.f32 v42, v31;
	v31 =	vld [tilespmem:s4+$0x590];
	v57 =	vmul.f32 v55, v30;
	(xrf2) =	vadd.scan.msk.f32 $0xffff, v43  }
0xc6: {  	v35 =	vmul.f32 v42, v35;
	v37 =	vmul.f32 v42, v37;
	v30 =	vld [tilespmem:s4+$0x580]  }
0xc7: {  	v58 =	vmul.f32 v42, v56;
	v42 =	vmul.f32 v38, v14;
	v50 =	vsub.f32 $1.500000000e+00, v57  }
0xc8: {  	v60 =	vmul.f32 v32, v8;
	v32 =	vld [tilespmem:s4+$0x5A0];
	v52 =	vmul.f32 v59, v11  }
0xc9: {  	v54 =	vadd.f32 v54, v23;
	v61 =	vmul.f32 v33, v9;
	v50 =	vmul.f32 v55, v50  }
0xca: {  	v53 =	vadd.f32 v60, v16;
	v33 =	vld [tilespmem:s4+$0x5B0];
	v43 =	vmul.f32 v58, v10;
	v58 =	vmul.f32 v35, v12  }
0xcb: {  	v57 =	vmul.f32 v31, v31;
	v35 =	vadd.f32 v31, v30;
	v51 =	vmul.f32 v50, v51  }
0xcc: {  	v55 =	vadd.f32 v61, v17;
	v61 =	vmul.f32 v37, v13;
	v37 =	vmul.f32 v30, v30  }
0xcd: {  	v56 =	vadd.f32 v43, v18;
	v59 =	vadd.f32 v32, v35;
	v62, _, _ =	vpop (xrf2);
	v51 =	vmul.f32 v51, v50  }
0xce: {  	v35 =	vld [tilespmem:s4+$0x5C0];
	v37 =	vadd.f32 v57, v37;
	v43 =	vmul.f32 $7.812500000e-03, v62;
	v62 =	vbroadcast v49, $0xF  }
0xcf: {  	v60 =	vmul.f32 v32, v32;
	v49 =	vsub.f32 $1.500000000e+00, v51;
	v51 =	vadd.f32 v33, v59;
	v63, _, _ =	vpop (xrf2)  }
0xd0: {  	v38 =	vld [tilespmem:s4+$0x5D0];
	v59 =	vmul.f32 $7.812500000e-03, v63;
	v48 =	vsub.f32 v48, v62;
	v63 =	vsub.f32 v39, v62  }
0xd1: {  	v57 =	vmul.f32 v43, v43;
	v47 =	vsub.f32 v47, v62;
	v46 =	vsub.f32 v46, v62  }
0xd2: {  	v50 =	vmul.f32 v49, v50;
	v49 =	vadd.f32 v60, v37;
	v60 =	vmul.f32 v33, v33;
	v37 =	vld [tilespmem:s4+$0x5E0]  }
0xd3: {  	v51 =	vadd.f32 v35, v51;
	v57 =	vsub.f32 v59, v57  }
0xd4: {  	v39 =	vld [tilespmem:s4+$0x5F0];
	v44 =	vsub.f32 v44, v62;
	v49 =	vadd.f32 v60, v49;
	v60 =	vmul.f32 v35, v35  }
0xd5: {  	v51 =	vadd.f32 v38, v51;
	v57 =	vadd.f32 $9.999999740e-06, v57  }
0xd6: {  	v48 =	vmul.f32 v50, v48;
	v49 =	vadd.f32 v60, v49;
	v60 =	vmul.f32 v38, v38  }
0xd7: {  	v40 =	vsub.f32 v40, v62;
	v51 =	vadd.f32 v37, v51;
	v57 =	vbroadcast v57, $0xF  }
0xd8: {  	[tilespmem:s18+$0x5F0] =	vst v54;
	v48 =	vmul.f32 v48, v15;
	v54 =	vadd.f32 v60, v49;
	v60 =	vmul.f32 v37, v37  }
0xd9: {  	[tilespmem:s18+$0x580] =	vst v53;
	v51 =	vadd.f32 v39, v51;
	v53 =	vshra.s32 v57, $0x1;
	v49 =	vmul.f32 $5.000000000e-01, v57  }
0xda: {  	[tilespmem:s18+$0x5A0] =	vst v56;
	v54 =	vadd.f32 v60, v54;
	v60 =	vmul.f32 v39, v39;
	v53 =	vsub.s32 $0x5F3759DF, v53  }
0xdb: {  	v45 =	vsub.f32 v45, v62;
	v48 =	vadd.f32 v48, v23;
	v56 =	vmul.f32 v53, v49;
	(xrf2) =	vadd.scan.msk.f32 $0xffff, v51  }
0xdc: {  	[tilespmem:s18+$0x590] =	vst v55;
	v59 =	vsub.f32 v41, v62;
	v55 =	vmul.f32 v50, v47;
	v60 =	vadd.f32 v60, v54  }
0xdd: {  	s1 =	simm.s32 $0x200;
	v47 =	vadd.f32 v52, v19;
	[tilespmem:s28+$0x5F0] =	vst v48;
	v48 =	vmul.f32 v50, v63;
	v63 =	vmul.f32 v53, v56  }
0xde: {  	v41 =	vld [tilespmem:s1+$0x580];
	v52 =	vmul.f32 v50, v59;
	v56 =	vmul.f32 v50, v44;
	v44 =	vadd.f32 v58, v20;
	(xrf2) =	vadd.scan.msk.f32 $0xffff, v60  }
0xdf: {  	[tilespmem:s18+$0x5B0] =	vst v47;
	v57 =	vmul.f32 v50, v46;
	v58 =	vmul.f32 v50, v40;
	v40 =	vld [tilespmem:s1+$0x590];
	v60 =	vsub.f32 $1.500000000e+00, v63  }
0xe0: {  	s12 =	simm.s32 $0xA00;
	v51 =	vadd.f32 v61, v21;
	v59 =	vmul.f32 v48, v8;
	v54 =	vmul.f32 v50, v45;
	[tilespmem:s18+$0x5C0] =	vst v44  }
.LBB2_3:
0xe1: {  	p1 =	sne.s32 s12, $0xFE00;
	v44 =	vld [tilespmem:s1+$0x5A0];
	v45 =	vmul.f32 v53, v60;
	v46 =	vmul.f32 v55, v9;
	v42 =	vadd.f32 v42, v22;
	v47 =	vmovc v38  }
0xe2: {  	v48 =	vmul.f32 v57, v10;
	v50 =	vmul.f32 v56, v11;
	v38 =	vadd.f32 v59, v16;
	[tilespmem:s18+$0x5D0] =	vst v51  }
0xe3: {  	v58 =	vmul.f32 v58, v12;
	v51 =	vld [tilespmem:s1+$0x5B0];
	v49 =	vmul.f32 v45, v49;
	v46 =	vadd.f32 v46, v17;
	[tilespmem:s18+$0x5E0] =	vst v42;
	s18 =	smov.u32 s28;
	s28 =	smov.u32 s23;
	s23 =	smov.u32 s4  }
0xe4: {  	v61 =	vmul.f32 v52, v13;
	v42 =	vmul.f32 v54, v14;
	s4 =	smov.u32 s1;
	v53 =	vadd.f32 v40, v41;
	[tilespmem:s18+$0x580] =	vst v38  }
0xe5: {  	v38 =	vmul.f32 v41, v41;
	v52, _, _ =	vpop (xrf2);
	v49 =	vmul.f32 v49, v45;
	[tilespmem:s18+$0x590] =	vst v46;
	v46 =	vadd.f32 v48, v18  }
0xe6: {  	v55 =	vmovc v29;
	v29 =	vmovc v37;
	v48 =	vmul.f32 v40, v40;
	v1 =	vadd.f32 v44, v53;
	v54 =	vld [tilespmem:s4+$0x5C0];
	v52 =	vmul.f32 $7.812500000e-03, v52  }
0xe7: {  	v56 =	vbroadcast v43, $0xF;
	v37 =	vmul.f32 v44, v44;
	v2 =	vsub.f32 $1.500000000e+00, v49;
	[tilespmem:s18+$0x5A0] =	vst v46  }
0xe8: {  	v46 =	vadd.f32 v48, v38;
	v48 =	vadd.f32 v51, v1;
	v38 =	vld [tilespmem:s4+$0x5D0];
	v49 =	vmul.f32 v52, v52;
	v53, _, _ =	vpop (xrf2)  }
0xe9: {  	v57 =	vsub.f32 v36, v56;
	v36 =	vmovc v39;
	v43 =	vmovc v52;
	v53 =	vmul.f32 $7.812500000e-03, v53;
	v45 =	vmul.f32 v2, v45  }
0xea: {  	v52 =	vsub.f32 v27, v56;
	v27 =	vmovc v30;
	v39 =	vadd.f32 v37, v46;
	v46 =	vmul.f32 v51, v51;
	v37 =	vld [tilespmem:s4+$0x5E0]  }
0xeb: {  	v30 =	vmovc v41;
	v48 =	vadd.f32 v54, v48;
	v49 =	vsub.f32 v53, v49;
	v53 =	vmul.f32 v45, v57  }
0xec: {  	v41 =	vadd.f32 v46, v39;
	v46 =	vmul.f32 v54, v54;
	v57 =	vsub.f32 v24, v56;
	v24 =	vmovc v31;
	v39 =	vld [tilespmem:s4+$0x5F0]  }
0xed: {  	v31 =	vmovc v40;
	v48 =	vadd.f32 v38, v48;
	v49 =	vadd.f32 $9.999999740e-06, v49;
	v53 =	vmul.f32 v53, v15  }
0xee: {  	v40 =	vadd.f32 v46, v41;
	v41 =	vmul.f32 v38, v38;
	v46 =	vsub.f32 v26, v56;
	v26 =	vmovc v32  }
0xef: {  	v32 =	vmovc v44;
	v48 =	vadd.f32 v37, v48;
	v49 =	vbroadcast v49, $0xF;
	v53 =	vadd.f32 v53, v23  }
0xf0: {  	v44 =	vsub.f32 v25, v56;
	v25 =	vmovc v33;
	v40 =	vadd.f32 v41, v40;
	v41 =	vmul.f32 v37, v37  }
0xf1: {  	v33 =	vmovc v51;
	v48 =	vadd.f32 v39, v48;
	v59 =	vshra.s32 v49, $0x1;
	v49 =	vmul.f32 $5.000000000e-01, v49;
	[tilespmem:s28+$0x5F0] =	vst v53  }
0xf2: {  	v40 =	vadd.f32 v41, v40;
	v41 =	vmul.f32 v39, v39;
	v53 =	vsub.s32 $0x5F3759DF, v59  }
0xf3: {  	v34 =	vsub.f32 v34, v56;
	v51 =	vsub.f32 v28, v56;
	(xrf2) =	vadd.scan.msk.f32 $0xffff, v48;
	v48 =	vmul.f32 v53, v49  }
.Ltmp0:
0xf4: {  	v62 =	vsub.f32 v55, v56;
	v28 =	vmovc v35;
	v59 =	vmul.f32 v45, v52;
	v40 =	vadd.f32 v41, v40;
	(pc) =	sbr.rel @p1 .LBB2_3-.Ltmp0, $4  }
0xf5: {  	s1 =	sshra.s32 s12, $0x2;
	v50 =	vadd.f32 v50, v19;
	v55 =	vmul.f32 v45, v57;
	v35 =	vmovc v54;
	v48 =	vmul.f32 v53, v48  }
0xf6: {  	v57 =	vmul.f32 v45, v46;
	v56 =	vmul.f32 v45, v44;
	v44 =	vadd.f32 v58, v20;
	v41 =	vld [tilespmem:s1+$0x580];
	(xrf2) =	vadd.scan.msk.f32 $0xffff, v40  }
0xf7: {  	v58 =	vmul.f32 v45, v51;
	v52 =	vmul.f32 v45, v34;
	v34 =	vmovc v47;
	v40 =	vld [tilespmem:s1+$0x590];
	v60 =	vsub.f32 $1.500000000e+00, v48;
	[tilespmem:s18+$0x5B0] =	vst v50  }
0xf8: {  	s12 =	sadd.s32 $0x200, s12;
	v54 =	vmul.f32 v45, v62;
	v51 =	vadd.f32 v61, v21;
	v59 =	vmul.f32 v59, v8;
	[tilespmem:s18+$0x5C0] =	vst v44  }
0xf9: {  	v45 =	vld [tilespmem:s1+$0x5A0];
	_ =	sdelay $0x1  }
0xfa: {  	v44 =	vld [tilespmem:s1+$0x5B0]  }
0xfb: {  	v48 =	vmul.f32 v41, v41;
	v47 =	vadd.f32 v40, v41;
	v50 =	vmul.f32 v40, v40  }
0xfc: {  	v46 =	vld [tilespmem:s1+$0x5C0]  }
0xfd: {  	v61 =	vadd.f32 v45, v47;
	v62 =	vmul.f32 v45, v45;
	v48 =	vadd.f32 v50, v48  }
0xfe: {  	v47 =	vld [tilespmem:s1+$0x5D0]  }
0xff: {  	v50 =	vadd.f32 v44, v61;
	v61 =	vadd.f32 v62, v48;
	v62 =	vmul.f32 v44, v44  }
0x100: {  	v48 =	vld [tilespmem:s1+$0x5E0]  }
0x101: {  	v1, _, _ =	vpop (xrf2);
	v63 =	vadd.f32 v46, v50;
	v61 =	vadd.f32 v62, v61;
	v62 =	vmul.f32 v46, v46  }
0x102: {  	v1 =	vmul.f32 $7.812500000e-03, v1;
	v50 =	vld [tilespmem:s1+$0x5F0]  }
0x103: {  	v2, _, _ =	vpop (xrf2);
	v63 =	vadd.f32 v47, v63;
	v61 =	vadd.f32 v62, v61;
	v62 =	vmul.f32 v47, v47  }
0x104: {  	v3 =	vmul.f32 v1, v1;
	v2 =	vmul.f32 $7.812500000e-03, v2  }
0x105: {  	v63 =	vadd.f32 v48, v63;
	v61 =	vadd.f32 v62, v61;
	v62 =	vmul.f32 v48, v48  }
0x106: {  	v2 =	vsub.f32 v2, v3  }
0x107: {  	v63 =	vadd.f32 v50, v63;
	v61 =	vadd.f32 v62, v61;
	v62 =	vmul.f32 v50, v50  }
0x108: {  	v43 =	vbroadcast v43, $0xF  }
0x109: {  	v55 =	vmul.f32 v55, v9;
	v2 =	vadd.f32 $9.999999740e-06, v2;
	(xrf2) =	vadd.scan.msk.f32 $0xffff, v63;
	v3 =	vadd.f32 v62, v61  }
0x10a: {  	v42 =	vadd.f32 v42, v22;
	v57 =	vmul.f32 v57, v10;
	v56 =	vmul.f32 v56, v11  }
0x10b: {  	v59 =	vadd.f32 v59, v16;
	v2 =	vbroadcast v2, $0xF;
	(xrf2) =	vadd.scan.msk.f32 $0xffff, v3;
	v3 =	vmul.f32 v53, v60  }
0x10c: {  	v58 =	vmul.f32 v58, v12;
	v36 =	vsub.f32 v36, v43;
	v55 =	vadd.f32 v55, v17  }
0x10d: {  	v62 =	vshra.s32 v2, $0x1;
	v2 =	vmul.f32 $5.000000000e-01, v2;
	v49 =	vmul.f32 v3, v49  }
0x10e: {  	v57 =	vadd.f32 v57, v18;
	v27 =	vsub.f32 v27, v43;
	v53 =	vsub.s32 $0x5F3759DF, v62  }
0x10f: {  	v24 =	vsub.f32 v24, v43;
	v60 =	vmul.f32 v53, v2;
	v49 =	vmul.f32 v49, v3  }
0x110: {  	v52 =	vmul.f32 v52, v13;
	v26 =	vsub.f32 v26, v43;
	v25 =	vsub.f32 v25, v43  }
0x111: {  	v28 =	vsub.f32 v28, v43;
	v60 =	vmul.f32 v53, v60;
	v49 =	vsub.f32 $1.500000000e+00, v49  }
0x112: {  	v54 =	vmul.f32 v54, v14;
	v34 =	vsub.f32 v34, v43;
	v29 =	vsub.f32 v29, v43  }
0x113: {  	v1 =	vbroadcast v1, $0xF;
	v60 =	vsub.f32 $1.500000000e+00, v60;
	v61, _, _ =	vpop (xrf2);
	v3 =	vmul.f32 v49, v3  }
0x114: {  	v58 =	vadd.f32 v58, v20;
	v52 =	vadd.f32 v52, v21;
	v61 =	vmul.f32 $7.812500000e-03, v61  }
0x115: {  	v39 =	vsub.f32 v39, v1;
	v49 =	vmul.f32 v53, v60;
	v62, _, _ =	vpop (xrf2);
	v36 =	vmul.f32 v3, v36  }
0x116: {  	v30 =	vsub.f32 v30, v1;
	v63 =	vmul.f32 v61, v61;
	v62 =	vmul.f32 $7.812500000e-03, v62  }
0x117: {  	v31 =	vsub.f32 v31, v1;
	v27 =	vmul.f32 v3, v27;
	v24 =	vmul.f32 v3, v24  }
0x118: {  	v26 =	vmul.f32 v3, v26;
	v2 =	vmul.f32 v49, v2;
	v63 =	vsub.f32 v62, v63  }
0x119: {  	v32 =	vsub.f32 v32, v1;
	v25 =	vmul.f32 v3, v25;
	v28 =	vmul.f32 v3, v28  }
0x11a: {  	v34 =	vmul.f32 v3, v34;
	v3 =	vmul.f32 v3, v29;
	v53 =	vadd.f32 $9.999999740e-06, v63  }
0x11b: {  	v33 =	vsub.f32 v33, v1;
	v36 =	vmul.f32 v36, v15;
	v2 =	vmul.f32 v2, v49  }
0x11c: {  	v35 =	vsub.f32 v35, v1;
	v27 =	vmul.f32 v27, v8;
	v60 =	vbroadcast v53, $0xF  }
0x11d: {  	v38 =	vsub.f32 v38, v1;
	v24 =	vmul.f32 v24, v9;
	v26 =	vmul.f32 v26, v10  }
0x11e: {  	[tilespmem:s18+$0x5D0] =	vst v51;
	v25 =	vmul.f32 v25, v11;
	v63 =	vshra.s32 v60, $0x1;
	v43 =	vmul.f32 $5.000000000e-01, v60  }
0x11f: {  	[tilespmem:s18+$0x5E0] =	vst v42;
	v28 =	vmul.f32 v28, v12;
	v2 =	vsub.f32 $1.500000000e+00, v2;
	v29 =	vsub.s32 $0x5F3759DF, v63  }
0x120: {  	[tilespmem:s28+$0x580] =	vst v59;
	v34 =	vmul.f32 v34, v13;
	v62 =	vadd.f32 v56, v19;
	v56 =	vmul.f32 v29, v43  }
0x121: {  	[tilespmem:s28+$0x590] =	vst v55;
	v1 =	vsub.f32 v37, v1;
	v3 =	vmul.f32 v3, v14;
	v2 =	vmul.f32 v2, v49  }
0x122: {  	[tilespmem:s28+$0x5A0] =	vst v57;
	v36 =	vadd.f32 v36, v23;
	v27 =	vadd.f32 v27, v16;
	v56 =	vmul.f32 v29, v56  }
0x123: {  	[tilespmem:s28+$0x5C0] =	vst v58;
	v24 =	vadd.f32 v24, v17;
	v26 =	vadd.f32 v26, v18;
	v39 =	vmul.f32 v2, v39  }
0x124: {  	[tilespmem:s28+$0x5D0] =	vst v52;
	v30 =	vmul.f32 v2, v30;
	v31 =	vmul.f32 v2, v31;
	v49 =	vsub.f32 $1.500000000e+00, v56  }
0x125: {  	v28 =	vadd.f32 v28, v20;
	[tilespmem:s23+$0x580] =	vst v27;
	v32 =	vmul.f32 v2, v32;
	v27 =	vmul.f32 v2, v33  }
0x126: {  	[tilespmem:s23+$0x590] =	vst v24;
	v24 =	vadd.f32 v25, v19;
	v25 =	vmul.f32 v2, v35;
	v29 =	vmul.f32 v29, v49  }
0x127: {  	v3 =	vadd.f32 v3, v22;
	[tilespmem:s28+$0x5B0] =	vst v62;
	v51 =	vmul.f32 v2, v38;
	v1 =	vmul.f32 v2, v1  }
0x128: {  	[tilespmem:s23+$0x5B0] =	vst v24;
	v24 =	vadd.f32 v34, v21;
	v39 =	vmul.f32 v39, v15;
	v63 =	vmul.f32 v29, v43  }
0x129: {  	[tilespmem:s23+$0x5A0] =	vst v26;
	v60 =	vadd.f32 v54, v22;
	v26 =	vmul.f32 v30, v8;
	v2 =	vmul.f32 v31, v9  }
0x12a: {  	[tilespmem:s23+$0x5F0] =	vst v36;
	v31 =	vmul.f32 v32, v10;
	v62 =	vadd.f32 v39, v23;
	v39 =	vmul.f32 v63, v29  }
0x12b: {  	[tilespmem:s23+$0x5C0] =	vst v28;
	v27 =	vmul.f32 v27, v11;
	v25 =	vmul.f32 v25, v12;
	v26 =	vadd.f32 v26, v16  }
0x12c: {  	[tilespmem:s23+$0x5E0] =	vst v3;
	v2 =	vadd.f32 v2, v17;
	v43 =	vbroadcast v61, $0xF;
	v49 =	vsub.f32 $1.500000000e+00, v39  }
0x12d: {  	[tilespmem:s23+$0x5D0] =	vst v24;
	v1 =	vmul.f32 v1, v14;
	v24 =	vadd.f32 v31, v18;
	v27 =	vadd.f32 v27, v19  }
0x12e: {  	[tilespmem:s28+$0x5E0] =	vst v60;
	v25 =	vadd.f32 v25, v20;
	v30 =	vsub.f32 v50, v43;
	v29 =	vmul.f32 v49, v29  }
0x12f: {  	v1 =	vadd.f32 v1, v22;
	[tilespmem:s4+$0x580] =	vst v26;
	v3 =	vsub.f32 v41, v43  }
0x130: {  	v26 =	vmul.f32 v51, v13;
	[tilespmem:s4+$0x590] =	vst v2;
	v2 =	vsub.f32 v44, v43;
	v30 =	vmul.f32 v29, v30  }
0x131: {  	[tilespmem:s4+$0x5F0] =	vst v62;
	v31 =	vsub.f32 v45, v43;
	v52 =	vsub.f32 v46, v43;
	v3 =	vmul.f32 v29, v3  }
0x132: {  	[tilespmem:s4+$0x5A0] =	vst v24;
	v24 =	vsub.f32 v47, v43;
	v2 =	vmul.f32 v29, v2;
	v28 =	vmul.f32 v30, v15  }
0x133: {  	[tilespmem:s4+$0x5B0] =	vst v27;
	v31 =	vmul.f32 v29, v31;
	v27 =	vmul.f32 v29, v52;
	v30 =	vsub.f32 v40, v43  }
0x134: {  	[tilespmem:s4+$0x5C0] =	vst v25;
	v24 =	vmul.f32 v29, v24;
	v2 =	vmul.f32 v2, v11;
	v28 =	vadd.f32 v28, v23  }
0x135: {  	[tilespmem:s4+$0x5E0] =	vst v1;
	v26 =	vadd.f32 v26, v21;
	v3 =	vmul.f32 v3, v8;
	v30 =	vmul.f32 v29, v30  }
0x136: {  	v24 =	vmul.f32 v24, v13;
	v2 =	vadd.f32 v2, v19;
	[tilespmem:s1+$0x5F0] =	vst v28;
	v28 =	vsub.f32 v48, v43  }
0x137: {  	[tilespmem:s4+$0x5D0] =	vst v26;
	v3 =	vadd.f32 v3, v16;
	v25 =	vmul.f32 v30, v9;
	v30 =	vmul.f32 v31, v10  }
0x138: {  	[tilespmem:s1+$0x5B0] =	vst v2;
	v2 =	vadd.f32 v24, v21;
	v1 =	vmul.f32 v29, v28  }
0x139: {  	v26 =	vmul.f32 v27, v12;
	[tilespmem:s1+$0x580] =	vst v3;
	v3 =	vadd.f32 v30, v18  }
0x13a: {  	v25 =	vadd.f32 v25, v17;
	[tilespmem:s1+$0x5D0] =	vst v2;
	v1 =	vmul.f32 v1, v14  }
0x13b: {  	[tilespmem:s1+$0x5A0] =	vst v3;
	v3 =	vadd.f32 v26, v20  }
0x13c: {  	s15 =	smul.u32 $0x1800, s10;
	[tilespmem:s1+$0x590] =	vst v25;
	v1 =	vadd.f32 v1, v22  }
0x13d: {  	s23 =	smin.u32 s8, $0x7C;
	[tilespmem:s1+$0x5C0] =	vst v3  }
0x13e: {  	s18 =	sadd.s32 s15, s16;
	s4 =	simm.s32 $0x0;
	[tilespmem:s1+$0x5E0] =	vst v1;
	s1 =	sshll.u32 s23, $0x7  }
0x13f: {  	[hbm4b:s18+s4] =	stream.linear.scatter [tilespmem:s31], [sflag:$0xD], $0x4000, $0x38;
	[tilespmem:$0xF580] =	vst v63  }
0x140: {  	s28 =	sadd.s32 $0x180, s1;
	s12 =	rddreg [dreg:$0x7]  }
0x141: {  	s1 =	sadd.s32 s12, s28  }
0x142: {  	s1 =	sshrl.u32 s1, $0x3  }
0x143: {  	s18 =	simm.s32 $0x100;
	s12 =	sadd.s32 s6, s1  }
0x144: {  	[tilespmem:s18], [sflag:$0x1] =	stream.linear.gather [hbm4b:s12+s4], $0x80, $0x38;
	[tilespmem:$0xF580] =	vst v63  }
0x145: {  	s15 =	simm.s32 $0x280;
	s23 =	simm.s32 $0xD;
	s1 =	sadd.s32 s7, s1  }
0x146: {  	[tilespmem:s15], [sflag:$0x4] =	stream.linear.gather [hbm4b:s1+s4], $0x80, $0x38;
	[tilespmem:$0xF580] =	vst v63  }
0x147: {  	_ =	swait.ge [sflag:s23], $0x4000  }
0x148: {  	[sflag:s23] =	ssyncset.done $0x0  }
0x149: {  	[sflag:s23] =	ssyncadd.s32 $0xFFFFC000  }
0x14a: {  	_ =	swait.ge [sflag:s30], $0x80  }
0x14b: {  	[sflag:s30] =	ssyncset.done $0x0  }
0x14c: {  	[sflag:s30] =	ssyncadd.s32 $0xFFFFFF80  }
0x14d: {  	[tilespmem:s31], [sflag:$0x7] =	stream.indirect.gather [hbm4b:s25+s22], $0x80, s18, s22, $0xb8;
	[tilespmem:$0xF580] =	vst v63  }
0x14e: {  	_ =	swait.ge [sflag:s21], $0x80  }
0x14f: {  	[sflag:s21] =	ssyncset.done $0x0  }
0x150: {  	[sflag:s21] =	ssyncadd.s32 $0xFFFFFF80  }
0x151: {  	v1 =	vld [tilespmem:$0x380]  }
0x152: {  	v2 =	vld [tilespmem:$0x390]  }
0x153: {  	s4 =	smin.u32 s8, $0x7D;
	v3 =	vld [tilespmem:$0x3A0]  }
0x154: {  	s18 =	sadd.s32 $0x2, s4;
	v24 =	vld [tilespmem:$0x3B0]  }
0x155: {  	s1 =	sshll.u32 s18, $0x7;
	v25 =	vld [tilespmem:$0x3C0]  }
0x156: {  	s1 =	sand.u32 $0x180, s1;
	v26 =	vld [tilespmem:$0x3D0];
	v1 =	vshll.u32 v1, $0x9  }
0x157: {  	s12 =	sor.u32 $0x10, s1;
	v27 =	vld [tilespmem:$0x3E0];
	v2 =	vshll.u32 v2, $0x9;
	v1 =	vor.u32 s1, v1  }
0x158: {  	s23 =	sor.u32 $0x20, s1;
	v28 =	vld [tilespmem:$0x3F0];
	v3 =	vshll.u32 v3, $0x9;
	v2 =	vor.u32 s12, v2;
	v1 =	vor.u32 v0, v1  }
0x159: {  	s15 =	smov.u32 s25;
	s25 =	sor.u32 $0x30, s1;
	[tilespmem:$0x500] =	vst v1;
	v1 =	vor.u32 v0, v2;
	v2 =	vor.u32 s23, v3;
	v3 =	vshll.u32 v24, $0x9  }
0x15a: {  	s12 =	sor.u32 $0x40, s1;
	[tilespmem:$0x510] =	vst v1;
	v1 =	vor.u32 v0, v2;
	v2 =	vor.u32 s25, v3;
	v3 =	vshll.u32 v25, $0x9  }
0x15b: {  	s23 =	sor.u32 $0x50, s1;
	[tilespmem:$0x520] =	vst v1;
	v1 =	vor.u32 v0, v2;
	v2 =	vor.u32 s12, v3;
	v3 =	vshll.u32 v26, $0x9  }
0x15c: {  	s25 =	sor.u32 $0x60, s1;
	[tilespmem:$0x530] =	vst v1;
	v1 =	vor.u32 v0, v2;
	v2 =	vor.u32 s23, v3;
	v3 =	vshll.u32 v27, $0x9  }
0x15d: {  	s1 =	sor.u32 $0x70, s1;
	[tilespmem:$0x540] =	vst v1;
	v1 =	vor.u32 v0, v2;
	v2 =	vor.u32 s25, v3;
	v3 =	vshll.u32 v28, $0x9  }
0x15e: {  	[tilespmem:$0x550] =	vst v1;
	v1 =	vor.u32 v0, v2;
	v2 =	vor.u32 s1, v3  }
0x15f: {  	[tilespmem:$0x560] =	vst v1;
	v1 =	vor.u32 v0, v2  }
0x160: {  	s12 =	simm.s32 $0x9;
	[tilespmem:$0x570] =	vst v1  }
0x161: {  	_ =	swait.ge [sflag:s12], $0x4000  }
0x162: {  	[sflag:s12] =	ssyncset.done $0x0  }
0x163: {  	s23 =	simm.s32 $0x500;
	s25 =	simm.s32 $0xB;
	[sflag:s12] =	ssyncadd.s32 $0xFFFFC000  }
0x164: {  	[tilespmem:s20], [sflag:$0xC] =	stream.indirect.gather.add.f32 [spmem:s24], $0x80, s23, s22, $0xb8;
	[tilespmem:$0xF580] =	vst v63  }
0x165: {  	_ =	swait.ge [sflag:s25], $0x4000  }
0x166: {  	[sflag:s25] =	ssyncset.done $0x0  }
0x167: {  	s23 =	simm.s32 $0x0;
	[sflag:s25] =	ssyncadd.s32 $0xFFFFC000  }
0x168: {  	v1 =	vld [tilespmem:s23+$0x4580]  }
0x169: {  	v2 =	vld [tilespmem:s23+$0x4590];
	_ =	sdelay $0x1  }
0x16a: {  	v30 =	vld [tilespmem:s23+$0x45A0];
	_ =	sdelay $0x1  }
0x16b: {  	v31 =	vld [tilespmem:s23+$0x45B0]  }
0x16c: {  	v3 =	vadd.f32 v2, v1;
	v24 =	vmul.f32 v1, v1;
	v25 =	vmul.f32 v2, v2  }
0x16d: {  	v32 =	vld [tilespmem:s23+$0x45C0]  }
0x16e: {  	v26 =	vmul.f32 v30, v30;
	v3 =	vadd.f32 v30, v3;
	v24 =	vadd.f32 v25, v24  }
0x16f: {  	v33 =	vld [tilespmem:s23+$0x45D0]  }
0x170: {  	v25 =	vmul.f32 v31, v31;
	v3 =	vadd.f32 v31, v3;
	v24 =	vadd.f32 v26, v24  }
0x171: {  	v35 =	vld [tilespmem:s23+$0x45E0]  }
0x172: {  	v3 =	vadd.f32 v32, v3;
	v24 =	vadd.f32 v25, v24;
	v25 =	vmul.f32 v32, v32  }
0x173: {  	v29 =	vld [tilespmem:s23+$0x45F0]  }
0x174: {  	v3 =	vadd.f32 v33, v3;
	v24 =	vadd.f32 v25, v24;
	v25 =	vmul.f32 v33, v33;
	_ =	sdelay $0x1  }
0x175: {  	v3 =	vadd.f32 v35, v3;
	v24 =	vadd.f32 v25, v24;
	v25 =	vmul.f32 v35, v35;
	_ =	sdelay $0x1  }
0x176: {  	v3 =	vadd.f32 v29, v3;
	v24 =	vadd.f32 v25, v24;
	v25 =	vmul.f32 v29, v29;
	_ =	sdelay $0x1  }
0x177: {  	(xrf2) =	vadd.scan.msk.f32 $0xffff, v3;
	v3 =	vadd.f32 v25, v24;
	_ =	sdelay $0x1  }
0x178: {  	s25 =	simm.s32 $0x80;
	(xrf2) =	vadd.scan.msk.f32 $0xffff, v3  }
0x179: {  	v47 =	vld [tilespmem:s25+$0x4590]  }
0x17a: {  	v39 =	vld [tilespmem:s25+$0x4580];
	_ =	sdelay $0x1  }
0x17b: {  	v46 =	vld [tilespmem:s25+$0x45A0];
	_ =	sdelay $0x1  }
0x17c: {  	v44 =	vld [tilespmem:s25+$0x45B0];
	v26 =	vmul.f32 v47, v47  }
0x17d: {  	v3 =	vadd.f32 v47, v39  }
0x17e: {  	v40 =	vld [tilespmem:s25+$0x45C0];
	v24 =	vmul.f32 v39, v39;
	v25, _, _ =	vpop (xrf2)  }
0x17f: {  	v3 =	vadd.f32 v46, v3;
	v53 =	vmul.f32 $7.812500000e-03, v25  }
0x180: {  	v41 =	vld [tilespmem:s25+$0x45D0];
	v24 =	vadd.f32 v26, v24;
	v25 =	vmul.f32 v46, v46;
	v26, _, _ =	vpop (xrf2)  }
0x181: {  	v3 =	vadd.f32 v44, v3;
	v27 =	vmul.f32 v53, v53;
	v26 =	vmul.f32 $7.812500000e-03, v26  }
0x182: {  	v45 =	vld [tilespmem:s25+$0x45E0];
	v24 =	vadd.f32 v25, v24;
	v25 =	vmul.f32 v44, v44  }
0x183: {  	v3 =	vadd.f32 v40, v3;
	v26 =	vsub.f32 v26, v27  }
0x184: {  	v37 =	vld [tilespmem:s25+$0x45F0];
	v24 =	vadd.f32 v25, v24;
	v25 =	vmul.f32 v40, v40  }
0x185: {  	v3 =	vadd.f32 v41, v3;
	v26 =	vadd.f32 $9.999999740e-06, v26  }
0x186: {  	v24 =	vadd.f32 v25, v24;
	v25 =	vmul.f32 v41, v41  }
0x187: {  	v3 =	vadd.f32 v45, v3;
	v26 =	vbroadcast v26, $0xF  }
0x188: {  	v24 =	vadd.f32 v25, v24;
	v25 =	vmul.f32 v45, v45  }
0x189: {  	v3 =	vadd.f32 v37, v3;
	v27 =	vshra.s32 v26, $0x1;
	v28 =	vmul.f32 $5.000000000e-01, v26  }
0x18a: {  	v24 =	vadd.f32 v25, v24;
	v25 =	vmul.f32 v37, v37;
	v54 =	vsub.s32 $0x5F3759DF, v27  }
0x18b: {  	(xrf2) =	vadd.scan.msk.f32 $0xffff, v3;
	v3 =	vmul.f32 v54, v28  }
0x18c: {  	v24 =	vadd.f32 v25, v24  }
0x18d: {  	s4 =	simm.s32 $0x100;
	v3 =	vmul.f32 v54, v3  }
0x18e: {  	v27 =	vld [tilespmem:s4+$0x4580];
	(xrf2) =	vadd.scan.msk.f32 $0xffff, v24  }
0x18f: {  	v24 =	vld [tilespmem:s4+$0x4590];
	v3 =	vsub.f32 $1.500000000e+00, v3;
	_ =	sdelay $0x1  }
0x190: {  	v50 =	vbroadcast v53, $0xF;
	v26 =	vld [tilespmem:s4+$0x45A0];
	v3 =	vmul.f32 v54, v3;
	_ =	sdelay $0x1  }
0x191: {  	v63 =	vsub.f32 v29, v50;
	v25 =	vld [tilespmem:s4+$0x45B0];
	v28 =	vmul.f32 v3, v28  }
0x192: {  	v1 =	vsub.f32 v1, v50;
	v56 =	vmul.f32 v27, v27;
	v55 =	vadd.f32 v24, v27  }
0x193: {  	v2 =	vsub.f32 v2, v50;
	v59 =	vmul.f32 v24, v24;
	v58 =	vmul.f32 v28, v3;
	v28 =	vld [tilespmem:s4+$0x45C0]  }
0x194: {  	v31 =	vsub.f32 v31, v50;
	v57, _, _ =	vpop (xrf2);
	v36 =	vadd.f32 v26, v55  }
0x195: {  	v34 =	vld [tilespmem:s4+$0x45D0];
	v60 =	vmul.f32 v26, v26;
	v49 =	vmul.f32 $7.812500000e-03, v57;
	v38 =	vadd.f32 v59, v56  }
0x196: {  	v29 =	vld [tilespmem:s4+$0x45E0];
	v32 =	vsub.f32 v32, v50;
	v53 =	vmul.f32 v25, v25;
	v36 =	vadd.f32 v25, v36;
	v61, _, _ =	vpop (xrf2)  }
0x197: {  	v62 =	vmul.f32 v49, v49;
	v38 =	vadd.f32 v60, v38;
	v48 =	vmul.f32 $7.812500000e-03, v61  }
0x198: {  	v43 =	vsub.f32 $1.500000000e+00, v58;
	v54 =	vadd.f32 v28, v36  }
0x199: {  	v38 =	vadd.f32 v53, v38;
	v48 =	vsub.f32 v48, v62;
	v55 =	vmul.f32 v28, v28;
	v36 =	vld [tilespmem:s4+$0x45F0]  }
0x19a: {  	v57 =	vmul.f32 v34, v34;
	v3 =	vmul.f32 v43, v3;
	v43 =	vadd.f32 v34, v54  }
0x19b: {  	v58 =	vmul.f32 v29, v29;
	v48 =	vadd.f32 $9.999999740e-06, v48;
	v38 =	vadd.f32 v55, v38  }
0x19c: {  	v61 =	vsub.f32 v30, v50;
	v56 =	vmul.f32 v3, v63;
	v43 =	vadd.f32 v29, v43  }
0x19d: {  	v1 =	vmul.f32 v3, v1;
	v48 =	vbroadcast v48, $0xF;
	v38 =	vadd.f32 v57, v38  }
0x19e: {  	v2 =	vmul.f32 v3, v2;
	v60 =	vmul.f32 v36, v36;
	v43 =	vadd.f32 v36, v43  }
0x19f: {  	v59 =	vshra.s32 v48, $0x1;
	v48 =	vmul.f32 $5.000000000e-01, v48;
	v38 =	vadd.f32 v58, v38  }
0x1a0: {  	v63 =	vmul.f32 v3, v61;
	v51 =	vmul.f32 v56, v15;
	v52 =	vsub.s32 $0x5F3759DF, v59  }
0x1a1: {  	s1 =	simm.s32 $0x180;
	v56 =	vmul.f32 v3, v31;
	(xrf2) =	vadd.scan.msk.f32 $0xffff, v43;
	v30 =	vmul.f32 v52, v48;
	v38 =	vadd.f32 v60, v38  }
0x1a2: {  	v33 =	vsub.f32 v33, v50;
	v31 =	vld [tilespmem:s1+$0x4590];
	v1 =	vmul.f32 v1, v8;
	v2 =	vmul.f32 v2, v9  }
0x1a3: {  	v35 =	vsub.f32 v35, v50;
	v57 =	vmul.f32 v3, v32;
	v62 =	vmul.f32 v52, v30;
	(xrf2) =	vadd.scan.msk.f32 $0xffff, v38  }
0x1a4: {  	v51 =	vadd.f32 v51, v23;
	v54 =	vmul.f32 v56, v11;
	v58 =	vmul.f32 v3, v33;
	v30 =	vld [tilespmem:s1+$0x4580]  }
0x1a5: {  	v32 =	vld [tilespmem:s1+$0x45A0];
	v3 =	vmul.f32 v3, v35;
	v59 =	vmul.f32 v63, v10;
	v42 =	vsub.f32 $1.500000000e+00, v62  }
0x1a6: {  	v1 =	vadd.f32 v1, v16;
	v50 =	vmul.f32 v58, v13;
	v58 =	vbroadcast v49, $0xF  }
0x1a7: {  	v2 =	vadd.f32 v2, v17;
	v63 =	vmul.f32 v31, v31;
	v52 =	vmul.f32 v52, v42  }
0x1a8: {  	v55 =	vadd.f32 v59, v18;
	v49 =	vsub.f32 v37, v58;
	v42 =	vmul.f32 v3, v14  }
0x1a9: {  	v33 =	vld [tilespmem:s1+$0x45B0];
	v47 =	vsub.f32 v47, v58;
	v3 =	vmul.f32 v30, v30;
	v60 =	vmul.f32 v52, v48  }
0x1aa: {  	v53 =	vmul.f32 v32, v32;
	v46 =	vsub.f32 v46, v58;
	v61 =	vadd.f32 v31, v30  }
0x1ab: {  	v35 =	vld [tilespmem:s1+$0x45C0];
	v44 =	vsub.f32 v44, v58;
	v3 =	vadd.f32 v63, v3;
	v62, _, _ =	vpop (xrf2);
	v38 =	vmul.f32 v60, v52  }
0x1ac: {  	v40 =	vsub.f32 v40, v58;
	v60 =	vadd.f32 v32, v61;
	v43 =	vmul.f32 $7.812500000e-03, v62  }
0x1ad: {  	v48 =	vmul.f32 v57, v12;
	v3 =	vadd.f32 v53, v3;
	v61 =	vsub.f32 $1.500000000e+00, v38;
	v38 =	vld [tilespmem:s1+$0x45D0];
	v62, _, _ =	vpop (xrf2)  }
0x1ae: {  	v56 =	vadd.f32 v33, v60;
	v57 =	vmul.f32 v43, v43;
	v59 =	vmul.f32 $7.812500000e-03, v62  }
0x1af: {  	v37 =	vld [tilespmem:s1+$0x45E0];
	v60 =	vsub.f32 v39, v58;
	v61 =	vmul.f32 v61, v52;
	v52 =	vmul.f32 v33, v33  }
0x1b0: {  	v53 =	vadd.f32 v35, v56;
	v63 =	vsub.f32 v59, v57  }
0x1b1: {  	v39 =	vld [tilespmem:s1+$0x45F0];
	v62 =	vmul.f32 v35, v35;
	v49 =	vmul.f32 v61, v49;
	v3 =	vadd.f32 v52, v3  }
0x1b2: {  	v53 =	vadd.f32 v38, v53;
	v56 =	vadd.f32 $9.999999740e-06, v63  }
0x1b3: {  	v63 =	vmul.f32 v38, v38;
	v49 =	vmul.f32 v49, v15;
	v3 =	vadd.f32 v62, v3  }
0x1b4: {  	v45 =	vsub.f32 v45, v58;
	v53 =	vadd.f32 v37, v53;
	v56 =	vbroadcast v56, $0xF  }
0x1b5: {  	[tilespmem:s23+$0x4580] =	vst v1;
	v59 =	vmul.f32 v37, v37;
	v57 =	vadd.f32 v49, v23;
	v3 =	vadd.f32 v63, v3  }
0x1b6: {  	[tilespmem:s23+$0x4590] =	vst v2;
	v1 =	vadd.f32 v39, v53;
	v62 =	vshra.s32 v56, $0x1;
	v49 =	vmul.f32 $5.000000000e-01, v56  }
0x1b7: {  	[tilespmem:s23+$0x45A0] =	vst v55;
	v2 =	vadd.f32 v59, v3;
	v3 =	vmul.f32 v39, v39;
	v53 =	vsub.s32 $0x5F3759DF, v62  }
0x1b8: {  	v52 =	vsub.f32 v41, v58;
	v55 =	vmul.f32 v61, v47;
	v63 =	vmul.f32 v53, v49;
	(xrf2) =	vadd.scan.msk.f32 $0xffff, v1  }
0x1b9: {  	v47 =	vadd.f32 v54, v19;
	v58 =	vmul.f32 v61, v40;
	v2 =	vadd.f32 v3, v2  }
0x1ba: {  	s12 =	simm.s32 $0x200;
	[tilespmem:s23+$0x45F0] =	vst v51;
	v54 =	vmul.f32 v61, v45;
	v1 =	vmul.f32 v53, v63  }
0x1bb: {  	v41 =	vld [tilespmem:s12+$0x4580];
	[tilespmem:s23+$0x45B0] =	vst v47;
	v3 =	vmul.f32 v61, v60;
	(xrf2) =	vadd.scan.msk.f32 $0xffff, v2;
	v2 =	vadd.f32 v48, v20  }
0x1bc: {  	v40 =	vld [tilespmem:s12+$0x4590];
	v52 =	vmul.f32 v61, v52;
	v56 =	vmul.f32 v61, v44;
	[tilespmem:s25+$0x45F0] =	vst v57;
	v60 =	vsub.f32 $1.500000000e+00, v1  }
0x1bd: {  	s20 =	simm.s32 $0xA00;
	v51 =	vadd.f32 v50, v21;
	v57 =	vmul.f32 v61, v46;
	v59 =	vmul.f32 v3, v8;
	[tilespmem:s23+$0x45C0] =	vst v2  }
.LBB2_5:
0x1be: {  	p1 =	sne.s32 s20, $0xFE00;
	v1 =	vld [tilespmem:s12+$0x45A0];
	v2 =	vmul.f32 v53, v60;
	v3 =	vmul.f32 v55, v9;
	v42 =	vadd.f32 v42, v22;
	v44 =	vmovc v38  }
0x1bf: {  	v45 =	vmul.f32 v57, v10;
	v46 =	vmul.f32 v56, v11;
	v38 =	vadd.f32 v59, v16;
	[tilespmem:s23+$0x45D0] =	vst v51  }
0x1c0: {  	v50 =	vmul.f32 v58, v12;
	v47 =	vld [tilespmem:s12+$0x45B0];
	v48 =	vmul.f32 v2, v49;
	v3 =	vadd.f32 v3, v17;
	[tilespmem:s23+$0x45E0] =	vst v42;
	s23 =	smov.u32 s25;
	s25 =	smov.u32 s4;
	s4 =	smov.u32 s1  }
0x1c1: {  	v51 =	vmul.f32 v52, v13;
	v42 =	vmul.f32 v54, v14;
	s1 =	smov.u32 s12;
	v49 =	vadd.f32 v40, v41;
	[tilespmem:s23+$0x4580] =	vst v38  }
0x1c2: {  	v38 =	vmul.f32 v41, v41;
	v52, _, _ =	vpop (xrf2);
	v48 =	vmul.f32 v48, v2;
	[tilespmem:s23+$0x4590] =	vst v3;
	v3 =	vadd.f32 v45, v18  }
0x1c3: {  	v55 =	vmovc v29;
	v29 =	vmovc v37;
	v45 =	vmul.f32 v40, v40;
	v53 =	vadd.f32 v1, v49;
	v54 =	vld [tilespmem:s1+$0x45C0];
	v52 =	vmul.f32 $7.812500000e-03, v52  }
0x1c4: {  	v56 =	vbroadcast v43, $0xF;
	v37 =	vmul.f32 v1, v1;
	v57 =	vsub.f32 $1.500000000e+00, v48;
	[tilespmem:s23+$0x45A0] =	vst v3  }
0x1c5: {  	v3 =	vadd.f32 v45, v38;
	v45 =	vadd.f32 v47, v53;
	v38 =	vld [tilespmem:s1+$0x45D0];
	v48 =	vmul.f32 v52, v52;
	v49, _, _ =	vpop (xrf2)  }
0x1c6: {  	v53 =	vsub.f32 v36, v56;
	v43 =	vmovc v52;
	v36 =	vmovc v39;
	v49 =	vmul.f32 $7.812500000e-03, v49;
	v2 =	vmul.f32 v57, v2  }
0x1c7: {  	v39 =	vmul.f32 v47, v47;
	v52 =	vsub.f32 v27, v56;
	v27 =	vmovc v30;
	v3 =	vadd.f32 v37, v3;
	v37 =	vld [tilespmem:s1+$0x45E0]  }
0x1c8: {  	v30 =	vmovc v41;
	v45 =	vadd.f32 v54, v45;
	v48 =	vsub.f32 v49, v48;
	v49 =	vmul.f32 v2, v53  }
0x1c9: {  	v57 =	vsub.f32 v24, v56;
	v24 =	vmovc v31;
	v3 =	vadd.f32 v39, v3;
	v41 =	vmul.f32 v54, v54;
	v39 =	vld [tilespmem:s1+$0x45F0]  }
0x1ca: {  	v31 =	vmovc v40;
	v45 =	vadd.f32 v38, v45;
	v48 =	vadd.f32 $9.999999740e-06, v48;
	v49 =	vmul.f32 v49, v15  }
0x1cb: {  	v58 =	vsub.f32 v26, v56;
	v26 =	vmovc v32;
	v3 =	vadd.f32 v41, v3;
	v40 =	vmul.f32 v38, v38  }
0x1cc: {  	v32 =	vmovc v1;
	v41 =	vadd.f32 v37, v45;
	v45 =	vbroadcast v48, $0xF;
	v48 =	vadd.f32 v49, v23  }
0x1cd: {  	v1 =	vadd.f32 v40, v3;
	v3 =	vmul.f32 v37, v37;
	v40 =	vsub.f32 v25, v56;
	v25 =	vmovc v33  }
0x1ce: {  	v33 =	vmovc v47;
	v41 =	vadd.f32 v39, v41;
	v53 =	vshra.s32 v45, $0x1;
	v49 =	vmul.f32 $5.000000000e-01, v45;
	[tilespmem:s25+$0x45F0] =	vst v48  }
0x1cf: {  	v1 =	vadd.f32 v3, v1;
	v3 =	vmul.f32 v39, v39;
	v53 =	vsub.s32 $0x5F3759DF, v53  }
0x1d0: {  	v34 =	vsub.f32 v34, v56;
	v45 =	vsub.f32 v28, v56;
	(xrf2) =	vadd.scan.msk.f32 $0xffff, v41;
	v41 =	vmul.f32 v53, v49  }
.Ltmp1:
0x1d1: {  	v47 =	vsub.f32 v55, v56;
	v28 =	vmovc v35;
	v1 =	vadd.f32 v3, v1;
	v3 =	vmul.f32 v2, v52;
	(pc) =	sbr.rel @p1 .LBB2_5-.Ltmp1, $4  }
0x1d2: {  	s12 =	sshra.s32 s20, $0x2;
	v46 =	vadd.f32 v46, v19;
	v55 =	vmul.f32 v2, v57;
	v35 =	vmovc v54;
	v48 =	vmul.f32 v53, v41  }
0x1d3: {  	v57 =	vmul.f32 v2, v58;
	v56 =	vmul.f32 v2, v40;
	v41 =	vld [tilespmem:s12+$0x4580];
	(xrf2) =	vadd.scan.msk.f32 $0xffff, v1;
	v1 =	vadd.f32 v50, v20  }
0x1d4: {  	v58 =	vmul.f32 v2, v45;
	v52 =	vmul.f32 v2, v34;
	v34 =	vmovc v44;
	v40 =	vld [tilespmem:s12+$0x4590];
	v60 =	vsub.f32 $1.500000000e+00, v48;
	[tilespmem:s23+$0x45B0] =	vst v46  }
0x1d5: {  	s20 =	sadd.s32 $0x200, s20;
	v51 =	vadd.f32 v51, v21;
	v54 =	vmul.f32 v2, v47;
	v59 =	vmul.f32 v3, v8;
	[tilespmem:s23+$0x45C0] =	vst v1  }
0x1d6: {  	v45 =	vld [tilespmem:s12+$0x45A0];
	_ =	sdelay $0x1  }
0x1d7: {  	v44 =	vld [tilespmem:s12+$0x45B0]  }
0x1d8: {  	v2 =	vmul.f32 v41, v41;
	v1 =	vadd.f32 v40, v41;
	v3 =	vmul.f32 v40, v40  }
0x1d9: {  	v46 =	vld [tilespmem:s12+$0x45C0]  }
0x1da: {  	v1 =	vadd.f32 v45, v1;
	v48 =	vmul.f32 v45, v45;
	v2 =	vadd.f32 v3, v2  }
0x1db: {  	v47 =	vld [tilespmem:s12+$0x45D0]  }
0x1dc: {  	v3 =	vmul.f32 v44, v44;
	v1 =	vadd.f32 v44, v1;
	v2 =	vadd.f32 v48, v2  }
0x1dd: {  	v48 =	vld [tilespmem:s12+$0x45E0]  }
0x1de: {  	v61, _, _ =	vpop (xrf2);
	v1 =	vadd.f32 v46, v1;
	v2 =	vadd.f32 v3, v2;
	v3 =	vmul.f32 v46, v46  }
0x1df: {  	v50 =	vld [tilespmem:s12+$0x45F0];
	v61 =	vmul.f32 $7.812500000e-03, v61  }
0x1e0: {  	v62, _, _ =	vpop (xrf2);
	v1 =	vadd.f32 v47, v1;
	v2 =	vadd.f32 v3, v2;
	v3 =	vmul.f32 v47, v47  }
0x1e1: {  	v63 =	vmul.f32 v61, v61;
	v62 =	vmul.f32 $7.812500000e-03, v62  }
0x1e2: {  	v1 =	vadd.f32 v48, v1;
	v2 =	vadd.f32 v3, v2;
	v3 =	vmul.f32 v48, v48  }
0x1e3: {  	v62 =	vsub.f32 v62, v63  }
0x1e4: {  	v1 =	vadd.f32 v50, v1;
	v2 =	vadd.f32 v3, v2;
	v3 =	vmul.f32 v50, v50;
	_ =	sdelay $0x1  }
0x1e5: {  	(xrf2) =	vadd.scan.msk.f32 $0xffff, v1;
	v1 =	vadd.f32 v3, v2;
	v2 =	vadd.f32 $9.999999740e-06, v62;
	_ =	sdelay $0x1  }
0x1e6: {  	(xrf2) =	vadd.scan.msk.f32 $0xffff, v1;
	v1 =	vbroadcast v2, $0xF;
	v2 =	vmul.f32 v53, v60;
	_ =	sdelay $0x1  }
0x1e7: {  	v3 =	vshra.s32 v1, $0x1;
	v1 =	vmul.f32 $5.000000000e-01, v1;
	v49 =	vmul.f32 v2, v49  }
0x1e8: {  	v43 =	vbroadcast v43, $0xF;
	v3 =	vsub.s32 $0x5F3759DF, v3  }
0x1e9: {  	v60 =	vmul.f32 v3, v1;
	v49 =	vmul.f32 v49, v2  }
0x1ea: {  	v57 =	vmul.f32 v57, v10;
	v56 =	vmul.f32 v56, v11  }
0x1eb: {  	v58 =	vmul.f32 v58, v12;
	v53 =	vmul.f32 v3, v60;
	v49 =	vsub.f32 $1.500000000e+00, v49  }
0x1ec: {  	v52 =	vmul.f32 v52, v13;
	v36 =	vsub.f32 v36, v43;
	v27 =	vsub.f32 v27, v43  }
0x1ed: {  	v24 =	vsub.f32 v24, v43;
	v60, _, _ =	vpop (xrf2);
	v53 =	vsub.f32 $1.500000000e+00, v53;
	v2 =	vmul.f32 v49, v2  }
0x1ee: {  	v26 =	vsub.f32 v26, v43;
	v25 =	vsub.f32 v25, v43;
	v60 =	vmul.f32 $7.812500000e-03, v60  }
0x1ef: {  	v28 =	vsub.f32 v28, v43;
	v3 =	vmul.f32 v3, v53;
	v36 =	vmul.f32 v2, v36  }
0x1f0: {  	v34 =	vsub.f32 v34, v43;
	v27 =	vmul.f32 v2, v27;
	v24 =	vmul.f32 v2, v24  }
0x1f1: {  	v29 =	vsub.f32 v29, v43;
	v26 =	vmul.f32 v2, v26;
	v25 =	vmul.f32 v2, v25  }
0x1f2: {  	v28 =	vmul.f32 v2, v28;
	v34 =	vmul.f32 v2, v34  }
0x1f3: {  	v42 =	vadd.f32 v42, v22;
	v62, _, _ =	vpop (xrf2);
	v2 =	vmul.f32 v2, v29;
	v63 =	vmul.f32 v60, v60  }
0x1f4: {  	[tilespmem:s23+$0x45D0] =	vst v51;
	v57 =	vadd.f32 v57, v18;
	v62 =	vmul.f32 $7.812500000e-03, v62;
	v51 =	vbroadcast v60, $0xF  }
0x1f5: {  	v58 =	vadd.f32 v58, v20;
	v36 =	vmul.f32 v36, v15;
	v1 =	vmul.f32 v3, v1  }
0x1f6: {  	v27 =	vmul.f32 v27, v8;
	v24 =	vmul.f32 v24, v9;
	v62 =	vsub.f32 v62, v63  }
0x1f7: {  	v52 =	vadd.f32 v52, v21;
	v26 =	vmul.f32 v26, v10;
	v25 =	vmul.f32 v25, v11  }
0x1f8: {  	v34 =	vmul.f32 v34, v13;
	v2 =	vmul.f32 v2, v14;
	v49 =	vadd.f32 $9.999999740e-06, v62  }
0x1f9: {  	v63 =	vmul.f32 v55, v9;
	v55 =	vadd.f32 v59, v16;
	v36 =	vadd.f32 v36, v23  }
0x1fa: {  	v27 =	vadd.f32 v27, v16;
	v24 =	vadd.f32 v24, v17;
	v62 =	vbroadcast v49, $0xF  }
0x1fb: {  	v1 =	vmul.f32 v1, v3;
	v26 =	vadd.f32 v26, v18;
	v2 =	vadd.f32 v2, v22  }
0x1fc: {  	v53 =	vadd.f32 v63, v17;
	v63 =	vshra.s32 v62, $0x1;
	v43 =	vmul.f32 $5.000000000e-01, v62  }
0x1fd: {  	v1 =	vsub.f32 $1.500000000e+00, v1;
	[tilespmem:s4+$0x4590] =	vst v24;
	v24 =	vadd.f32 v25, v19;
	v29 =	vsub.s32 $0x5F3759DF, v63  }
0x1fe: {  	[tilespmem:s4+$0x45E0] =	vst v2;
	v49 =	vadd.f32 v56, v19;
	v56 =	vbroadcast v61, $0xF;
	v61 =	vmul.f32 v29, v43  }
0x1ff: {  	v2 =	vsub.f32 v41, v51;
	[tilespmem:s25+$0x4590] =	vst v53;
	v53 =	vsub.f32 v46, v51;
	v1 =	vmul.f32 v1, v3  }
0x200: {  	[tilespmem:s4+$0x45B0] =	vst v24;
	v24 =	vadd.f32 v34, v21;
	v3 =	vsub.f32 v39, v56;
	v62 =	vmul.f32 v29, v61  }
0x201: {  	v54 =	vmul.f32 v54, v14;
	[tilespmem:s23+$0x45E0] =	vst v42;
	v30 =	vsub.f32 v30, v56;
	v31 =	vsub.f32 v31, v56  }
0x202: {  	[tilespmem:s25+$0x45A0] =	vst v57;
	v28 =	vmul.f32 v28, v12;
	v32 =	vsub.f32 v32, v56;
	v39 =	vsub.f32 $1.500000000e+00, v62  }
0x203: {  	[tilespmem:s25+$0x45C0] =	vst v58;
	v33 =	vsub.f32 v33, v56;
	v3 =	vmul.f32 v1, v3;
	v30 =	vmul.f32 v1, v30  }
0x204: {  	[tilespmem:s25+$0x45D0] =	vst v52;
	v35 =	vsub.f32 v35, v56;
	v31 =	vmul.f32 v1, v31;
	v29 =	vmul.f32 v29, v39  }
0x205: {  	[tilespmem:s4+$0x4580] =	vst v27;
	v38 =	vsub.f32 v38, v56;
	v32 =	vmul.f32 v1, v32;
	v3 =	vmul.f32 v3, v15  }
0x206: {  	[tilespmem:s25+$0x45B0] =	vst v49;
	v37 =	vsub.f32 v37, v56;
	v27 =	vmul.f32 v1, v33;
	v49 =	vmul.f32 v29, v43  }
0x207: {  	[tilespmem:s4+$0x45F0] =	vst v36;
	v25 =	vmul.f32 v1, v35;
	v52 =	vmul.f32 v1, v38;
	v3 =	vadd.f32 v3, v23  }
0x208: {  	[tilespmem:s4+$0x45A0] =	vst v26;
	v63 =	vadd.f32 v54, v22;
	v1 =	vmul.f32 v1, v37;
	v36 =	vmul.f32 v49, v29  }
0x209: {  	v26 =	vmul.f32 v30, v8;
	v30 =	vsub.f32 v50, v51;
	[tilespmem:s1+$0x45F0] =	vst v3;
	v3 =	vadd.f32 v28, v20  }
0x20a: {  	[tilespmem:s25+$0x4580] =	vst v55;
	v25 =	vmul.f32 v25, v12;
	v28 =	vmul.f32 v31, v9;
	v36 =	vsub.f32 $1.500000000e+00, v36  }
0x20b: {  	v1 =	vmul.f32 v1, v14;
	v31 =	vmul.f32 v32, v10;
	[tilespmem:s4+$0x45C0] =	vst v3;
	v3 =	vadd.f32 v26, v16  }
0x20c: {  	[tilespmem:s4+$0x45D0] =	vst v24;
	v25 =	vadd.f32 v25, v20;
	v24 =	vadd.f32 v28, v17;
	v29 =	vmul.f32 v36, v29  }
0x20d: {  	v26 =	vmul.f32 v27, v11;
	v27 =	vadd.f32 v31, v18;
	v31 =	vsub.f32 v45, v51;
	[tilespmem:s1+$0x4580] =	vst v3  }
0x20e: {  	v3 =	vmul.f32 v52, v13;
	[tilespmem:s1+$0x4590] =	vst v24;
	v24 =	vsub.f32 v44, v51;
	v30 =	vmul.f32 v29, v30  }
0x20f: {  	[tilespmem:s1+$0x45A0] =	vst v27;
	v27 =	vsub.f32 v47, v51;
	v26 =	vadd.f32 v26, v19;
	v2 =	vmul.f32 v29, v2  }
0x210: {  	[tilespmem:s25+$0x45E0] =	vst v63;
	v3 =	vadd.f32 v3, v21;
	v31 =	vmul.f32 v29, v31;
	v28 =	vmul.f32 v30, v15  }
0x211: {  	[tilespmem:s1+$0x45B0] =	vst v26;
	v24 =	vmul.f32 v29, v24;
	v26 =	vmul.f32 v29, v53;
	v30 =	vsub.f32 v40, v51  }
0x212: {  	[tilespmem:s1+$0x45D0] =	vst v3;
	v3 =	vmul.f32 v29, v27;
	v2 =	vmul.f32 v2, v8;
	v28 =	vadd.f32 v28, v23  }
0x213: {  	v1 =	vadd.f32 v1, v22;
	[tilespmem:s1+$0x45C0] =	vst v25;
	v24 =	vmul.f32 v24, v11;
	v30 =	vmul.f32 v29, v30  }
0x214: {  	v3 =	vmul.f32 v3, v13;
	v2 =	vadd.f32 v2, v16;
	[tilespmem:s12+$0x45F0] =	vst v28;
	v28 =	vsub.f32 v48, v51  }
0x215: {  	[tilespmem:s1+$0x45E0] =	vst v1;
	v24 =	vadd.f32 v24, v19;
	v25 =	vmul.f32 v30, v9;
	v30 =	vmul.f32 v31, v10  }
0x216: {  	v3 =	vadd.f32 v3, v21;
	[tilespmem:s12+$0x4580] =	vst v2;
	v1 =	vmul.f32 v29, v28  }
0x217: {  	v26 =	vmul.f32 v26, v12;
	[tilespmem:s12+$0x45B0] =	vst v24;
	v2 =	vadd.f32 v30, v18  }
0x218: {  	[tilespmem:s12+$0x45D0] =	vst v3;
	v25 =	vadd.f32 v25, v17;
	v1 =	vmul.f32 v1, v14  }
0x219: {  	[tilespmem:s12+$0x45A0] =	vst v2;
	v2 =	vadd.f32 v26, v20  }
0x21a: {  	[tilespmem:s12+$0x4590] =	vst v25;
	v1 =	vadd.f32 v1, v22  }
0x21b: {  	s4 =	sshll.u32 s17, $0xB;
	[tilespmem:s12+$0x45C0] =	vst v2  }
0x21c: {  	s17 =	smin.u32 s8, $0x7B;
	s1 =	sadd.s32 s4, s16;
	s4 =	simm.s32 $0x0;
	[tilespmem:s12+$0x45E0] =	vst v1  }
0x21d: {  	[hbm4b:s1+s4] =	stream.linear.scatter [tilespmem:s3], [sflag:$0xE], $0x4000, $0x38;
	[tilespmem:$0xF580] =	vst v63  }
0x21e: {  	s1 =	sshll.u32 s17, $0x7;
	s12 =	rddreg [dreg:$0xf]  }
0x21f: {  	s1 =	sadd.s32 s1, s12  }
0x220: {  	s1 =	sshrl.u32 s1, $0x3  }
0x221: {  	s23 =	simm.s32 $0x180;
	s20 =	sadd.s32 s6, s1  }
0x222: {  	[tilespmem:s23], [sflag:$0x2] =	stream.linear.gather [hbm4b:s20+s4], $0x80, $0x38;
	[tilespmem:$0xF580] =	vst v63  }
0x223: {  	s25 =	simm.s32 $0x300;
	s1 =	sadd.s32 s7, s1  }
0x224: {  	[tilespmem:s25], [sflag:$0x5] =	stream.linear.gather [hbm4b:s1+s4], $0x80, $0x38;
	[tilespmem:$0xF580] =	vst v63  }
0x225: {  	_ =	swait.ge [sflag:s26], $0x4000  }
0x226: {  	[sflag:s26] =	ssyncset.done $0x0  }
0x227: {  	[sflag:s26] =	ssyncadd.s32 $0xFFFFC000  }
0x228: {  	_ =	swait.ge [sflag:s2], $0x80  }
0x229: {  	[sflag:s2] =	ssyncset.done $0x0  }
0x22a: {  	[sflag:s2] =	ssyncadd.s32 $0xFFFFFF80  }
0x22b: {  	[tilespmem:s3], [sflag:$0x8] =	stream.indirect.gather [hbm4b:s15+s22], $0x80, s23, s22, $0xb8;
	[tilespmem:$0xF580] =	vst v63  }
0x22c: {  	_ =	swait.ge [sflag:s0], $0x80  }
0x22d: {  	[sflag:s0] =	ssyncset.done $0x0  }
0x22e: {  	[sflag:s0] =	ssyncadd.s32 $0xFFFFFF80  }
0x22f: {  	v1 =	vld [tilespmem:$0x280]  }
0x230: {  	v2 =	vld [tilespmem:$0x290]  }
0x231: {  	v3 =	vld [tilespmem:$0x2A0]  }
0x232: {  	v24 =	vld [tilespmem:$0x2B0]  }
0x233: {  	v25 =	vld [tilespmem:$0x2C0]  }
0x234: {  	s1 =	sand.u32 $0x180, s28;
	v26 =	vld [tilespmem:$0x2D0];
	v1 =	vshll.u32 v1, $0x9  }
0x235: {  	s28 =	sor.u32 $0x10, s1;
	v27 =	vld [tilespmem:$0x2E0];
	v2 =	vshll.u32 v2, $0x9;
	v1 =	vor.u32 s1, v1  }
0x236: {  	s12 =	sor.u32 $0x20, s1;
	v28 =	vld [tilespmem:$0x2F0];
	v3 =	vshll.u32 v3, $0x9;
	v2 =	vor.u32 s28, v2;
	v1 =	vor.u32 v0, v1  }
0x237: {  	s25 =	smov.u32 s15;
	s15 =	sor.u32 $0x30, s1;
	[tilespmem:$0x400] =	vst v1;
	v1 =	vor.u32 v0, v2;
	v2 =	vor.u32 s12, v3;
	v3 =	vshll.u32 v24, $0x9  }
0x238: {  	s17 =	sor.u32 $0x40, s1;
	[tilespmem:$0x410] =	vst v1;
	v1 =	vor.u32 v0, v2;
	v2 =	vor.u32 s15, v3;
	v3 =	vshll.u32 v25, $0x9  }
0x239: {  	s20 =	sor.u32 $0x50, s1;
	[tilespmem:$0x420] =	vst v1;
	v1 =	vor.u32 v0, v2;
	v2 =	vor.u32 s17, v3;
	v3 =	vshll.u32 v26, $0x9  }
0x23a: {  	s23 =	sor.u32 $0x60, s1;
	[tilespmem:$0x430] =	vst v1;
	v1 =	vor.u32 v0, v2;
	v2 =	vor.u32 s20, v3;
	v3 =	vshll.u32 v27, $0x9  }
0x23b: {  	s1 =	sor.u32 $0x70, s1;
	[tilespmem:$0x440] =	vst v1;
	v1 =	vor.u32 v0, v2;
	v2 =	vor.u32 s23, v3;
	v3 =	vshll.u32 v28, $0x9  }
0x23c: {  	[tilespmem:$0x450] =	vst v1;
	v1 =	vor.u32 v0, v2;
	v2 =	vor.u32 s1, v3  }
0x23d: {  	[tilespmem:$0x460] =	vst v1;
	v1 =	vor.u32 v0, v2  }
0x23e: {  	[tilespmem:$0x470] =	vst v1  }
0x23f: {  	_ =	swait.ge [sflag:s9], $0x4000  }
0x240: {  	[sflag:s9] =	ssyncset.done $0x0  }
0x241: {  	s28 =	simm.s32 $0x400;
	[sflag:s9] =	ssyncadd.s32 $0xFFFFC000  }
0x242: {  	[tilespmem:s31], [sflag:$0xA] =	stream.indirect.gather.add.f32 [spmem:s24], $0x80, s28, s22, $0xb8;
	[tilespmem:$0xF580] =	vst v63  }
0x243: {  	_ =	swait.ge [sflag:s29], $0x4000  }
0x244: {  	[sflag:s29] =	ssyncset.done $0x0  }
0x245: {  	s17 =	simm.s32 $0x0;
	[sflag:s29] =	ssyncadd.s32 $0xFFFFC000  }
0x246: {  	v1 =	vld [tilespmem:s17+$0x8580]  }
0x247: {  	v2 =	vld [tilespmem:s17+$0x8590];
	_ =	sdelay $0x1  }
0x248: {  	v28 =	vld [tilespmem:s17+$0x85A0];
	_ =	sdelay $0x1  }
0x249: {  	v30 =	vld [tilespmem:s17+$0x85B0]  }
0x24a: {  	v3 =	vadd.f32 v2, v1;
	v24 =	vmul.f32 v1, v1;
	v25 =	vmul.f32 v2, v2  }
0x24b: {  	v32 =	vld [tilespmem:s17+$0x85C0]  }
0x24c: {  	v26 =	vmul.f32 v28, v28;
	v3 =	vadd.f32 v28, v3;
	v24 =	vadd.f32 v25, v24  }
0x24d: {  	v33 =	vld [tilespmem:s17+$0x85D0]  }
0x24e: {  	v25 =	vmul.f32 v30, v30;
	v3 =	vadd.f32 v30, v3;
	v24 =	vadd.f32 v26, v24  }
0x24f: {  	v34 =	vld [tilespmem:s17+$0x85E0]  }
0x250: {  	v3 =	vadd.f32 v32, v3;
	v24 =	vadd.f32 v25, v24;
	v25 =	vmul.f32 v32, v32  }
0x251: {  	v31 =	vld [tilespmem:s17+$0x85F0]  }
0x252: {  	v3 =	vadd.f32 v33, v3;
	v24 =	vadd.f32 v25, v24;
	v25 =	vmul.f32 v33, v33;
	_ =	sdelay $0x1  }
0x253: {  	v3 =	vadd.f32 v34, v3;
	v24 =	vadd.f32 v25, v24;
	v25 =	vmul.f32 v34, v34;
	_ =	sdelay $0x1  }
0x254: {  	v3 =	vadd.f32 v31, v3;
	v24 =	vadd.f32 v25, v24;
	v25 =	vmul.f32 v31, v31;
	_ =	sdelay $0x1  }
0x255: {  	(xrf2) =	vadd.scan.msk.f32 $0xffff, v3;
	v3 =	vadd.f32 v25, v24;
	_ =	sdelay $0x1  }
0x256: {  	s23 =	simm.s32 $0x80;
	(xrf2) =	vadd.scan.msk.f32 $0xffff, v3  }
0x257: {  	v47 =	vld [tilespmem:s23+$0x8590]  }
0x258: {  	v40 =	vld [tilespmem:s23+$0x8580];
	_ =	sdelay $0x1  }
0x259: {  	v46 =	vld [tilespmem:s23+$0x85A0];
	_ =	sdelay $0x1  }
0x25a: {  	v44 =	vld [tilespmem:s23+$0x85B0];
	v26 =	vmul.f32 v47, v47  }
0x25b: {  	v3 =	vadd.f32 v47, v40  }
0x25c: {  	v41 =	vld [tilespmem:s23+$0x85C0];
	v24 =	vmul.f32 v40, v40;
	v25, _, _ =	vpop (xrf2)  }
0x25d: {  	v3 =	vadd.f32 v46, v3;
	v54 =	vmul.f32 $7.812500000e-03, v25  }
0x25e: {  	v42 =	vld [tilespmem:s23+$0x85D0];
	v24 =	vadd.f32 v26, v24;
	v25 =	vmul.f32 v46, v46;
	v26, _, _ =	vpop (xrf2)  }
0x25f: {  	v3 =	vadd.f32 v44, v3;
	v27 =	vmul.f32 v54, v54;
	v26 =	vmul.f32 $7.812500000e-03, v26  }
0x260: {  	v45 =	vld [tilespmem:s23+$0x85E0];
	v24 =	vadd.f32 v25, v24;
	v25 =	vmul.f32 v44, v44  }
0x261: {  	v3 =	vadd.f32 v41, v3;
	v26 =	vsub.f32 v26, v27  }
0x262: {  	v37 =	vld [tilespmem:s23+$0x85F0];
	v24 =	vadd.f32 v25, v24;
	v25 =	vmul.f32 v41, v41  }
0x263: {  	v3 =	vadd.f32 v42, v3;
	v26 =	vadd.f32 $9.999999740e-06, v26  }
0x264: {  	v24 =	vadd.f32 v25, v24;
	v25 =	vmul.f32 v42, v42  }
0x265: {  	v3 =	vadd.f32 v45, v3;
	v26 =	vbroadcast v26, $0xF  }
0x266: {  	v24 =	vadd.f32 v25, v24;
	v25 =	vmul.f32 v45, v45  }
0x267: {  	v3 =	vadd.f32 v37, v3;
	v27 =	vshra.s32 v26, $0x1;
	v29 =	vmul.f32 $5.000000000e-01, v26  }
0x268: {  	v24 =	vadd.f32 v25, v24;
	v25 =	vmul.f32 v37, v37;
	v27 =	vsub.s32 $0x5F3759DF, v27  }
0x269: {  	(xrf2) =	vadd.scan.msk.f32 $0xffff, v3;
	v3 =	vmul.f32 v27, v29  }
0x26a: {  	v24 =	vadd.f32 v25, v24  }
0x26b: {  	s4 =	simm.s32 $0x100;
	v3 =	vmul.f32 v27, v3  }
0x26c: {  	v26 =	vld [tilespmem:s4+$0x8580];
	(xrf2) =	vadd.scan.msk.f32 $0xffff, v24  }
0x26d: {  	v24 =	vld [tilespmem:s4+$0x8590];
	v3 =	vsub.f32 $1.500000000e+00, v3;
	_ =	sdelay $0x1  }
0x26e: {  	v25 =	vld [tilespmem:s4+$0x85A0];
	v3 =	vmul.f32 v27, v3;
	_ =	sdelay $0x1  }
0x26f: {  	v50 =	vbroadcast v54, $0xF;
	v27 =	vld [tilespmem:s4+$0x85B0];
	v29 =	vmul.f32 v3, v29  }
0x270: {  	v56 =	vmul.f32 v26, v26;
	v55 =	vadd.f32 v24, v26  }
0x271: {  	v63 =	vsub.f32 v31, v50;
	v57, _, _ =	vpop (xrf2);
	v59 =	vmul.f32 v24, v24;
	v58 =	vmul.f32 v29, v3;
	v29 =	vld [tilespmem:s4+$0x85C0]  }
0x272: {  	v1 =	vsub.f32 v1, v50;
	v49 =	vmul.f32 $7.812500000e-03, v57;
	v36 =	vadd.f32 v25, v55  }
0x273: {  	v35 =	vld [tilespmem:s4+$0x85D0];
	v2 =	vsub.f32 v2, v50;
	v60 =	vmul.f32 v25, v25;
	v38 =	vadd.f32 v59, v56  }
0x274: {  	v30 =	vsub.f32 v30, v50;
	v62 =	vmul.f32 v49, v49;
	v36 =	vadd.f32 v27, v36;
	v61, _, _ =	vpop (xrf2)  }
0x275: {  	v31 =	vld [tilespmem:s4+$0x85E0];
	v38 =	vadd.f32 v60, v38;
	v53 =	vmul.f32 v27, v27;
	v48 =	vmul.f32 $7.812500000e-03, v61  }
0x276: {  	v43 =	vsub.f32 $1.500000000e+00, v58;
	v54 =	vadd.f32 v29, v36  }
0x277: {  	v38 =	vadd.f32 v53, v38;
	v48 =	vsub.f32 v48, v62;
	v55 =	vmul.f32 v29, v29;
	v36 =	vld [tilespmem:s4+$0x85F0]  }
0x278: {  	v32 =	vsub.f32 v32, v50;
	v3 =	vmul.f32 v43, v3;
	v43 =	vadd.f32 v35, v54  }
0x279: {  	v57 =	vmul.f32 v35, v35;
	v48 =	vadd.f32 $9.999999740e-06, v48;
	v38 =	vadd.f32 v55, v38  }
0x27a: {  	v58 =	vmul.f32 v31, v31;
	v61 =	vsub.f32 v28, v50;
	v43 =	vadd.f32 v31, v43  }
0x27b: {  	v56 =	vmul.f32 v3, v63;
	v48 =	vbroadcast v48, $0xF;
	v38 =	vadd.f32 v57, v38  }
0x27c: {  	v1 =	vmul.f32 v3, v1;
	v60 =	vmul.f32 v36, v36;
	v43 =	vadd.f32 v36, v43  }
0x27d: {  	v59 =	vshra.s32 v48, $0x1;
	v48 =	vmul.f32 $5.000000000e-01, v48;
	v38 =	vadd.f32 v58, v38  }
0x27e: {  	v2 =	vmul.f32 v3, v2;
	v63 =	vmul.f32 v3, v61;
	v52 =	vsub.s32 $0x5F3759DF, v59  }
0x27f: {  	s1 =	simm.s32 $0x180;
	v51 =	vmul.f32 v56, v15;
	(xrf2) =	vadd.scan.msk.f32 $0xffff, v43;
	v28 =	vmul.f32 v52, v48;
	v38 =	vadd.f32 v60, v38  }
0x280: {  	v33 =	vsub.f32 v33, v50;
	v56 =	vmul.f32 v3, v30;
	v30 =	vld [tilespmem:s1+$0x8590];
	v1 =	vmul.f32 v1, v8  }
0x281: {  	v34 =	vsub.f32 v34, v50;
	v2 =	vmul.f32 v2, v9;
	v62 =	vmul.f32 v52, v28;
	(xrf2) =	vadd.scan.msk.f32 $0xffff, v38  }
0x282: {  	v57 =	vmul.f32 v3, v32;
	v58 =	vmul.f32 v3, v33;
	v28 =	vld [tilespmem:s1+$0x8580]  }
0x283: {  	v32 =	vld [tilespmem:s1+$0x85A0];
	v54 =	vmul.f32 v56, v11;
	v3 =	vmul.f32 v3, v34;
	v39 =	vsub.f32 $1.500000000e+00, v62  }
0x284: {  	v51 =	vadd.f32 v51, v23;
	v59 =	vmul.f32 v63, v10;
	v50 =	vmul.f32 v58, v13  }
0x285: {  	v1 =	vadd.f32 v1, v16;
	v63 =	vmul.f32 v30, v30;
	v52 =	vmul.f32 v52, v39  }
0x286: {  	v2 =	vadd.f32 v2, v17;
	v58 =	vbroadcast v49, $0xF;
	v39 =	vmul.f32 v3, v14  }
0x287: {  	v33 =	vld [tilespmem:s1+$0x85B0];
	v55 =	vadd.f32 v59, v18;
	v3 =	vmul.f32 v28, v28;
	v60 =	vmul.f32 v52, v48  }
0x288: {  	v53 =	vmul.f32 v32, v32;
	v47 =	vsub.f32 v47, v58;
	v61 =	vadd.f32 v30, v28  }
0x289: {  	v34 =	vld [tilespmem:s1+$0x85C0];
	v46 =	vsub.f32 v46, v58;
	v3 =	vadd.f32 v63, v3;
	v62, _, _ =	vpop (xrf2);
	v38 =	vmul.f32 v60, v52  }
0x28a: {  	v63 =	vsub.f32 v37, v58;
	v60 =	vadd.f32 v32, v61;
	v43 =	vmul.f32 $7.812500000e-03, v62  }
0x28b: {  	v48 =	vmul.f32 v57, v12;
	v3 =	vadd.f32 v53, v3;
	v61 =	vsub.f32 $1.500000000e+00, v38;
	v38 =	vld [tilespmem:s1+$0x85D0];
	v62, _, _ =	vpop (xrf2)  }
0x28c: {  	v56 =	vadd.f32 v33, v60;
	v57 =	vmul.f32 v43, v43;
	v59 =	vmul.f32 $7.812500000e-03, v62  }
0x28d: {  	v37 =	vld [tilespmem:s1+$0x85E0];
	v53 =	vsub.f32 v40, v58;
	v60 =	vmul.f32 v33, v33;
	v61 =	vmul.f32 v61, v52  }
0x28e: {  	v56 =	vadd.f32 v34, v56;
	v57 =	vsub.f32 v59, v57  }
0x28f: {  	v40 =	vld [tilespmem:s1+$0x85F0];
	v62 =	vmul.f32 v34, v34;
	v3 =	vadd.f32 v60, v3;
	v49 =	vmul.f32 v61, v63  }
0x290: {  	v56 =	vadd.f32 v38, v56;
	v57 =	vadd.f32 $9.999999740e-06, v57  }
0x291: {  	v3 =	vadd.f32 v62, v3;
	v63 =	vmul.f32 v38, v38;
	v49 =	vmul.f32 v49, v15  }
0x292: {  	v41 =	vsub.f32 v41, v58;
	v56 =	vadd.f32 v37, v56;
	v57 =	vbroadcast v57, $0xF  }
0x293: {  	[tilespmem:s17+$0x85F0] =	vst v51;
	v60 =	vmul.f32 v37, v37;
	v3 =	vadd.f32 v63, v3;
	v59 =	vadd.f32 v49, v23  }
0x294: {  	[tilespmem:s17+$0x8580] =	vst v1;
	v1 =	vadd.f32 v40, v56;
	v62 =	vshra.s32 v57, $0x1;
	v49 =	vmul.f32 $5.000000000e-01, v57  }
0x295: {  	[tilespmem:s17+$0x8590] =	vst v2;
	v2 =	vadd.f32 v60, v3;
	v3 =	vmul.f32 v40, v40;
	v52 =	vsub.s32 $0x5F3759DF, v62  }
0x296: {  	v44 =	vsub.f32 v44, v58;
	v45 =	vsub.f32 v45, v58;
	v63 =	vmul.f32 v52, v49;
	(xrf2) =	vadd.scan.msk.f32 $0xffff, v1  }
0x297: {  	[tilespmem:s17+$0x85A0] =	vst v55;
	v55 =	vsub.f32 v42, v58;
	v58 =	vmul.f32 v61, v41;
	v2 =	vadd.f32 v3, v2  }
0x298: {  	s12 =	simm.s32 $0x200;
	[tilespmem:s23+$0x85F0] =	vst v59;
	v59 =	vmul.f32 v61, v47;
	v47 =	vadd.f32 v54, v19;
	v1 =	vmul.f32 v52, v63  }
0x299: {  	v42 =	vld [tilespmem:s12+$0x8580];
	v56 =	vmul.f32 v61, v46;
	v3 =	vmul.f32 v61, v53;
	(xrf2) =	vadd.scan.msk.f32 $0xffff, v2;
	v2 =	vadd.f32 v48, v20  }
0x29a: {  	v41 =	vld [tilespmem:s12+$0x8590];
	v57 =	vmul.f32 v61, v44;
	v53 =	vmul.f32 v61, v55;
	[tilespmem:s17+$0x85B0] =	vst v47;
	v60 =	vsub.f32 $1.500000000e+00, v1  }
0x29b: {  	s20 =	simm.s32 $0xA00;
	v51 =	vadd.f32 v50, v21;
	v55 =	vmul.f32 v61, v45;
	v54 =	vmul.f32 v3, v8;
	[tilespmem:s17+$0x85C0] =	vst v2  }
.LBB2_7:
0x29c: {  	p1 =	sne.s32 s20, $0xFE00;
	v1 =	vld [tilespmem:s12+$0x85A0];
	v2 =	vmul.f32 v52, v60;
	v3 =	vmul.f32 v59, v9;
	v39 =	vadd.f32 v39, v22;
	v44 =	vmovc v38  }
0x29d: {  	v45 =	vmul.f32 v56, v10;
	v46 =	vmul.f32 v57, v11;
	v38 =	vadd.f32 v54, v16;
	[tilespmem:s17+$0x85D0] =	vst v51  }
0x29e: {  	v50 =	vmul.f32 v58, v12;
	v47 =	vld [tilespmem:s12+$0x85B0];
	v48 =	vmul.f32 v2, v49;
	v3 =	vadd.f32 v3, v17;
	[tilespmem:s17+$0x85E0] =	vst v39;
	s17 =	smov.u32 s23;
	s23 =	smov.u32 s4;
	s4 =	smov.u32 s1  }
0x29f: {  	v51 =	vmul.f32 v53, v13;
	v39 =	vmul.f32 v55, v14;
	s1 =	smov.u32 s12;
	v49 =	vadd.f32 v41, v42;
	[tilespmem:s17+$0x8580] =	vst v38  }
0x2a0: {  	v38 =	vmul.f32 v42, v42;
	v52, _, _ =	vpop (xrf2);
	v48 =	vmul.f32 v48, v2;
	[tilespmem:s17+$0x8590] =	vst v3;
	v3 =	vadd.f32 v45, v18  }
0x2a1: {  	v54 =	vmovc v31;
	v31 =	vmovc v37;
	v45 =	vmul.f32 v41, v41;
	v56 =	vadd.f32 v1, v49;
	v53 =	vld [tilespmem:s1+$0x85C0];
	v52 =	vmul.f32 $7.812500000e-03, v52  }
0x2a2: {  	v55 =	vbroadcast v43, $0xF;
	v37 =	vmul.f32 v1, v1;
	v57 =	vsub.f32 $1.500000000e+00, v48;
	[tilespmem:s17+$0x85A0] =	vst v3  }
0x2a3: {  	v3 =	vadd.f32 v45, v38;
	v45 =	vadd.f32 v47, v56;
	v38 =	vld [tilespmem:s1+$0x85D0];
	v48 =	vmul.f32 v52, v52;
	v49, _, _ =	vpop (xrf2)  }
0x2a4: {  	v56 =	vsub.f32 v36, v55;
	v43 =	vmovc v52;
	v36 =	vmovc v40;
	v49 =	vmul.f32 $7.812500000e-03, v49;
	v2 =	vmul.f32 v57, v2  }
0x2a5: {  	v40 =	vmul.f32 v47, v47;
	v3 =	vadd.f32 v37, v3;
	v57 =	vsub.f32 v26, v55;
	v26 =	vmovc v28;
	v37 =	vld [tilespmem:s1+$0x85E0]  }
0x2a6: {  	v28 =	vmovc v42;
	v45 =	vadd.f32 v53, v45;
	v48 =	vsub.f32 v49, v48;
	v49 =	vmul.f32 v2, v56  }
0x2a7: {  	v3 =	vadd.f32 v40, v3;
	v42 =	vmul.f32 v53, v53;
	v56 =	vsub.f32 v24, v55;
	v24 =	vmovc v30;
	v40 =	vld [tilespmem:s1+$0x85F0]  }
0x2a8: {  	v30 =	vmovc v41;
	v45 =	vadd.f32 v38, v45;
	v48 =	vadd.f32 $9.999999740e-06, v48;
	v49 =	vmul.f32 v49, v15  }
0x2a9: {  	v58 =	vsub.f32 v25, v55;
	v25 =	vmovc v32;
	v3 =	vadd.f32 v42, v3;
	v41 =	vmul.f32 v38, v38  }
0x2aa: {  	v32 =	vmovc v1;
	v42 =	vadd.f32 v37, v45;
	v45 =	vbroadcast v48, $0xF;
	v48 =	vadd.f32 v49, v23  }
0x2ab: {  	v1 =	vadd.f32 v41, v3;
	v3 =	vmul.f32 v37, v37;
	v41 =	vsub.f32 v27, v55;
	v27 =	vmovc v33  }
0x2ac: {  	v33 =	vmovc v47;
	v42 =	vadd.f32 v40, v42;
	v52 =	vshra.s32 v45, $0x1;
	v49 =	vmul.f32 $5.000000000e-01, v45;
	[tilespmem:s23+$0x85F0] =	vst v48  }
0x2ad: {  	v1 =	vadd.f32 v3, v1;
	v3 =	vmul.f32 v40, v40;
	v52 =	vsub.s32 $0x5F3759DF, v52  }
0x2ae: {  	v35 =	vsub.f32 v35, v55;
	v45 =	vsub.f32 v29, v55;
	(xrf2) =	vadd.scan.msk.f32 $0xffff, v42;
	v42 =	vmul.f32 v52, v49  }
.Ltmp2:
0x2af: {  	v47 =	vsub.f32 v54, v55;
	v29 =	vmovc v34;
	v1 =	vadd.f32 v3, v1;
	v3 =	vmul.f32 v2, v57;
	(pc) =	sbr.rel @p1 .LBB2_7-.Ltmp2, $4  }
0x2b0: {  	s12 =	sshra.s32 s20, $0x2;
	v46 =	vadd.f32 v46, v19;
	v59 =	vmul.f32 v2, v56;
	v34 =	vmovc v53;
	v48 =	vmul.f32 v52, v42  }
0x2b1: {  	v56 =	vmul.f32 v2, v58;
	v57 =	vmul.f32 v2, v41;
	v42 =	vld [tilespmem:s12+$0x8580];
	(xrf2) =	vadd.scan.msk.f32 $0xffff, v1;
	v1 =	vadd.f32 v50, v20  }
0x2b2: {  	v53 =	vmul.f32 v2, v35;
	v35 =	vmovc v44;
	v58 =	vmul.f32 v2, v45;
	v41 =	vld [tilespmem:s12+$0x8590];
	v60 =	vsub.f32 $1.500000000e+00, v48;
	[tilespmem:s17+$0x85B0] =	vst v46  }
0x2b3: {  	s20 =	sadd.s32 $0x200, s20;
	v51 =	vadd.f32 v51, v21;
	v55 =	vmul.f32 v2, v47;
	v54 =	vmul.f32 v3, v8;
	[tilespmem:s17+$0x85C0] =	vst v1  }
0x2b4: {  	v45 =	vld [tilespmem:s12+$0x85A0];
	_ =	sdelay $0x1  }
0x2b5: {  	v44 =	vld [tilespmem:s12+$0x85B0]  }
0x2b6: {  	v1 =	vadd.f32 v41, v42  }
0x2b7: {  	v46 =	vld [tilespmem:s12+$0x85C0];
	v2 =	vmul.f32 v42, v42;
	v3 =	vmul.f32 v41, v41  }
0x2b8: {  	v1 =	vadd.f32 v45, v1  }
0x2b9: {  	v47 =	vld [tilespmem:s12+$0x85D0];
	v48 =	vmul.f32 v45, v45;
	v2 =	vadd.f32 v3, v2  }
0x2ba: {  	v1 =	vadd.f32 v44, v1  }
0x2bb: {  	v3 =	vmul.f32 v44, v44;
	v2 =	vadd.f32 v48, v2;
	v48 =	vld [tilespmem:s12+$0x85E0]  }
0x2bc: {  	v50, _, _ =	vpop (xrf2);
	v1 =	vadd.f32 v46, v1  }
0x2bd: {  	v61 =	vmul.f32 $7.812500000e-03, v50;
	v50 =	vld [tilespmem:s12+$0x85F0];
	v2 =	vadd.f32 v3, v2;
	v3 =	vmul.f32 v46, v46  }
0x2be: {  	v1 =	vadd.f32 v47, v1  }
0x2bf: {  	v62, _, _ =	vpop (xrf2);
	v2 =	vadd.f32 v3, v2;
	v3 =	vmul.f32 v47, v47  }
0x2c0: {  	v63 =	vmul.f32 v61, v61;
	v62 =	vmul.f32 $7.812500000e-03, v62;
	v1 =	vadd.f32 v48, v1  }
0x2c1: {  	v2 =	vadd.f32 v3, v2;
	v3 =	vmul.f32 v48, v48  }
0x2c2: {  	v62 =	vsub.f32 v62, v63;
	v1 =	vadd.f32 v50, v1  }
0x2c3: {  	v2 =	vadd.f32 v3, v2;
	v3 =	vmul.f32 v50, v50  }
0x2c4: {  	(xrf2) =	vadd.scan.msk.f32 $0xffff, v1;
	v1 =	vadd.f32 $9.999999740e-06, v62  }
0x2c5: {  	v2 =	vadd.f32 v3, v2  }
0x2c6: {  	v1 =	vbroadcast v1, $0xF  }
0x2c7: {  	(xrf2) =	vadd.scan.msk.f32 $0xffff, v2;
	v2 =	vmul.f32 v52, v60  }
0x2c8: {  	v59 =	vmul.f32 v59, v9;
	v3 =	vshra.s32 v1, $0x1;
	v1 =	vmul.f32 $5.000000000e-01, v1  }
0x2c9: {  	v43 =	vbroadcast v43, $0xF;
	v49 =	vmul.f32 v2, v49;
	v3 =	vsub.s32 $0x5F3759DF, v3  }
0x2ca: {  	v56 =	vmul.f32 v56, v10;
	v60 =	vmul.f32 v3, v1  }
0x2cb: {  	v57 =	vmul.f32 v57, v11;
	v49 =	vmul.f32 v49, v2  }
0x2cc: {  	v36 =	vsub.f32 v36, v43;
	v26 =	vsub.f32 v26, v43;
	v52 =	vmul.f32 v3, v60  }
0x2cd: {  	v53 =	vmul.f32 v53, v13;
	v24 =	vsub.f32 v24, v43;
	v49 =	vsub.f32 $1.500000000e+00, v49  }
0x2ce: {  	v55 =	vmul.f32 v55, v14;
	v25 =	vsub.f32 v25, v43;
	v52 =	vsub.f32 $1.500000000e+00, v52;
	v60, _, _ =	vpop (xrf2)  }
0x2cf: {  	v27 =	vsub.f32 v27, v43;
	v2 =	vmul.f32 v49, v2;
	v60 =	vmul.f32 $7.812500000e-03, v60  }
0x2d0: {  	v29 =	vsub.f32 v29, v43;
	v3 =	vmul.f32 v3, v52;
	v52 =	vmul.f32 v58, v12  }
0x2d1: {  	v35 =	vsub.f32 v35, v43;
	v36 =	vmul.f32 v2, v36;
	v26 =	vmul.f32 v2, v26  }
0x2d2: {  	v31 =	vsub.f32 v31, v43;
	v24 =	vmul.f32 v2, v24;
	v25 =	vmul.f32 v2, v25  }
0x2d3: {  	v39 =	vadd.f32 v39, v22;
	v27 =	vmul.f32 v2, v27;
	v29 =	vmul.f32 v2, v29  }
0x2d4: {  	v56 =	vadd.f32 v56, v18;
	v62, _, _ =	vpop (xrf2);
	v35 =	vmul.f32 v2, v35;
	v2 =	vmul.f32 v2, v31  }
0x2d5: {  	v57 =	vadd.f32 v57, v19;
	v63 =	vmul.f32 v60, v60;
	v49 =	vmul.f32 $7.812500000e-03, v62  }
0x2d6: {  	v36 =	vmul.f32 v36, v15;
	v1 =	vmul.f32 v3, v1;
	v52 =	vadd.f32 v52, v20  }
0x2d7: {  	v26 =	vmul.f32 v26, v8;
	v24 =	vmul.f32 v24, v9;
	v49 =	vsub.f32 v49, v63  }
0x2d8: {  	v25 =	vmul.f32 v25, v10;
	v29 =	vmul.f32 v29, v12;
	v36 =	vadd.f32 v36, v23  }
0x2d9: {  	v2 =	vmul.f32 v2, v14;
	v26 =	vadd.f32 v26, v16;
	v62 =	vadd.f32 $9.999999740e-06, v49  }
0x2da: {  	v1 =	vmul.f32 v1, v3;
	v24 =	vadd.f32 v24, v17;
	v25 =	vadd.f32 v25, v18  }
0x2db: {  	v29 =	vadd.f32 v29, v20;
	v2 =	vadd.f32 v2, v22;
	v43 =	vbroadcast v62, $0xF  }
0x2dc: {  	[tilespmem:s17+$0x85D0] =	vst v51;
	v49 =	vadd.f32 v54, v16;
	v1 =	vsub.f32 $1.500000000e+00, v1;
	v62 =	vbroadcast v61, $0xF  }
0x2dd: {  	[tilespmem:s17+$0x85E0] =	vst v39;
	v54 =	vadd.f32 v59, v17;
	v63 =	vshra.s32 v43, $0x1;
	v43 =	vmul.f32 $5.000000000e-01, v43  }
0x2de: {  	[tilespmem:s23+$0x85A0] =	vst v56;
	v1 =	vmul.f32 v1, v3;
	v40 =	vsub.f32 v40, v62;
	v31 =	vsub.s32 $0x5F3759DF, v63  }
0x2df: {  	[tilespmem:s23+$0x85B0] =	vst v57;
	v28 =	vsub.f32 v28, v62;
	v30 =	vsub.f32 v30, v62;
	v3 =	vmul.f32 v31, v43  }
0x2e0: {  	v27 =	vmul.f32 v27, v11;
	[tilespmem:s23+$0x85C0] =	vst v52;
	v32 =	vsub.f32 v32, v62;
	v33 =	vsub.f32 v33, v62  }
0x2e1: {  	[tilespmem:s4+$0x85F0] =	vst v36;
	v34 =	vsub.f32 v34, v62;
	v38 =	vsub.f32 v38, v62;
	v3 =	vmul.f32 v31, v3  }
0x2e2: {  	[tilespmem:s4+$0x8580] =	vst v26;
	v61 =	vbroadcast v60, $0xF;
	v63 =	vadd.f32 v53, v21;
	v53 =	vadd.f32 v55, v22  }
0x2e3: {  	[tilespmem:s4+$0x8590] =	vst v24;
	v55 =	vmul.f32 v35, v13;
	v40 =	vmul.f32 v1, v40;
	v3 =	vsub.f32 $1.500000000e+00, v3  }
0x2e4: {  	[tilespmem:s4+$0x85A0] =	vst v25;
	v37 =	vsub.f32 v37, v62;
	v28 =	vmul.f32 v1, v28;
	v30 =	vmul.f32 v1, v30  }
0x2e5: {  	[tilespmem:s4+$0x85E0] =	vst v2;
	v62 =	vadd.f32 v27, v19;
	v32 =	vmul.f32 v1, v32;
	v3 =	vmul.f32 v31, v3  }
0x2e6: {  	[tilespmem:s23+$0x8580] =	vst v49;
	v2 =	vsub.f32 v42, v61;
	v59 =	vmul.f32 v1, v33;
	v39 =	vmul.f32 v1, v38  }
0x2e7: {  	v58 =	vsub.f32 v47, v61;
	[tilespmem:s23+$0x85D0] =	vst v63;
	v63 =	vmul.f32 v1, v34;
	v57 =	vmul.f32 v3, v43  }
0x2e8: {  	[tilespmem:s23+$0x85E0] =	vst v53;
	v1 =	vmul.f32 v1, v37;
	v49 =	vadd.f32 v55, v21;
	v53 =	vsub.f32 v41, v61  }
0x2e9: {  	[tilespmem:s4+$0x85C0] =	vst v29;
	v55 =	vsub.f32 v45, v61;
	v40 =	vmul.f32 v40, v15;
	v36 =	vmul.f32 v57, v3  }
0x2ea: {  	[tilespmem:s23+$0x8590] =	vst v54;
	v30 =	vmul.f32 v30, v9;
	v26 =	vmul.f32 v59, v11;
	v59 =	vsub.f32 v48, v61  }
0x2eb: {  	[tilespmem:s4+$0x85B0] =	vst v62;
	v27 =	vmul.f32 v63, v12;
	v56 =	vadd.f32 v40, v23;
	v36 =	vsub.f32 $1.500000000e+00, v36  }
0x2ec: {  	[tilespmem:s4+$0x85D0] =	vst v49;
	v1 =	vmul.f32 v1, v14;
	v40 =	vmul.f32 v28, v8;
	v51 =	vadd.f32 v30, v17  }
0x2ed: {  	v26 =	vadd.f32 v26, v19;
	[tilespmem:s1+$0x85F0] =	vst v56;
	v43 =	vsub.f32 v50, v61;
	v3 =	vmul.f32 v36, v3  }
0x2ee: {  	v54 =	vmul.f32 v39, v13;
	v27 =	vadd.f32 v27, v20;
	v25 =	vadd.f32 v40, v16;
	[tilespmem:s1+$0x8590] =	vst v51  }
0x2ef: {  	v1 =	vadd.f32 v1, v22;
	[tilespmem:s1+$0x85B0] =	vst v26;
	v50 =	vmul.f32 v32, v10;
	v28 =	vmul.f32 v3, v43  }
0x2f0: {  	v56 =	vsub.f32 v44, v61;
	[tilespmem:s1+$0x8580] =	vst v25;
	v25 =	vadd.f32 v54, v21;
	v2 =	vmul.f32 v3, v2  }
0x2f1: {  	[tilespmem:s1+$0x85C0] =	vst v27;
	v52 =	vadd.f32 v50, v18;
	v30 =	vmul.f32 v3, v53;
	v28 =	vmul.f32 v28, v15  }
0x2f2: {  	[tilespmem:s1+$0x85E0] =	vst v1;
	v57 =	vsub.f32 v46, v61;
	v24 =	vmul.f32 v3, v56;
	v2 =	vmul.f32 v2, v8  }
0x2f3: {  	[tilespmem:s1+$0x85D0] =	vst v25;
	v31 =	vmul.f32 v3, v55;
	v60 =	vmul.f32 v30, v9;
	v28 =	vadd.f32 v28, v23  }
0x2f4: {  	[tilespmem:s1+$0x85A0] =	vst v52;
	v1 =	vmul.f32 v3, v59;
	v24 =	vmul.f32 v24, v11;
	v2 =	vadd.f32 v2, v16  }
0x2f5: {  	v61 =	vmul.f32 v3, v57;
	v62 =	vmul.f32 v31, v10;
	v26 =	vadd.f32 v60, v17;
	[tilespmem:s12+$0x85F0] =	vst v28  }
0x2f6: {  	v63 =	vmul.f32 v3, v58;
	v1 =	vmul.f32 v1, v14;
	v24 =	vadd.f32 v24, v19;
	[tilespmem:s12+$0x8580] =	vst v2  }
0x2f7: {  	v3 =	vmul.f32 v61, v12;
	v2 =	vadd.f32 v62, v18;
	[tilespmem:s12+$0x8590] =	vst v26  }
0x2f8: {  	v25 =	vmul.f32 v63, v13;
	v1 =	vadd.f32 v1, v22;
	[tilespmem:s12+$0x85B0] =	vst v24  }
0x2f9: {  	[tilespmem:s12+$0x85A0] =	vst v2;
	v2 =	vadd.f32 v3, v20  }
0x2fa: {  	[tilespmem:s12+$0x85E0] =	vst v1;
	v3 =	vadd.f32 v25, v21  }
0x2fb: {  	s17 =	sshll.u32 s18, $0xB;
	[tilespmem:s12+$0x85C0] =	vst v2  }
0x2fc: {  	s20 =	simm.s32 $0x8580;
	s18 =	smin.u32 s8, $0x7A;
	s1 =	sadd.s32 s17, s16;
	[tilespmem:s12+$0x85D0] =	vst v3  }
0x2fd: {  	[hbm4b:s1+s5] =	stream.linear.scatter [tilespmem:s20], [sflag:$0xF], $0x4000, $0x38;
	[tilespmem:$0xF580] =	vst v63  }
0x2fe: {  	s10 =	sadd.s32 $0x1, s10;
	s1 =	sshll.u32 s18, $0x7;
	s4 =	rddreg [dreg:$0x10]  }
0x2ff: {  	p1 =	sne.s32 s10, $0x2B;
	s1 =	sadd.s32 s1, s4  }
.Ltmp3:
0x300: {  	s1 =	sshrl.u32 s1, $0x3;
	(pc) =	sbr.rel @p1 .LBB2_2-.Ltmp3, $4  }
0x301: {  	s12 =	simm.s32 $0x200;
	s23 =	sadd.s32 s6, s1  }
0x302: {  	[tilespmem:s12], [sflag:$0x3] =	stream.linear.gather [hbm4b:s23+s5], $0x80, $0x38;
	[tilespmem:$0xF580] =	vst v63  }
0x303: {  	s28 =	simm.s32 $0x380;
	s1 =	sadd.s32 s7, s1  }
0x304: {  	[tilespmem:s28], [sflag:$0x6] =	stream.linear.gather [hbm4b:s1+s5], $0x80, $0x38;
	[tilespmem:$0xF580] =	vst v63  }
0x305: {  	s1 =	simm.s32 $0xF  }
0x306: {  	_ =	swait.ge [sflag:s1], $0x4000  }
0x307: {  	[sflag:s1] =	ssyncset.done $0x0  }
0x308: {  	[sflag:s1] =	ssyncadd.s32 $0xFFFFC000  }
0x309: {  	_ =	swait.ge [sflag:s19], $0x4000  }
0x30a: {  	[sflag:s19] =	ssyncset.done $0x0  }
0x30b: {  	[sflag:s19] =	ssyncadd.s32 $0xFFFFC000  }
0x30c: {  	_ =	swait.ge [sflag:s14], $0x4000  }
0x30d: {  	[sflag:s14] =	ssyncset.done $0x0  }
0x30e: {  	[sflag:s14] =	ssyncadd.s32 $0xFFFFC000  }
0x30f: {  	_ =	swait.ge [sflag:s11], $0x80  }
0x310: {  	[sflag:s11] =	ssyncset.done $0x0  }
0x311: {  	[sflag:s11] =	ssyncadd.s32 $0xFFFFFF80  }
0x312: {  	_ =	swait.ge [sflag:s13], $0x80  }
0x313: {  	[sflag:s13] =	ssyncset.done $0x0  }
0x314: {  	[sflag:s13] =	ssyncadd.s32 $0xFFFFFF80  }
0x315: {  	_ =	swait.ge [sflag:s21], $0x80  }
0x316: {  	s4 =	rddreg [dreg:$0x13]  }
0x317: {  	s28 =	rddreg [dreg:$0x11];
	s4 =	sadd.s32 $0x1, s4  }
0x318: {  	p1 =	sne.s32 s4, s28  }
.Ltmp4:
0x319: {  	_ = 	snop;
	(pc) =	sbr.rel @p1 .LBB2_1-.Ltmp4, $3  }
0x31a: {  	_ =	sdelay $0x1  }
0x31b: {  	[sflag:s21] =	ssyncset.done $0x0  }
0x31c: {  	[sflag:s21] =	ssyncadd.s32 $0xFFFFFF80  }
0x31d: {  	_ =	sfence.sel $0x180000  }
0x31e: {  	[bflag:$0x0] =	sbarrier.arrive $0xFFFF  }
0x31f: {  	_ =	strace $0x90000047  }
0x320: {  	[bflag:$0x2] =	sbarrier.arrive $0xFFFF  }
0x321: {  	s0 =	rddreg [dreg:$0x6]  }
0x322: {  	s0 =	sadd.s32 @!p0 $0x100000, s0  }
0x323: {  	[sflag:s0] =	ssyncadd.tile.s32 @!p0 $0x1;
	_ =	shalt  }
.Lfunc_end2:
_tile_overlayer_lowered:
.L_overlay_start_2:
0x324: {  	(tag) =	ssettag $0x2  }
0x325: {  	s0 =	rddreg [dreg:$0x0];
	s2 =	stileid.u32  }
0x326: {  	s1 =	rddreg [dreg:$0x1];
	p0 =	sne.s32 s2, $0x0  }
0x327: {  	s3 =	rddreg [dreg:$0x2];
	[bflag:$0x3] =	sbarrier.arrive $0xFFFF;
	s2 =	simm.s32 @!p0 $0x1C10  }
0x328: {  	[timem:s3], [sflag:s2] =	dma.local @!p0 [hbm:s0], s1  }
0x329: {  	s0 =	simm.s32 @!p0 $0x10  }
0x32a: {  	_ =	swait.ge @!p0 [sflag:s0], s1  }
0x32b: {  	s1 =	ssub.s32 @!p0 $0x0, s1;
	[sflag:s0] =	ssyncset.done @!p0 $0x0  }
0x32c: {  	[sflag:s0] =	ssyncadd.s32 @!p0 s1  }
0x32d: {  	[bflag:$0x3] =	sbarrier.arrive $0xFFFF  }
0x32e: {  	_ =	shalt  }

</sc_bundles>
